<compile_context>
chip_gen: v7x
topology: tpu7x:2x2x1
jax: 0.10.2.dev20260603
libtpu: 0.0.44.dev20260713+nightly
codegen_flags: <defaults>
</compile_context>

<pallas_src>
import functools

import jax
import jax.numpy as jnp
from jax import lax
from jax.experimental import pallas as pl
from jax.experimental.pallas import tpu as pltpu
from jax.experimental.pallas import tpu_sc as plsc

N = 10000
E = 320000
D = 128
D_E = 16

NC = 2
NS = 16
NW = NC * NS

CHUNK = 128
ACC_ROWS = 10240
ROWS_PER_TILE = ACC_ROWS // NS

MM_BLK = 1000


def _mm_body(h_ref, aw_ref, ab_ref, bw_ref, bb_ref, ah_ref, bh_ref):
    hb = h_ref[...]
    ah_ref[...] = jnp.dot(hb, aw_ref[...],
                          preferred_element_type=jnp.float32) + ab_ref[...]
    bh_ref[...] = jnp.dot(hb, bw_ref[...],
                          preferred_element_type=jnp.float32) + bb_ref[...]


def _matmuls(h, A_W, A_b2, B_W, B_b2):
    grid = (N // MM_BLK,)
    full = pl.BlockSpec((D, D), lambda i: (0, 0))
    vec = pl.BlockSpec((1, D), lambda i: (0, 0))
    blk = pl.BlockSpec((MM_BLK, D), lambda i: (i, 0))
    return pl.pallas_call(
        _mm_body,
        grid=grid,
        in_specs=[blk, full, vec, full, vec],
        out_specs=[blk, blk],
        out_shape=[jax.ShapeDtypeStruct((N, D), jnp.float32)] * 2,
    )(h, A_W, A_b2, B_W, B_b2)


NB = 2
NID = 4
NCHUNKS = E // CHUNK
WCH = 80
LASTW = NCHUNKS - (NW - 1) * WCH


def _sc_body(bh, ei, out, sidx, didx, rows, acc, gsem, ssem, isem):
    c = lax.axis_index("c")
    s = lax.axis_index("s")
    wid = c * NS + s

    def _zb(i, _):
        rows[0, i // 8, pl.ds((i % 8) * 16, 16)] = jnp.zeros((16,),
                                                             jnp.float32)
        return _
    lax.fori_loop(0, CHUNK * 8, _zb, None)

    def _z(j, _):
        pltpu.sync_copy(rows.at[0],
                        acc.at[pl.ds(s * ROWS_PER_TILE + j * CHUNK, CHUNK)])
        return _
    lax.fori_loop(0, ROWS_PER_TILE // CHUNK, _z, None)

    plsc.subcore_barrier()

    base = wid * WCH
    ncw = jnp.where(wid == NW - 1, LASTW, WCH)

    def _issue_idx(kk, sl):
        off = (base + kk) * CHUNK
        pltpu.async_copy(ei.at[0, pl.ds(off, CHUNK)], sidx.at[sl],
                         isem.at[sl])
        pltpu.async_copy(ei.at[1, pl.ds(off, CHUNK)], didx.at[sl],
                         isem.at[sl])

    def _wait_idx(kk, sl):
        off = (base + kk) * CHUNK
        pltpu.make_async_copy(ei.at[0, pl.ds(off, CHUNK)], sidx.at[sl],
                              isem.at[sl]).wait()
        pltpu.make_async_copy(ei.at[1, pl.ds(off, CHUNK)], didx.at[sl],
                              isem.at[sl]).wait()

    for t in range(3):
        _issue_idx(t, t)
    _wait_idx(0, 0)
    pltpu.async_copy(bh.at[sidx.at[0]], rows.at[0], gsem.at[0])

    def _edge(j, _):
        for b in range(NID):
            kk = j * NID + b
            r = b % NB
            rn = (b + 1) % NB
            sl_n = (b + 1) % NID
            sl_i = (b + 3) % NID
            pltpu.make_async_copy(bh.at[sidx.at[b]], rows.at[r],
                                  gsem.at[r]).wait()
            pltpu.async_copy(rows.at[r], acc.at[didx.at[b]], ssem.at[r],
                             add=True)

            @pl.when((kk >= 1) & (kk + 1 < ncw))
            def _():
                pltpu.make_async_copy(rows.at[rn], acc.at[didx.at[b]],
                                      ssem.at[rn]).wait()

            @pl.when(kk + 3 < ncw)
            def _():
                _issue_idx(kk + 3, sl_i)

            @pl.when(kk + 1 < ncw)
            def _():
                _wait_idx(kk + 1, sl_n)
                pltpu.async_copy(bh.at[sidx.at[sl_n]], rows.at[rn],
                                 gsem.at[rn])
        return _
    lax.fori_loop(0, ncw // NID, _edge, None)

    for t in range(NB):
        pltpu.make_async_copy(rows.at[t], acc.at[didx.at[t]],
                              ssem.at[t]).wait()

    plsc.subcore_barrier()

    def _cp(j, _):
        r0 = s * ROWS_PER_TILE + j * CHUNK
        pltpu.sync_copy(acc.at[pl.ds(r0, CHUNK)], rows.at[0])
        pltpu.sync_copy(rows.at[0], out.at[c, pl.ds(r0, CHUNK)])
        return _
    lax.fori_loop(0, ROWS_PER_TILE // CHUNK, _cp, None)


def _sc_aggregate(bh, edge_index):
    mesh = plsc.VectorSubcoreMesh(core_axis_name="c", subcore_axis_name="s")
    fn = pl.kernel(
        _sc_body,
        mesh=mesh,
        scratch_types=[
            pltpu.VMEM((NID, CHUNK), jnp.int32),
            pltpu.VMEM((NID, CHUNK), jnp.int32),
            pltpu.VMEM((NB, CHUNK, D), jnp.float32),
            pltpu.VMEM_SHARED((ACC_ROWS, D), jnp.float32),
            pltpu.SemaphoreType.DMA((NB,)),
            pltpu.SemaphoreType.DMA((NB,)),
            pltpu.SemaphoreType.DMA((NID,)),
        ],
        out_type=jax.ShapeDtypeStruct((NC, ACC_ROWS, D), jnp.float32),
    )
    return fn(bh, edge_index)


def _final_body(h_ref, ah_ref, p_ref, g_ref, b_ref, out_ref):
    x = ah_ref[...] + p_ref[0, :N] + p_ref[1, :N]
    mean = jnp.mean(x, axis=0, keepdims=True)
    var = jnp.mean(x * x, axis=0, keepdims=True) - mean * mean
    xn = (x - mean) * (lax.rsqrt(var + 1e-5) * g_ref[...]) + b_ref[...]
    out_ref[...] = h_ref[...] + jnp.maximum(xn, 0.0)


def _finalize(h, ah, parts, gamma2, beta2):
    full = pl.BlockSpec((N, D), lambda: (0, 0))
    pblk = pl.BlockSpec((NC, ACC_ROWS, D), lambda: (0, 0, 0))
    vec = pl.BlockSpec((1, D), lambda: (0, 0))
    return pl.pallas_call(
        _final_body,
        in_specs=[full, full, pblk, vec, vec],
        out_specs=full,
        out_shape=jax.ShapeDtypeStruct((N, D), jnp.float32),
    )(h, ah, parts, gamma2, beta2)


@functools.partial(jax.jit)
def kernel(h, edge_index, e, A_W, A_b, B_W, B_b, gamma, beta):
    ah, bh = _matmuls(h, A_W, A_b.reshape(1, D), B_W, B_b.reshape(1, D))
    parts = _sc_aggregate(bh, edge_index)
    out = _finalize(h, ah, parts, gamma.reshape(1, D), beta.reshape(1, D))
    return (out, e)

# --- scband reference (transcript-rebuilt; emitter-appended) ---
"""Pipeline reference for scband-gated-gcnisotrophic-layer-69269232550022 (READ-ONLY COPY).

The authoritative reference and input builder live on the scoring server;
editing this copy changes nothing except your own understanding.
"""

import jax, jax.numpy as jnp
import numpy as np

N = 10000
E = 320000
D = 128
D_E = 16

def setup_inputs(seed: int = 0) -> dict:
    key = jax.random.key(seed)
    ks = jax.random.split(key, 10)
    h = jax.random.normal(ks[0], (N, D), dtype=jnp.float32)
    edge_index = jax.random.randint(ks[1], (2, E), 0, N, dtype=jnp.int32)
    e = jax.random.normal(ks[2], (E, D_E), dtype=jnp.float32)
    # learned params: A and B are single linear layers (n_mlp_layer=1, indim=outdim=128)
    A_W = jax.random.normal(ks[3], (D, D), dtype=jnp.float32) * 0.05
    A_b = jnp.zeros((D,), dtype=jnp.float32)
    B_W = jax.random.normal(ks[4], (D, D), dtype=jnp.float32) * 0.05
    B_b = jnp.zeros((D,), dtype=jnp.float32)
    gamma = jnp.ones((D,), dtype=jnp.float32)
    beta = jnp.zeros((D,), dtype=jnp.float32)
    return {"h": h, "edge_index": edge_index, "e": e, "A_W": A_W, "A_b": A_b, "B_W": B_W, "B_b": B_b, "gamma": gamma, "beta": beta}

def reference(h, edge_index, e, A_W, A_b, B_W, B_b, gamma, beta):
    h_in = h
    # A(h) and B(h): linear projections (MultiLinearLayer with num_layers=1)
    Ah = h @ A_W + A_b
    Bh = h @ B_W + B_b
    src = edge_index[0]
    dst = edge_index[1]
    # message: Bh_j from source nodes; reduce: sum over incoming edges per dst node
    msg = jnp.take(Bh, src, axis=0)
    agg = jax.ops.segment_sum(msg, dst, num_segments=N)
    h_new = Ah + agg
    # BatchNorm1d over nodes (training-mode batch statistics)
    mean = jnp.mean(h_new, axis=0)
    var = jnp.var(h_new, axis=0)
    h_new = (h_new - mean) / jnp.sqrt(var + 1e-5) * gamma + beta
    # activation
    h_new = jax.nn.relu(h_new)
    # residual (indim == outdim so residual stays enabled)
    h_new = h_in + h_new
    # dropout p=0.0 -> identity
    return (h_new, e)

if __name__ == "__main__":
    import jax
    _d = setup_inputs()
    print(jax.jit(kernel)(*tuple(_d.values())))

</pallas_src>

<mosaic_0001>
#map = affine_map<(d0, d1) -> (0, 0)>
#map1 = affine_map<(d0, d1) -> (0, 0, 0)>
module attributes {stable_mosaic.version = 14 : i64} {
  func.func @_sc_body(%arg0: i32, %arg1: i32, %arg2: memref<10000x128xf32, #tpu.memory_space<hbm>>, %arg3: memref<2x320000xi32, #tpu.memory_space<hbm>>, %arg4: memref<2x10240x128xf32, #tpu.memory_space<hbm>>, %arg5: memref<4x128xi32, #tpu.memory_space<vmem>>, %arg6: memref<4x128xi32, #tpu.memory_space<vmem>>, %arg7: memref<2x128x128xf32, #tpu.memory_space<vmem>>, %arg8: memref<10240x128xf32, #tpu.memory_space<vmem_shared>>, %arg9: memref<2x!tpu.dma_semaphore, #tpu.memory_space<semaphore_mem>>, %arg10: memref<2x!tpu.dma_semaphore, #tpu.memory_space<semaphore_mem>>, %arg11: memref<4x!tpu.dma_semaphore, #tpu.memory_space<semaphore_mem>>) attributes {dimension_semantics = [#tpu.dimension_semantics<core_parallel>, #tpu.dimension_semantics<subcore_parallel>], iteration_bounds = array<i64: 2, 16>, scalar_prefetch = 0 : i64, scratch_operands = 7 : i64, tpu.core_type = #tpu.core_type<sc_vector_subcore>, window_params = [{transform_indices = #map}, {transform_indices = #map}, {transform_indices = #map1}]} {
    %mul3A = arith.constant 16 : i32
    %mul3A_0 = arith.muli %arg0, %mul3A : i32
    %add3A = arith.addi %mul3A_0, %arg1 : i32
    %scan3A = arith.constant 0 : i32
    %scan3A_1 = arith.constant 1024 : i32
    %scan3A_2 = arith.addi %scan3A, %scan3A_1 : i32
    %scan3A_3 = arith.constant 1 : i32
    scf.for %scan3A_225 = %scan3A to %scan3A_2 step %scan3A_3  : i32 {
      %broadcast_in_dim3A = arith.constant 0.000000e+00 : f32
      %broadcast_in_dim3A_226 = vector.broadcast %broadcast_in_dim3A : f32 to vector<16xf32>
      %jit3A_227 = arith.constant 8 : i32
      %div3A_228 = arith.divsi %scan3A_225, %jit3A_227 : i32
      %sign3A_229 = arith.constant 0 : i32
      %sign3A_230 = arith.cmpi sgt, %scan3A_225, %sign3A_229 : i32
      %sign3A_231 = arith.extui %sign3A_230 : i1 to i32
      %sign3A_232 = arith.constant 0 : i32
      %sign3A_233 = arith.cmpi slt, %scan3A_225, %sign3A_232 : i32
      %sign3A_234 = arith.extui %sign3A_233 : i1 to i32
      %sign3A_235 = arith.subi %sign3A_231, %sign3A_234 : i32
      %sign3A_236 = arith.constant 0 : i32
      %sign3A_237 = arith.cmpi sgt, %jit3A_227, %sign3A_236 : i32
      %sign3A_238 = arith.extui %sign3A_237 : i1 to i32
      %sign3A_239 = arith.constant 0 : i32
      %sign3A_240 = arith.cmpi slt, %jit3A_227, %sign3A_239 : i32
      %sign3A_241 = arith.extui %sign3A_240 : i1 to i32
      %sign3A_242 = arith.subi %sign3A_238, %sign3A_241 : i32
      %ne3A_243 = arith.cmpi ne, %sign3A_235, %sign3A_242 : i32
      %rem3A_244 = arith.remsi %scan3A_225, %jit3A_227 : i32
      %ne3A_245 = arith.constant 0 : i32
      %ne3A_246 = arith.cmpi ne, %rem3A_244, %ne3A_245 : i32
      %and3A_247 = arith.andi %ne3A_243, %ne3A_246 : i1
      %sub3A_248 = arith.constant 1 : i32
      %sub3A_249 = arith.subi %div3A_228, %sub3A_248 : i32
      %select_n3A_250 = arith.select %and3A_247, %sub3A_249, %div3A_228 : i32
      %jit3A_251 = arith.constant 8 : i32
      %eq3A_252 = arith.constant 0 : i32
      %eq3A_253 = arith.cmpi eq, %jit3A_251, %eq3A_252 : i32
      %jit3A_254 = arith.constant 1 : i32
      %select_n3A_255 = arith.select %eq3A_253, %jit3A_254, %jit3A_251 : i32
      %rem3A_256 = arith.remsi %scan3A_225, %select_n3A_255 : i32
      %ne3A_257 = arith.constant 0 : i32
      %ne3A_258 = arith.cmpi ne, %rem3A_256, %ne3A_257 : i32
      %lt3A = arith.constant 0 : i32
      %lt3A_259 = arith.cmpi slt, %rem3A_256, %lt3A : i32
      %lt3A_260 = arith.constant 0 : i32
      %lt3A_261 = arith.cmpi slt, %select_n3A_255, %lt3A_260 : i32
      %ne3A_262 = arith.xori %lt3A_259, %lt3A_261 : i1
      %and3A_263 = arith.andi %ne3A_262, %ne3A_258 : i1
      %add3A_264 = arith.addi %rem3A_256, %select_n3A_255 : i32
      %select_n3A_265 = arith.select %and3A_263, %add3A_264, %rem3A_256 : i32
      %mul3A_266 = arith.constant 16 : i32
      %mul3A_267 = arith.muli %select_n3A_265, %mul3A_266 : i32
      %swap3A = arith.constant 0 : i32
      %swap3A_268 = arith.index_cast %swap3A : i32 to index
      %swap3A_269 = arith.index_cast %select_n3A_250 : i32 to index
      %swap3A_270 = arith.index_cast %mul3A_267 : i32 to index
      %swap3A_271 = tpu.vector_load %arg7[%swap3A_268, %swap3A_269, %swap3A_270] {strides = array<i32>} : memref<2x128x128xf32, #tpu.memory_space<vmem>>, vector<1x1x16xf32>,
      %swap3A_272 = vector.shape_cast %swap3A_271 : vector<1x1x16xf32> to vector<16xf32>
      %swap3A_273 = vector.shape_cast %broadcast_in_dim3A_226 : vector<16xf32> to vector<1x1x16xf32>
      tpu.vector_store %arg7[%swap3A_268, %swap3A_269, %swap3A_270], %swap3A_273 {strides = array<i32>} : memref<2x128x128xf32, #tpu.memory_space<vmem>>, vector<1x1x16xf32>,
    }
    %scan3A_4 = arith.constant 1024 : i32
    %scan3A_5 = arith.constant 0 : i32
    %scan3A_6 = arith.constant 5 : i32
    %scan3A_7 = arith.addi %scan3A_5, %scan3A_6 : i32
    %scan3A_8 = arith.constant 1 : i32
    scf.for %scan3A_225 = %scan3A_5 to %scan3A_7 step %scan3A_8  : i32 {
      %mul3A_226 = arith.constant 640 : i32
      %mul3A_227 = arith.muli %arg1, %mul3A_226 : i32
      %mul3A_228 = arith.constant 128 : i32
      %mul3A_229 = arith.muli %scan3A_225, %mul3A_228 : i32
      %add3A_230 = arith.addi %mul3A_227, %mul3A_229 : i32
      %run_scoped3A = arith.constant 0 : i32
      "tpu.region"() ({
        %run_scoped3A_231 = tpu.sem_alloc : memref<!tpu.dma_semaphore, #tpu.memory_space<semaphore_mem>>
        %dma_start3A_232 = arith.constant 0 : i32
        %dma_start3A_233 = arith.constant 0 : i32
        %dma_start3A_234 = tpu.memref_slice %arg7[%run_scoped3A, %dma_start3A_232, %dma_start3A_233] : memref<2x128x128xf32, #tpu.memory_space<vmem>> -> memref<1x128x128xf32, #tpu.memory_space<vmem>>
        %dma_start3A_235 = tpu.memref_squeeze %dma_start3A_234 : memref<1x128x128xf32, #tpu.memory_space<vmem>> -> memref<128x128xf32, #tpu.memory_space<vmem>>
        %dma_start3A_236 = arith.constant 0 : i32
        %dma_start3A_237 = tpu.memref_slice %arg8[%add3A_230, %dma_start3A_236] : memref<10240x128xf32, #tpu.memory_space<vmem_shared>> -> memref<128x128xf32, #tpu.memory_space<vmem_shared>>
        %dma_start3A_238 = arith.constant 0 : i32
        %dma_start3A_239 = tpu.memref_slice %arg8[%add3A_230, %dma_start3A_238] : memref<10240x128xf32, #tpu.memory_space<vmem_shared>> -> memref<128x128xf32, #tpu.memory_space<vmem_shared>>
        %dma_start3A_240 = arith.constant 0 : i32
        %dma_start3A_241 = arith.constant 0 : i32
        %dma_start3A_242 = tpu.memref_slice %arg7[%run_scoped3A, %dma_start3A_240, %dma_start3A_241] : memref<2x128x128xf32, #tpu.memory_space<vmem>> -> memref<1x128x128xf32, #tpu.memory_space<vmem>>
        %dma_start3A_243 = tpu.memref_squeeze %dma_start3A_242 : memref<1x128x128xf32, #tpu.memory_space<vmem>> -> memref<128x128xf32, #tpu.memory_space<vmem>>
        tpu.enqueue_dma source(%dma_start3A_243 : memref<128x128xf32, #tpu.memory_space<vmem>>) target(%dma_start3A_239 : memref<128x128xf32, #tpu.memory_space<vmem_shared>>) target_semaphore(%run_scoped3A_231 : memref<!tpu.dma_semaphore, #tpu.memory_space<semaphore_mem>>)
        %dma_wait3A_244 = arith.constant 0 : i32
        %dma_wait3A_245 = arith.constant 0 : i32
        %dma_wait3A_246 = tpu.memref_slice %arg7[%run_scoped3A, %dma_wait3A_244, %dma_wait3A_245] : memref<2x128x128xf32, #tpu.memory_space<vmem>> -> memref<1x128x128xf32, #tpu.memory_space<vmem>>
        %dma_wait3A_247 = tpu.memref_squeeze %dma_wait3A_246 : memref<1x128x128xf32, #tpu.memory_space<vmem>> -> memref<128x128xf32, #tpu.memory_space<vmem>>
        %dma_wait3A_248 = arith.constant 0 : i32
        %dma_wait3A_249 = tpu.memref_slice %arg8[%add3A_230, %dma_wait3A_248] : memref<10240x128xf32, #tpu.memory_space<vmem_shared>> -> memref<128x128xf32, #tpu.memory_space<vmem_shared>>
        %dma_wait3A_250 = arith.constant 0 : i32
        %dma_wait3A_251 = tpu.memref_slice %arg8[%add3A_230, %dma_wait3A_250] : memref<10240x128xf32, #tpu.memory_space<vmem_shared>> -> memref<128x128xf32, #tpu.memory_space<vmem_shared>>
        %dma_wait3A_252 = arith.constant 0 : i32
        %dma_wait3A_253 = arith.constant 0 : i32
        %dma_wait3A_254 = tpu.memref_slice %arg7[%run_scoped3A, %dma_wait3A_252, %dma_wait3A_253] : memref<2x128x128xf32, #tpu.memory_space<vmem>> -> memref<1x128x128xf32, #tpu.memory_space<vmem>>
        %dma_wait3A_255 = tpu.memref_squeeze %dma_wait3A_254 : memref<1x128x128xf32, #tpu.memory_space<vmem>> -> memref<128x128xf32, #tpu.memory_space<vmem>>
        tpu.wait_dma2 semaphore(%run_scoped3A_231 : memref<!tpu.dma_semaphore, #tpu.memory_space<semaphore_mem>>) src(%dma_wait3A_255 : memref<128x128xf32, #tpu.memory_space<vmem>>) dst(%dma_wait3A_251 : memref<128x128xf32, #tpu.memory_space<vmem_shared>>)
        tpu.yield
      }) : () -> ()
    }
    %scan3A_9 = arith.constant 5 : i32
    %barrier3A = arith.constant 0 : index
    tpu.barrier barrier_id(%barrier3A)
    %mul3A_10 = arith.constant 80 : i32
    %mul3A_11 = arith.muli %add3A, %mul3A_10 : i32
    %eq3A = arith.constant 31 : i32
    %eq3A_12 = arith.cmpi eq, %add3A, %eq3A : i32
    %jit3A = arith.constant 20 : i32
    %jit3A_13 = arith.constant 80 : i32
    %select_n3A = arith.select %eq3A_12, %jit3A, %jit3A_13 : i32
    %add3A_14 = arith.constant 0 : i32
    %add3A_15 = arith.addi %mul3A_11, %add3A_14 : i32
    %mul3A_16 = arith.constant 128 : i32
    %mul3A_17 = arith.muli %add3A_15, %mul3A_16 : i32
    %dma_start3A = arith.constant 0 : i32
    %dma_start3A_18 = arith.constant 0 : i32
    %dma_start3A_19 = arith.constant 0 : i32
    %dma_start3A_20 = arith.constant 0 : i32
    %dma_start3A_21 = tpu.memref_slice %arg5[%dma_start3A_18, %dma_start3A_20] : memref<4x128xi32, #tpu.memory_space<vmem>> -> memref<1x128xi32, #tpu.memory_space<vmem>>
    %dma_start3A_22 = tpu.memref_squeeze %dma_start3A_21 : memref<1x128xi32, #tpu.memory_space<vmem>> -> memref<128xi32, #tpu.memory_space<vmem>>
    %dma_start3A_23 = tpu.memref_slice %arg3[%dma_start3A, %mul3A_17] : memref<2x320000xi32, #tpu.memory_space<hbm>> -> memref<1x128xi32, #tpu.memory_space<hbm>>
    %dma_start3A_24 = tpu.memref_squeeze %dma_start3A_23 : memref<1x128xi32, #tpu.memory_space<hbm>> -> memref<128xi32, #tpu.memory_space<hbm>>
    %dma_start3A_25 = tpu.memref_slice %arg11[%dma_start3A_19] : memref<4x!tpu.dma_semaphore, #tpu.memory_space<semaphore_mem>> -> memref<1x!tpu.dma_semaphore, #tpu.memory_space<semaphore_mem>>
    %dma_start3A_26 = tpu.memref_squeeze %dma_start3A_25 : memref<1x!tpu.dma_semaphore, #tpu.memory_space<semaphore_mem>> -> memref<!tpu.dma_semaphore, #tpu.memory_space<semaphore_mem>>
    %dma_start3A_27 = arith.constant 0 : i32
    %dma_start3A_28 = tpu.memref_slice %arg5[%dma_start3A_18, %dma_start3A_27] : memref<4x128xi32, #tpu.memory_space<vmem>> -> memref<1x128xi32, #tpu.memory_space<vmem>>
    %dma_start3A_29 = tpu.memref_squeeze %dma_start3A_28 : memref<1x128xi32, #tpu.memory_space<vmem>> -> memref<128xi32, #tpu.memory_space<vmem>>
    %dma_start3A_30 = tpu.memref_slice %arg3[%dma_start3A, %mul3A_17] : memref<2x320000xi32, #tpu.memory_space<hbm>> -> memref<1x128xi32, #tpu.memory_space<hbm>>
    %dma_start3A_31 = tpu.memref_squeeze %dma_start3A_30 : memref<1x128xi32, #tpu.memory_space<hbm>> -> memref<128xi32, #tpu.memory_space<hbm>>
    tpu.enqueue_dma source(%dma_start3A_31 : memref<128xi32, #tpu.memory_space<hbm>>) target(%dma_start3A_29 : memref<128xi32, #tpu.memory_space<vmem>>) target_semaphore(%dma_start3A_26 : memref<!tpu.dma_semaphore, #tpu.memory_space<semaphore_mem>>)
    %dma_start3A_32 = arith.constant 1 : i32
    %dma_start3A_33 = arith.constant 0 : i32
    %dma_start3A_34 = arith.constant 0 : i32
    %dma_start3A_35 = arith.constant 0 : i32
    %dma_start3A_36 = tpu.memref_slice %arg6[%dma_start3A_33, %dma_start3A_35] : memref<4x128xi32, #tpu.memory_space<vmem>> -> memref<1x128xi32, #tpu.memory_space<vmem>>
    %dma_start3A_37 = tpu.memref_squeeze %dma_start3A_36 : memref<1x128xi32, #tpu.memory_space<vmem>> -> memref<128xi32, #tpu.memory_space<vmem>>
    %dma_start3A_38 = tpu.memref_slice %arg3[%dma_start3A_32, %mul3A_17] : memref<2x320000xi32, #tpu.memory_space<hbm>> -> memref<1x128xi32, #tpu.memory_space<hbm>>
    %dma_start3A_39 = tpu.memref_squeeze %dma_start3A_38 : memref<1x128xi32, #tpu.memory_space<hbm>> -> memref<128xi32, #tpu.memory_space<hbm>>
    %dma_start3A_40 = tpu.memref_slice %arg11[%dma_start3A_34] : memref<4x!tpu.dma_semaphore, #tpu.memory_space<semaphore_mem>> -> memref<1x!tpu.dma_semaphore, #tpu.memory_space<semaphore_mem>>
    %dma_start3A_41 = tpu.memref_squeeze %dma_start3A_40 : memref<1x!tpu.dma_semaphore, #tpu.memory_space<semaphore_mem>> -> memref<!tpu.dma_semaphore, #tpu.memory_space<semaphore_mem>>
    %dma_start3A_42 = arith.constant 0 : i32
    %dma_start3A_43 = tpu.memref_slice %arg6[%dma_start3A_33, %dma_start3A_42] : memref<4x128xi32, #tpu.memory_space<vmem>> -> memref<1x128xi32, #tpu.memory_space<vmem>>
    %dma_start3A_44 = tpu.memref_squeeze %dma_start3A_43 : memref<1x128xi32, #tpu.memory_space<vmem>> -> memref<128xi32, #tpu.memory_space<vmem>>
    %dma_start3A_45 = tpu.memref_slice %arg3[%dma_start3A_32, %mul3A_17] : memref<2x320000xi32, #tpu.memory_space<hbm>> -> memref<1x128xi32, #tpu.memory_space<hbm>>
    %dma_start3A_46 = tpu.memref_squeeze %dma_start3A_45 : memref<1x128xi32, #tpu.memory_space<hbm>> -> memref<128xi32, #tpu.memory_space<hbm>>
    tpu.enqueue_dma source(%dma_start3A_46 : memref<128xi32, #tpu.memory_space<hbm>>) target(%dma_start3A_44 : memref<128xi32, #tpu.memory_space<vmem>>) target_semaphore(%dma_start3A_41 : memref<!tpu.dma_semaphore, #tpu.memory_space<semaphore_mem>>)
    %add3A_47 = arith.constant 1 : i32
    %add3A_48 = arith.addi %mul3A_11, %add3A_47 : i32
    %mul3A_49 = arith.constant 128 : i32
    %mul3A_50 = arith.muli %add3A_48, %mul3A_49 : i32
    %dma_start3A_51 = arith.constant 0 : i32
    %dma_start3A_52 = arith.constant 1 : i32
    %dma_start3A_53 = arith.constant 1 : i32
    %dma_start3A_54 = arith.constant 0 : i32
    %dma_start3A_55 = tpu.memref_slice %arg5[%dma_start3A_52, %dma_start3A_54] : memref<4x128xi32, #tpu.memory_space<vmem>> -> memref<1x128xi32, #tpu.memory_space<vmem>>
    %dma_start3A_56 = tpu.memref_squeeze %dma_start3A_55 : memref<1x128xi32, #tpu.memory_space<vmem>> -> memref<128xi32, #tpu.memory_space<vmem>>
    %dma_start3A_57 = tpu.memref_slice %arg3[%dma_start3A_51, %mul3A_50] : memref<2x320000xi32, #tpu.memory_space<hbm>> -> memref<1x128xi32, #tpu.memory_space<hbm>>
    %dma_start3A_58 = tpu.memref_squeeze %dma_start3A_57 : memref<1x128xi32, #tpu.memory_space<hbm>> -> memref<128xi32, #tpu.memory_space<hbm>>
    %dma_start3A_59 = tpu.memref_slice %arg11[%dma_start3A_53] : memref<4x!tpu.dma_semaphore, #tpu.memory_space<semaphore_mem>> -> memref<1x!tpu.dma_semaphore, #tpu.memory_space<semaphore_mem>>
    %dma_start3A_60 = tpu.memref_squeeze %dma_start3A_59 : memref<1x!tpu.dma_semaphore, #tpu.memory_space<semaphore_mem>> -> memref<!tpu.dma_semaphore, #tpu.memory_space<semaphore_mem>>
    %dma_start3A_61 = arith.constant 0 : i32
    %dma_start3A_62 = tpu.memref_slice %arg5[%dma_start3A_52, %dma_start3A_61] : memref<4x128xi32, #tpu.memory_space<vmem>> -> memref<1x128xi32, #tpu.memory_space<vmem>>
    %dma_start3A_63 = tpu.memref_squeeze %dma_start3A_62 : memref<1x128xi32, #tpu.memory_space<vmem>> -> memref<128xi32, #tpu.memory_space<vmem>>
    %dma_start3A_64 = tpu.memref_slice %arg3[%dma_start3A_51, %mul3A_50] : memref<2x320000xi32, #tpu.memory_space<hbm>> -> memref<1x128xi32, #tpu.memory_space<hbm>>
    %dma_start3A_65 = tpu.memref_squeeze %dma_start3A_64 : memref<1x128xi32, #tpu.memory_space<hbm>> -> memref<128xi32, #tpu.memory_space<hbm>>
    tpu.enqueue_dma source(%dma_start3A_65 : memref<128xi32, #tpu.memory_space<hbm>>) target(%dma_start3A_63 : memref<128xi32, #tpu.memory_space<vmem>>) target_semaphore(%dma_start3A_60 : memref<!tpu.dma_semaphore, #tpu.memory_space<semaphore_mem>>)
    %dma_start3A_66 = arith.constant 1 : i32
    %dma_start3A_67 = arith.constant 1 : i32
    %dma_start3A_68 = arith.constant 1 : i32
    %dma_start3A_69 = arith.constant 0 : i32
    %dma_start3A_70 = tpu.memref_slice %arg6[%dma_start3A_67, %dma_start3A_69] : memref<4x128xi32, #tpu.memory_space<vmem>> -> memref<1x128xi32, #tpu.memory_space<vmem>>
    %dma_start3A_71 = tpu.memref_squeeze %dma_start3A_70 : memref<1x128xi32, #tpu.memory_space<vmem>> -> memref<128xi32, #tpu.memory_space<vmem>>
    %dma_start3A_72 = tpu.memref_slice %arg3[%dma_start3A_66, %mul3A_50] : memref<2x320000xi32, #tpu.memory_space<hbm>> -> memref<1x128xi32, #tpu.memory_space<hbm>>
    %dma_start3A_73 = tpu.memref_squeeze %dma_start3A_72 : memref<1x128xi32, #tpu.memory_space<hbm>> -> memref<128xi32, #tpu.memory_space<hbm>>
    %dma_start3A_74 = tpu.memref_slice %arg11[%dma_start3A_68] : memref<4x!tpu.dma_semaphore, #tpu.memory_space<semaphore_mem>> -> memref<1x!tpu.dma_semaphore, #tpu.memory_space<semaphore_mem>>
    %dma_start3A_75 = tpu.memref_squeeze %dma_start3A_74 : memref<1x!tpu.dma_semaphore, #tpu.memory_space<semaphore_mem>> -> memref<!tpu.dma_semaphore, #tpu.memory_space<semaphore_mem>>
    %dma_start3A_76 = arith.constant 0 : i32
    %dma_start3A_77 = tpu.memref_slice %arg6[%dma_start3A_67, %dma_start3A_76] : memref<4x128xi32, #tpu.memory_space<vmem>> -> memref<1x128xi32, #tpu.memory_space<vmem>>
    %dma_start3A_78 = tpu.memref_squeeze %dma_start3A_77 : memref<1x128xi32, #tpu.memory_space<vmem>> -> memref<128xi32, #tpu.memory_space<vmem>>
    %dma_start3A_79 = tpu.memref_slice %arg3[%dma_start3A_66, %mul3A_50] : memref<2x320000xi32, #tpu.memory_space<hbm>> -> memref<1x128xi32, #tpu.memory_space<hbm>>
    %dma_start3A_80 = tpu.memref_squeeze %dma_start3A_79 : memref<1x128xi32, #tpu.memory_space<hbm>> -> memref<128xi32, #tpu.memory_space<hbm>>
    tpu.enqueue_dma source(%dma_start3A_80 : memref<128xi32, #tpu.memory_space<hbm>>) target(%dma_start3A_78 : memref<128xi32, #tpu.memory_space<vmem>>) target_semaphore(%dma_start3A_75 : memref<!tpu.dma_semaphore, #tpu.memory_space<semaphore_mem>>)
    %add3A_81 = arith.constant 2 : i32
    %add3A_82 = arith.addi %mul3A_11, %add3A_81 : i32
    %mul3A_83 = arith.constant 128 : i32
    %mul3A_84 = arith.muli %add3A_82, %mul3A_83 : i32
    %dma_start3A_85 = arith.constant 0 : i32
    %dma_start3A_86 = arith.constant 2 : i32
    %dma_start3A_87 = arith.constant 2 : i32
    %dma_start3A_88 = arith.constant 0 : i32
    %dma_start3A_89 = tpu.memref_slice %arg5[%dma_start3A_86, %dma_start3A_88] : memref<4x128xi32, #tpu.memory_space<vmem>> -> memref<1x128xi32, #tpu.memory_space<vmem>>
    %dma_start3A_90 = tpu.memref_squeeze %dma_start3A_89 : memref<1x128xi32, #tpu.memory_space<vmem>> -> memref<128xi32, #tpu.memory_space<vmem>>
    %dma_start3A_91 = tpu.memref_slice %arg3[%dma_start3A_85, %mul3A_84] : memref<2x320000xi32, #tpu.memory_space<hbm>> -> memref<1x128xi32, #tpu.memory_space<hbm>>
    %dma_start3A_92 = tpu.memref_squeeze %dma_start3A_91 : memref<1x128xi32, #tpu.memory_space<hbm>> -> memref<128xi32, #tpu.memory_space<hbm>>
    %dma_start3A_93 = tpu.memref_slice %arg11[%dma_start3A_87] : memref<4x!tpu.dma_semaphore, #tpu.memory_space<semaphore_mem>> -> memref<1x!tpu.dma_semaphore, #tpu.memory_space<semaphore_mem>>
    %dma_start3A_94 = tpu.memref_squeeze %dma_start3A_93 : memref<1x!tpu.dma_semaphore, #tpu.memory_space<semaphore_mem>> -> memref<!tpu.dma_semaphore, #tpu.memory_space<semaphore_mem>>
    %dma_start3A_95 = arith.constant 0 : i32
    %dma_start3A_96 = tpu.memref_slice %arg5[%dma_start3A_86, %dma_start3A_95] : memref<4x128xi32, #tpu.memory_space<vmem>> -> memref<1x128xi32, #tpu.memory_space<vmem>>
    %dma_start3A_97 = tpu.memref_squeeze %dma_start3A_96 : memref<1x128xi32, #tpu.memory_space<vmem>> -> memref<128xi32, #tpu.memory_space<vmem>>
    %dma_start3A_98 = tpu.memref_slice %arg3[%dma_start3A_85, %mul3A_84] : memref<2x320000xi32, #tpu.memory_space<hbm>> -> memref<1x128xi32, #tpu.memory_space<hbm>>
    %dma_start3A_99 = tpu.memref_squeeze %dma_start3A_98 : memref<1x128xi32, #tpu.memory_space<hbm>> -> memref<128xi32, #tpu.memory_space<hbm>>
    tpu.enqueue_dma source(%dma_start3A_99 : memref<128xi32, #tpu.memory_space<hbm>>) target(%dma_start3A_97 : memref<128xi32, #tpu.memory_space<vmem>>) target_semaphore(%dma_start3A_94 : memref<!tpu.dma_semaphore, #tpu.memory_space<semaphore_mem>>)
    %dma_start3A_100 = arith.constant 1 : i32
    %dma_start3A_101 = arith.constant 2 : i32
    %dma_start3A_102 = arith.constant 2 : i32
    %dma_start3A_103 = arith.constant 0 : i32
    %dma_start3A_104 = tpu.memref_slice %arg6[%dma_start3A_101, %dma_start3A_103] : memref<4x128xi32, #tpu.memory_space<vmem>> -> memref<1x128xi32, #tpu.memory_space<vmem>>
    %dma_start3A_105 = tpu.memref_squeeze %dma_start3A_104 : memref<1x128xi32, #tpu.memory_space<vmem>> -> memref<128xi32, #tpu.memory_space<vmem>>
    %dma_start3A_106 = tpu.memref_slice %arg3[%dma_start3A_100, %mul3A_84] : memref<2x320000xi32, #tpu.memory_space<hbm>> -> memref<1x128xi32, #tpu.memory_space<hbm>>
    %dma_start3A_107 = tpu.memref_squeeze %dma_start3A_106 : memref<1x128xi32, #tpu.memory_space<hbm>> -> memref<128xi32, #tpu.memory_space<hbm>>
    %dma_start3A_108 = tpu.memref_slice %arg11[%dma_start3A_102] : memref<4x!tpu.dma_semaphore, #tpu.memory_space<semaphore_mem>> -> memref<1x!tpu.dma_semaphore, #tpu.memory_space<semaphore_mem>>
    %dma_start3A_109 = tpu.memref_squeeze %dma_start3A_108 : memref<1x!tpu.dma_semaphore, #tpu.memory_space<semaphore_mem>> -> memref<!tpu.dma_semaphore, #tpu.memory_space<semaphore_mem>>
    %dma_start3A_110 = arith.constant 0 : i32
    %dma_start3A_111 = tpu.memref_slice %arg6[%dma_start3A_101, %dma_start3A_110] : memref<4x128xi32, #tpu.memory_space<vmem>> -> memref<1x128xi32, #tpu.memory_space<vmem>>
    %dma_start3A_112 = tpu.memref_squeeze %dma_start3A_111 : memref<1x128xi32, #tpu.memory_space<vmem>> -> memref<128xi32, #tpu.memory_space<vmem>>
    %dma_start3A_113 = tpu.memref_slice %arg3[%dma_start3A_100, %mul3A_84] : memref<2x320000xi32, #tpu.memory_space<hbm>> -> memref<1x128xi32, #tpu.memory_space<hbm>>
    %dma_start3A_114 = tpu.memref_squeeze %dma_start3A_113 : memref<1x128xi32, #tpu.memory_space<hbm>> -> memref<128xi32, #tpu.memory_space<hbm>>
    tpu.enqueue_dma source(%dma_start3A_114 : memref<128xi32, #tpu.memory_space<hbm>>) target(%dma_start3A_112 : memref<128xi32, #tpu.memory_space<vmem>>) target_semaphore(%dma_start3A_109 : memref<!tpu.dma_semaphore, #tpu.memory_space<semaphore_mem>>)
    %add3A_115 = arith.constant 0 : i32
    %add3A_116 = arith.addi %mul3A_11, %add3A_115 : i32
    %mul3A_117 = arith.constant 128 : i32
    %mul3A_118 = arith.muli %add3A_116, %mul3A_117 : i32
    %dma_wait3A = arith.constant 0 : i32
    %dma_wait3A_119 = arith.constant 0 : i32
    %dma_wait3A_120 = arith.constant 0 : i32
    %dma_wait3A_121 = arith.constant 0 : i32
    %dma_wait3A_122 = tpu.memref_slice %arg5[%dma_wait3A_119, %dma_wait3A_121] : memref<4x128xi32, #tpu.memory_space<vmem>> -> memref<1x128xi32, #tpu.memory_space<vmem>>
    %dma_wait3A_123 = tpu.memref_squeeze %dma_wait3A_122 : memref<1x128xi32, #tpu.memory_space<vmem>> -> memref<128xi32, #tpu.memory_space<vmem>>
    %dma_wait3A_124 = tpu.memref_slice %arg3[%dma_wait3A, %mul3A_118] : memref<2x320000xi32, #tpu.memory_space<hbm>> -> memref<1x128xi32, #tpu.memory_space<hbm>>
    %dma_wait3A_125 = tpu.memref_squeeze %dma_wait3A_124 : memref<1x128xi32, #tpu.memory_space<hbm>> -> memref<128xi32, #tpu.memory_space<hbm>>
    %dma_wait3A_126 = tpu.memref_slice %arg11[%dma_wait3A_120] : memref<4x!tpu.dma_semaphore, #tpu.memory_space<semaphore_mem>> -> memref<1x!tpu.dma_semaphore, #tpu.memory_space<semaphore_mem>>
    %dma_wait3A_127 = tpu.memref_squeeze %dma_wait3A_126 : memref<1x!tpu.dma_semaphore, #tpu.memory_space<semaphore_mem>> -> memref<!tpu.dma_semaphore, #tpu.memory_space<semaphore_mem>>
    %dma_wait3A_128 = arith.constant 0 : i32
    %dma_wait3A_129 = tpu.memref_slice %arg5[%dma_wait3A_119, %dma_wait3A_128] : memref<4x128xi32, #tpu.memory_space<vmem>> -> memref<1x128xi32, #tpu.memory_space<vmem>>
    %dma_wait3A_130 = tpu.memref_squeeze %dma_wait3A_129 : memref<1x128xi32, #tpu.memory_space<vmem>> -> memref<128xi32, #tpu.memory_space<vmem>>
    %dma_wait3A_131 = tpu.memref_slice %arg3[%dma_wait3A, %mul3A_118] : memref<2x320000xi32, #tpu.memory_space<hbm>> -> memref<1x128xi32, #tpu.memory_space<hbm>>
    %dma_wait3A_132 = tpu.memref_squeeze %dma_wait3A_131 : memref<1x128xi32, #tpu.memory_space<hbm>> -> memref<128xi32, #tpu.memory_space<hbm>>
    tpu.wait_dma2 semaphore(%dma_wait3A_127 : memref<!tpu.dma_semaphore, #tpu.memory_space<semaphore_mem>>) src(%dma_wait3A_132 : memref<128xi32, #tpu.memory_space<hbm>>) dst(%dma_wait3A_130 : memref<128xi32, #tpu.memory_space<vmem>>)
    %dma_wait3A_133 = arith.constant 1 : i32
    %dma_wait3A_134 = arith.constant 0 : i32
    %dma_wait3A_135 = arith.constant 0 : i32
    %dma_wait3A_136 = arith.constant 0 : i32
    %dma_wait3A_137 = tpu.memref_slice %arg6[%dma_wait3A_134, %dma_wait3A_136] : memref<4x128xi32, #tpu.memory_space<vmem>> -> memref<1x128xi32, #tpu.memory_space<vmem>>
    %dma_wait3A_138 = tpu.memref_squeeze %dma_wait3A_137 : memref<1x128xi32, #tpu.memory_space<vmem>> -> memref<128xi32, #tpu.memory_space<vmem>>
    %dma_wait3A_139 = tpu.memref_slice %arg3[%dma_wait3A_133, %mul3A_118] : memref<2x320000xi32, #tpu.memory_space<hbm>> -> memref<1x128xi32, #tpu.memory_space<hbm>>
    %dma_wait3A_140 = tpu.memref_squeeze %dma_wait3A_139 : memref<1x128xi32, #tpu.memory_space<hbm>> -> memref<128xi32, #tpu.memory_space<hbm>>
    %dma_wait3A_141 = tpu.memref_slice %arg11[%dma_wait3A_135] : memref<4x!tpu.dma_semaphore, #tpu.memory_space<semaphore_mem>> -> memref<1x!tpu.dma_semaphore, #tpu.memory_space<semaphore_mem>>
    %dma_wait3A_142 = tpu.memref_squeeze %dma_wait3A_141 : memref<1x!tpu.dma_semaphore, #tpu.memory_space<semaphore_mem>> -> memref<!tpu.dma_semaphore, #tpu.memory_space<semaphore_mem>>
    %dma_wait3A_143 = arith.constant 0 : i32
    %dma_wait3A_144 = tpu.memref_slice %arg6[%dma_wait3A_134, %dma_wait3A_143] : memref<4x128xi32, #tpu.memory_space<vmem>> -> memref<1x128xi32, #tpu.memory_space<vmem>>
    %dma_wait3A_145 = tpu.memref_squeeze %dma_wait3A_144 : memref<1x128xi32, #tpu.memory_space<vmem>> -> memref<128xi32, #tpu.memory_space<vmem>>
    %dma_wait3A_146 = tpu.memref_slice %arg3[%dma_wait3A_133, %mul3A_118] : memref<2x320000xi32, #tpu.memory_space<hbm>> -> memref<1x128xi32, #tpu.memory_space<hbm>>
    %dma_wait3A_147 = tpu.memref_squeeze %dma_wait3A_146 : memref<1x128xi32, #tpu.memory_space<hbm>> -> memref<128xi32, #tpu.memory_space<hbm>>
    tpu.wait_dma2 semaphore(%dma_wait3A_142 : memref<!tpu.dma_semaphore, #tpu.memory_space<semaphore_mem>>) src(%dma_wait3A_147 : memref<128xi32, #tpu.memory_space<hbm>>) dst(%dma_wait3A_145 : memref<128xi32, #tpu.memory_space<vmem>>)
    %dma_start3A_148 = arith.constant 0 : i32
    %dma_start3A_149 = arith.constant 0 : i32
    %dma_start3A_150 = arith.constant 0 : i32
    %dma_start3A_151 = arith.constant 0 : i32
    %dma_start3A_152 = arith.constant 0 : i32
    %dma_start3A_153 = tpu.memref_slice %arg7[%dma_start3A_149, %dma_start3A_151, %dma_start3A_152] : memref<2x128x128xf32, #tpu.memory_space<vmem>> -> memref<1x128x128xf32, #tpu.memory_space<vmem>>
    %dma_start3A_154 = tpu.memref_squeeze %dma_start3A_153 : memref<1x128x128xf32, #tpu.memory_space<vmem>> -> memref<128x128xf32, #tpu.memory_space<vmem>>
    %dma_start3A_155 = arith.constant 0 : i32
    %dma_start3A_156 = tpu.memref_slice %arg5[%dma_start3A_148, %dma_start3A_155] : memref<4x128xi32, #tpu.memory_space<vmem>> -> memref<1x128xi32, #tpu.memory_space<vmem>>
    %dma_start3A_157 = tpu.memref_squeeze %dma_start3A_156 : memref<1x128xi32, #tpu.memory_space<vmem>> -> memref<128xi32, #tpu.memory_space<vmem>>
    %dma_start3A_158 = arith.constant 0 : i32
    %dma_start3A_159 = arith.constant 0 : i32
    %dma_start3A_160 = tpu.memref_slice %arg2[%dma_start3A_158, %dma_start3A_159] : memref<10000x128xf32, #tpu.memory_space<hbm>> -> memref<10000x128xf32, #tpu.memory_space<hbm>>
    %dma_start3A_161 = tpu.memref_slice %arg9[%dma_start3A_150] : memref<2x!tpu.dma_semaphore, #tpu.memory_space<semaphore_mem>> -> memref<1x!tpu.dma_semaphore, #tpu.memory_space<semaphore_mem>>
    %dma_start3A_162 = tpu.memref_squeeze %dma_start3A_161 : memref<1x!tpu.dma_semaphore, #tpu.memory_space<semaphore_mem>> -> memref<!tpu.dma_semaphore, #tpu.memory_space<semaphore_mem>>
    tpu.enqueue_indirect_dma source(%dma_start3A_160 : memref<10000x128xf32, #tpu.memory_space<hbm>>) target(%dma_start3A_154 : memref<128x128xf32, #tpu.memory_space<vmem>>) offsets(%dma_start3A_157 : memref<128xi32, #tpu.memory_space<vmem>>) semaphore(%dma_start3A_162 : memref<!tpu.dma_semaphore, #tpu.memory_space<semaphore_mem>>)
    %jit3A_163 = arith.constant 4 : i32
    %div3A = arith.divsi %select_n3A, %jit3A_163 : i32
    %sign3A = arith.constant 0 : i32
    %sign3A_164 = arith.cmpi sgt, %select_n3A, %sign3A : i32
    %sign3A_165 = arith.extui %sign3A_164 : i1 to i32
    %sign3A_166 = arith.constant 0 : i32
    %sign3A_167 = arith.cmpi slt, %select_n3A, %sign3A_166 : i32
    %sign3A_168 = arith.extui %sign3A_167 : i1 to i32
    %sign3A_169 = arith.subi %sign3A_165, %sign3A_168 : i32
    %sign3A_170 = arith.constant 0 : i32
    %sign3A_171 = arith.cmpi sgt, %jit3A_163, %sign3A_170 : i32
    %sign3A_172 = arith.extui %sign3A_171 : i1 to i32
    %sign3A_173 = arith.constant 0 : i32
    %sign3A_174 = arith.cmpi slt, %jit3A_163, %sign3A_173 : i32
    %sign3A_175 = arith.extui %sign3A_174 : i1 to i32
    %sign3A_176 = arith.subi %sign3A_172, %sign3A_175 : i32
    %ne3A = arith.cmpi ne, %sign3A_169, %sign3A_176 : i32
    %rem3A = arith.remsi %select_n3A, %jit3A_163 : i32
    %ne3A_177 = arith.constant 0 : i32
    %ne3A_178 = arith.cmpi ne, %rem3A, %ne3A_177 : i32
    %and3A = arith.andi %ne3A, %ne3A_178 : i1
    %sub3A = arith.constant 1 : i32
    %sub3A_179 = arith.subi %div3A, %sub3A : i32
    %select_n3A_180 = arith.select %and3A, %sub3A_179, %div3A : i32
    %while3A = arith.constant 0 : i32
    %while3A_181 = arith.subi %select_n3A_180, %while3A : i32
    %while3A_182 = arith.addi %while3A, %while3A_181 : i32
    %while3A_183 = arith.constant 1 : i32
    %while3A_184 = arith.divsi %while3A_181, %while3A_183 : i32
    %while3A_185 = arith.muli %while3A_184, %while3A_183 : i32
    %while3A_186 = arith.addi %while3A, %while3A_185 : i32
    %while3A_187 = arith.constant 1 : i32
    scf.for %while3A_225 = %while3A to %while3A_186 step %while3A_187  : i32 {
      %mul3A_226 = arith.constant 4 : i32
      %mul3A_227 = arith.muli %while3A_225, %mul3A_226 : i32
      %add3A_228 = arith.constant 0 : i32
      %add3A_229 = arith.addi %mul3A_227, %add3A_228 : i32
      %dma_wait3A_230 = arith.constant 0 : i32
      %dma_wait3A_231 = arith.constant 0 : i32
      %dma_wait3A_232 = arith.constant 0 : i32
      %dma_wait3A_233 = arith.constant 0 : i32
      %dma_wait3A_234 = arith.constant 0 : i32
      %dma_wait3A_235 = tpu.memref_slice %arg7[%dma_wait3A_231, %dma_wait3A_233, %dma_wait3A_234] : memref<2x128x128xf32, #tpu.memory_space<vmem>> -> memref<1x128x128xf32, #tpu.memory_space<vmem>>
      %dma_wait3A_236 = tpu.memref_squeeze %dma_wait3A_235 : memref<1x128x128xf32, #tpu.memory_space<vmem>> -> memref<128x128xf32, #tpu.memory_space<vmem>>
      %dma_wait3A_237 = arith.constant 0 : i32
      %dma_wait3A_238 = tpu.memref_slice %arg5[%dma_wait3A_230, %dma_wait3A_237] : memref<4x128xi32, #tpu.memory_space<vmem>> -> memref<1x128xi32, #tpu.memory_space<vmem>>
      %dma_wait3A_239 = tpu.memref_squeeze %dma_wait3A_238 : memref<1x128xi32, #tpu.memory_space<vmem>> -> memref<128xi32, #tpu.memory_space<vmem>>
      %dma_wait3A_240 = arith.constant 0 : i32
      %dma_wait3A_241 = arith.constant 0 : i32
      %dma_wait3A_242 = tpu.memref_slice %arg2[%dma_wait3A_240, %dma_wait3A_241] : memref<10000x128xf32, #tpu.memory_space<hbm>> -> memref<10000x128xf32, #tpu.memory_space<hbm>>
      %dma_wait3A_243 = tpu.memref_slice %arg9[%dma_wait3A_232] : memref<2x!tpu.dma_semaphore, #tpu.memory_space<semaphore_mem>> -> memref<1x!tpu.dma_semaphore, #tpu.memory_space<semaphore_mem>>
      %dma_wait3A_244 = tpu.memref_squeeze %dma_wait3A_243 : memref<1x!tpu.dma_semaphore, #tpu.memory_space<semaphore_mem>> -> memref<!tpu.dma_semaphore, #tpu.memory_space<semaphore_mem>>
      tpu.wait_indirect_dma semaphore(%dma_wait3A_244 : memref<!tpu.dma_semaphore, #tpu.memory_space<semaphore_mem>>) src(%dma_wait3A_242 : memref<10000x128xf32, #tpu.memory_space<hbm>>) dst(%dma_wait3A_236 : memref<128x128xf32, #tpu.memory_space<vmem>>)
      %dma_start3A_245 = arith.constant 0 : i32
      %dma_start3A_246 = arith.constant 0 : i32
      %dma_start3A_247 = arith.constant 0 : i32
      %dma_start3A_248 = arith.constant 0 : i32
      %dma_start3A_249 = arith.constant 0 : i32
      %dma_start3A_250 = tpu.memref_slice %arg7[%dma_start3A_245, %dma_start3A_248, %dma_start3A_249] : memref<2x128x128xf32, #tpu.memory_space<vmem>> -> memref<1x128x128xf32, #tpu.memory_space<vmem>>
      %dma_start3A_251 = tpu.memref_squeeze %dma_start3A_250 : memref<1x128x128xf32, #tpu.memory_space<vmem>> -> memref<128x128xf32, #tpu.memory_space<vmem>>
      %dma_start3A_252 = arith.constant 0 : i32
      %dma_start3A_253 = tpu.memref_slice %arg6[%dma_start3A_246, %dma_start3A_252] : memref<4x128xi32, #tpu.memory_space<vmem>> -> memref<1x128xi32, #tpu.memory_space<vmem>>
      %dma_start3A_254 = tpu.memref_squeeze %dma_start3A_253 : memref<1x128xi32, #tpu.memory_space<vmem>> -> memref<128xi32, #tpu.memory_space<vmem>>
      %dma_start3A_255 = arith.constant 0 : i32
      %dma_start3A_256 = arith.constant 0 : i32
      %dma_start3A_257 = tpu.memref_slice %arg8[%dma_start3A_255, %dma_start3A_256] : memref<10240x128xf32, #tpu.memory_space<vmem_shared>> -> memref<10240x128xf32, #tpu.memory_space<vmem_shared>>
      %dma_start3A_258 = tpu.memref_slice %arg10[%dma_start3A_247] : memref<2x!tpu.dma_semaphore, #tpu.memory_space<semaphore_mem>> -> memref<1x!tpu.dma_semaphore, #tpu.memory_space<semaphore_mem>>
      %dma_start3A_259 = tpu.memref_squeeze %dma_start3A_258 : memref<1x!tpu.dma_semaphore, #tpu.memory_space<semaphore_mem>> -> memref<!tpu.dma_semaphore, #tpu.memory_space<semaphore_mem>>
      tpu.enqueue_indirect_dma source(%dma_start3A_251 : memref<128x128xf32, #tpu.memory_space<vmem>>) target(%dma_start3A_257 : memref<10240x128xf32, #tpu.memory_space<vmem_shared>>) offsets(%dma_start3A_254 : memref<128xi32, #tpu.memory_space<vmem>>) semaphore(%dma_start3A_259 : memref<!tpu.dma_semaphore, #tpu.memory_space<semaphore_mem>>) {add = true}
      %ge3A = arith.constant 1 : i32
      %ge3A_260 = arith.cmpi sge, %add3A_229, %ge3A : i32
      %add3A_261 = arith.constant 1 : i32
      %add3A_262 = arith.addi %add3A_229, %add3A_261 : i32
      %lt3A = arith.cmpi slt, %add3A_262, %select_n3A : i32
      %and3A_263 = arith.andi %ge3A_260, %lt3A : i1
      %convert_element_type3A = arith.extui %and3A_263 : i1 to i32
      %cond3A = arith.constant 0 : i32
      %cond3A_264 = arith.cmpi ne, %convert_element_type3A, %cond3A : i32
      scf.if %cond3A_264 {
        %dma_wait3A_442 = arith.constant 1 : i32
        %dma_wait3A_443 = arith.constant 0 : i32
        %dma_wait3A_444 = arith.constant 1 : i32
        %dma_wait3A_445 = arith.constant 0 : i32
        %dma_wait3A_446 = arith.constant 0 : i32
        %dma_wait3A_447 = tpu.memref_slice %arg7[%dma_wait3A_442, %dma_wait3A_445, %dma_wait3A_446] : memref<2x128x128xf32, #tpu.memory_space<vmem>> -> memref<1x128x128xf32, #tpu.memory_space<vmem>>
        %dma_wait3A_448 = tpu.memref_squeeze %dma_wait3A_447 : memref<1x128x128xf32, #tpu.memory_space<vmem>> -> memref<128x128xf32, #tpu.memory_space<vmem>>
        %dma_wait3A_449 = arith.constant 0 : i32
        %dma_wait3A_450 = tpu.memref_slice %arg6[%dma_wait3A_443, %dma_wait3A_449] : memref<4x128xi32, #tpu.memory_space<vmem>> -> memref<1x128xi32, #tpu.memory_space<vmem>>
        %dma_wait3A_451 = tpu.memref_squeeze %dma_wait3A_450 : memref<1x128xi32, #tpu.memory_space<vmem>> -> memref<128xi32, #tpu.memory_space<vmem>>
        %dma_wait3A_452 = arith.constant 0 : i32
        %dma_wait3A_453 = arith.constant 0 : i32
        %dma_wait3A_454 = tpu.memref_slice %arg8[%dma_wait3A_452, %dma_wait3A_453] : memref<10240x128xf32, #tpu.memory_space<vmem_shared>> -> memref<10240x128xf32, #tpu.memory_space<vmem_shared>>
        %dma_wait3A_455 = tpu.memref_slice %arg10[%dma_wait3A_444] : memref<2x!tpu.dma_semaphore, #tpu.memory_space<semaphore_mem>> -> memref<1x!tpu.dma_semaphore, #tpu.memory_space<semaphore_mem>>
        %dma_wait3A_456 = tpu.memref_squeeze %dma_wait3A_455 : memref<1x!tpu.dma_semaphore, #tpu.memory_space<semaphore_mem>> -> memref<!tpu.dma_semaphore, #tpu.memory_space<semaphore_mem>>
        tpu.wait_indirect_dma semaphore(%dma_wait3A_456 : memref<!tpu.dma_semaphore, #tpu.memory_space<semaphore_mem>>) src(%dma_wait3A_448 : memref<128x128xf32, #tpu.memory_space<vmem>>) dst(%dma_wait3A_454 : memref<10240x128xf32, #tpu.memory_space<vmem_shared>>)
      } else {
      }
      %add3A_265 = arith.constant 3 : i32
      %add3A_266 = arith.addi %add3A_229, %add3A_265 : i32
      %lt3A_267 = arith.cmpi slt, %add3A_266, %select_n3A : i32
      %convert_element_type3A_268 = arith.extui %lt3A_267 : i1 to i32
      %cond3A_269 = arith.constant 0 : i32
      %cond3A_270 = arith.cmpi ne, %convert_element_type3A_268, %cond3A_269 : i32
      scf.if %cond3A_270 {
        %add3A_442 = arith.constant 3 : i32
        %add3A_443 = arith.addi %add3A_229, %add3A_442 : i32
        %add3A_444 = arith.addi %mul3A_11, %add3A_443 : i32
        %mul3A_445 = arith.constant 128 : i32
        %mul3A_446 = arith.muli %add3A_444, %mul3A_445 : i32
        %dma_start3A_447 = arith.constant 0 : i32
        %dma_start3A_448 = arith.constant 3 : i32
        %dma_start3A_449 = arith.constant 3 : i32
        %dma_start3A_450 = arith.constant 0 : i32
        %dma_start3A_451 = tpu.memref_slice %arg5[%dma_start3A_448, %dma_start3A_450] : memref<4x128xi32, #tpu.memory_space<vmem>> -> memref<1x128xi32, #tpu.memory_space<vmem>>
        %dma_start3A_452 = tpu.memref_squeeze %dma_start3A_451 : memref<1x128xi32, #tpu.memory_space<vmem>> -> memref<128xi32, #tpu.memory_space<vmem>>
        %dma_start3A_453 = tpu.memref_slice %arg3[%dma_start3A_447, %mul3A_446] : memref<2x320000xi32, #tpu.memory_space<hbm>> -> memref<1x128xi32, #tpu.memory_space<hbm>>
        %dma_start3A_454 = tpu.memref_squeeze %dma_start3A_453 : memref<1x128xi32, #tpu.memory_space<hbm>> -> memref<128xi32, #tpu.memory_space<hbm>>
        %dma_start3A_455 = tpu.memref_slice %arg11[%dma_start3A_449] : memref<4x!tpu.dma_semaphore, #tpu.memory_space<semaphore_mem>> -> memref<1x!tpu.dma_semaphore, #tpu.memory_space<semaphore_mem>>
        %dma_start3A_456 = tpu.memref_squeeze %dma_start3A_455 : memref<1x!tpu.dma_semaphore, #tpu.memory_space<semaphore_mem>> -> memref<!tpu.dma_semaphore, #tpu.memory_space<semaphore_mem>>
        %dma_start3A_457 = arith.constant 0 : i32
        %dma_start3A_458 = tpu.memref_slice %arg5[%dma_start3A_448, %dma_start3A_457] : memref<4x128xi32, #tpu.memory_space<vmem>> -> memref<1x128xi32, #tpu.memory_space<vmem>>
        %dma_start3A_459 = tpu.memref_squeeze %dma_start3A_458 : memref<1x128xi32, #tpu.memory_space<vmem>> -> memref<128xi32, #tpu.memory_space<vmem>>
        %dma_start3A_460 = tpu.memref_slice %arg3[%dma_start3A_447, %mul3A_446] : memref<2x320000xi32, #tpu.memory_space<hbm>> -> memref<1x128xi32, #tpu.memory_space<hbm>>
        %dma_start3A_461 = tpu.memref_squeeze %dma_start3A_460 : memref<1x128xi32, #tpu.memory_space<hbm>> -> memref<128xi32, #tpu.memory_space<hbm>>
        tpu.enqueue_dma source(%dma_start3A_461 : memref<128xi32, #tpu.memory_space<hbm>>) target(%dma_start3A_459 : memref<128xi32, #tpu.memory_space<vmem>>) target_semaphore(%dma_start3A_456 : memref<!tpu.dma_semaphore, #tpu.memory_space<semaphore_mem>>)
        %dma_start3A_462 = arith.constant 1 : i32
        %dma_start3A_463 = arith.constant 3 : i32
        %dma_start3A_464 = arith.constant 3 : i32
        %dma_start3A_465 = arith.constant 0 : i32
        %dma_start3A_466 = tpu.memref_slice %arg6[%dma_start3A_463, %dma_start3A_465] : memref<4x128xi32, #tpu.memory_space<vmem>> -> memref<1x128xi32, #tpu.memory_space<vmem>>
        %dma_start3A_467 = tpu.memref_squeeze %dma_start3A_466 : memref<1x128xi32, #tpu.memory_space<vmem>> -> memref<128xi32, #tpu.memory_space<vmem>>
        %dma_start3A_468 = tpu.memref_slice %arg3[%dma_start3A_462, %mul3A_446] : memref<2x320000xi32, #tpu.memory_space<hbm>> -> memref<1x128xi32, #tpu.memory_space<hbm>>
        %dma_start3A_469 = tpu.memref_squeeze %dma_start3A_468 : memref<1x128xi32, #tpu.memory_space<hbm>> -> memref<128xi32, #tpu.memory_space<hbm>>
        %dma_start3A_470 = tpu.memref_slice %arg11[%dma_start3A_464] : memref<4x!tpu.dma_semaphore, #tpu.memory_space<semaphore_mem>> -> memref<1x!tpu.dma_semaphore, #tpu.memory_space<semaphore_mem>>
        %dma_start3A_471 = tpu.memref_squeeze %dma_start3A_470 : memref<1x!tpu.dma_semaphore, #tpu.memory_space<semaphore_mem>> -> memref<!tpu.dma_semaphore, #tpu.memory_space<semaphore_mem>>
        %dma_start3A_472 = arith.constant 0 : i32
        %dma_start3A_473 = tpu.memref_slice %arg6[%dma_start3A_463, %dma_start3A_472] : memref<4x128xi32, #tpu.memory_space<vmem>> -> memref<1x128xi32, #tpu.memory_space<vmem>>
        %dma_start3A_474 = tpu.memref_squeeze %dma_start3A_473 : memref<1x128xi32, #tpu.memory_space<vmem>> -> memref<128xi32, #tpu.memory_space<vmem>>
        %dma_start3A_475 = tpu.memref_slice %arg3[%dma_start3A_462, %mul3A_446] : memref<2x320000xi32, #tpu.memory_space<hbm>> -> memref<1x128xi32, #tpu.memory_space<hbm>>
        %dma_start3A_476 = tpu.memref_squeeze %dma_start3A_475 : memref<1x128xi32, #tpu.memory_space<hbm>> -> memref<128xi32, #tpu.memory_space<hbm>>
        tpu.enqueue_dma source(%dma_start3A_476 : memref<128xi32, #tpu.memory_space<hbm>>) target(%dma_start3A_474 : memref<128xi32, #tpu.memory_space<vmem>>) target_semaphore(%dma_start3A_471 : memref<!tpu.dma_semaphore, #tpu.memory_space<semaphore_mem>>)
      } else {
      }
      %add3A_271 = arith.constant 1 : i32
      %add3A_272 = arith.addi %add3A_229, %add3A_271 : i32
      %lt3A_273 = arith.cmpi slt, %add3A_272, %select_n3A : i32
      %convert_element_type3A_274 = arith.extui %lt3A_273 : i1 to i32
      %cond3A_275 = arith.constant 0 : i32
      %cond3A_276 = arith.cmpi ne, %convert_element_type3A_274, %cond3A_275 : i32
      scf.if %cond3A_276 {
        %add3A_442 = arith.constant 1 : i32
        %add3A_443 = arith.addi %add3A_229, %add3A_442 : i32
        %add3A_444 = arith.addi %mul3A_11, %add3A_443 : i32
        %mul3A_445 = arith.constant 128 : i32
        %mul3A_446 = arith.muli %add3A_444, %mul3A_445 : i32
        %dma_wait3A_447 = arith.constant 0 : i32
        %dma_wait3A_448 = arith.constant 1 : i32
        %dma_wait3A_449 = arith.constant 1 : i32
        %dma_wait3A_450 = arith.constant 0 : i32
        %dma_wait3A_451 = tpu.memref_slice %arg5[%dma_wait3A_448, %dma_wait3A_450] : memref<4x128xi32, #tpu.memory_space<vmem>> -> memref<1x128xi32, #tpu.memory_space<vmem>>
        %dma_wait3A_452 = tpu.memref_squeeze %dma_wait3A_451 : memref<1x128xi32, #tpu.memory_space<vmem>> -> memref<128xi32, #tpu.memory_space<vmem>>
        %dma_wait3A_453 = tpu.memref_slice %arg3[%dma_wait3A_447, %mul3A_446] : memref<2x320000xi32, #tpu.memory_space<hbm>> -> memref<1x128xi32, #tpu.memory_space<hbm>>
        %dma_wait3A_454 = tpu.memref_squeeze %dma_wait3A_453 : memref<1x128xi32, #tpu.memory_space<hbm>> -> memref<128xi32, #tpu.memory_space<hbm>>
        %dma_wait3A_455 = tpu.memref_slice %arg11[%dma_wait3A_449] : memref<4x!tpu.dma_semaphore, #tpu.memory_space<semaphore_mem>> -> memref<1x!tpu.dma_semaphore, #tpu.memory_space<semaphore_mem>>
        %dma_wait3A_456 = tpu.memref_squeeze %dma_wait3A_455 : memref<1x!tpu.dma_semaphore, #tpu.memory_space<semaphore_mem>> -> memref<!tpu.dma_semaphore, #tpu.memory_space<semaphore_mem>>
        %dma_wait3A_457 = arith.constant 0 : i32
        %dma_wait3A_458 = tpu.memref_slice %arg5[%dma_wait3A_448, %dma_wait3A_457] : memref<4x128xi32, #tpu.memory_space<vmem>> -> memref<1x128xi32, #tpu.memory_space<vmem>>
        %dma_wait3A_459 = tpu.memref_squeeze %dma_wait3A_458 : memref<1x128xi32, #tpu.memory_space<vmem>> -> memref<128xi32, #tpu.memory_space<vmem>>
        %dma_wait3A_460 = tpu.memref_slice %arg3[%dma_wait3A_447, %mul3A_446] : memref<2x320000xi32, #tpu.memory_space<hbm>> -> memref<1x128xi32, #tpu.memory_space<hbm>>
        %dma_wait3A_461 = tpu.memref_squeeze %dma_wait3A_460 : memref<1x128xi32, #tpu.memory_space<hbm>> -> memref<128xi32, #tpu.memory_space<hbm>>
        tpu.wait_dma2 semaphore(%dma_wait3A_456 : memref<!tpu.dma_semaphore, #tpu.memory_space<semaphore_mem>>) src(%dma_wait3A_461 : memref<128xi32, #tpu.memory_space<hbm>>) dst(%dma_wait3A_459 : memref<128xi32, #tpu.memory_space<vmem>>)
        %dma_wait3A_462 = arith.constant 1 : i32
        %dma_wait3A_463 = arith.constant 1 : i32
        %dma_wait3A_464 = arith.constant 1 : i32
        %dma_wait3A_465 = arith.constant 0 : i32
        %dma_wait3A_466 = tpu.memref_slice %arg6[%dma_wait3A_463, %dma_wait3A_465] : memref<4x128xi32, #tpu.memory_space<vmem>> -> memref<1x128xi32, #tpu.memory_space<vmem>>
        %dma_wait3A_467 = tpu.memref_squeeze %dma_wait3A_466 : memref<1x128xi32, #tpu.memory_space<vmem>> -> memref<128xi32, #tpu.memory_space<vmem>>
        %dma_wait3A_468 = tpu.memref_slice %arg3[%dma_wait3A_462, %mul3A_446] : memref<2x320000xi32, #tpu.memory_space<hbm>> -> memref<1x128xi32, #tpu.memory_space<hbm>>
        %dma_wait3A_469 = tpu.memref_squeeze %dma_wait3A_468 : memref<1x128xi32, #tpu.memory_space<hbm>> -> memref<128xi32, #tpu.memory_space<hbm>>
        %dma_wait3A_470 = tpu.memref_slice %arg11[%dma_wait3A_464] : memref<4x!tpu.dma_semaphore, #tpu.memory_space<semaphore_mem>> -> memref<1x!tpu.dma_semaphore, #tpu.memory_space<semaphore_mem>>
        %dma_wait3A_471 = tpu.memref_squeeze %dma_wait3A_470 : memref<1x!tpu.dma_semaphore, #tpu.memory_space<semaphore_mem>> -> memref<!tpu.dma_semaphore, #tpu.memory_space<semaphore_mem>>
        %dma_wait3A_472 = arith.constant 0 : i32
        %dma_wait3A_473 = tpu.memref_slice %arg6[%dma_wait3A_463, %dma_wait3A_472] : memref<4x128xi32, #tpu.memory_space<vmem>> -> memref<1x128xi32, #tpu.memory_space<vmem>>
        %dma_wait3A_474 = tpu.memref_squeeze %dma_wait3A_473 : memref<1x128xi32, #tpu.memory_space<vmem>> -> memref<128xi32, #tpu.memory_space<vmem>>
        %dma_wait3A_475 = tpu.memref_slice %arg3[%dma_wait3A_462, %mul3A_446] : memref<2x320000xi32, #tpu.memory_space<hbm>> -> memref<1x128xi32, #tpu.memory_space<hbm>>
        %dma_wait3A_476 = tpu.memref_squeeze %dma_wait3A_475 : memref<1x128xi32, #tpu.memory_space<hbm>> -> memref<128xi32, #tpu.memory_space<hbm>>
        tpu.wait_dma2 semaphore(%dma_wait3A_471 : memref<!tpu.dma_semaphore, #tpu.memory_space<semaphore_mem>>) src(%dma_wait3A_476 : memref<128xi32, #tpu.memory_space<hbm>>) dst(%dma_wait3A_474 : memref<128xi32, #tpu.memory_space<vmem>>)
        %dma_start3A_477 = arith.constant 1 : i32
        %dma_start3A_478 = arith.constant 1 : i32
        %dma_start3A_479 = arith.constant 1 : i32
        %dma_start3A_480 = arith.constant 0 : i32
        %dma_start3A_481 = arith.constant 0 : i32
        %dma_start3A_482 = tpu.memref_slice %arg7[%dma_start3A_478, %dma_start3A_480, %dma_start3A_481] : memref<2x128x128xf32, #tpu.memory_space<vmem>> -> memref<1x128x128xf32, #tpu.memory_space<vmem>>
        %dma_start3A_483 = tpu.memref_squeeze %dma_start3A_482 : memref<1x128x128xf32, #tpu.memory_space<vmem>> -> memref<128x128xf32, #tpu.memory_space<vmem>>
        %dma_start3A_484 = arith.constant 0 : i32
        %dma_start3A_485 = tpu.memref_slice %arg5[%dma_start3A_477, %dma_start3A_484] : memref<4x128xi32, #tpu.memory_space<vmem>> -> memref<1x128xi32, #tpu.memory_space<vmem>>
        %dma_start3A_486 = tpu.memref_squeeze %dma_start3A_485 : memref<1x128xi32, #tpu.memory_space<vmem>> -> memref<128xi32, #tpu.memory_space<vmem>>
        %dma_start3A_487 = arith.constant 0 : i32
        %dma_start3A_488 = arith.constant 0 : i32
        %dma_start3A_489 = tpu.memref_slice %arg2[%dma_start3A_487, %dma_start3A_488] : memref<10000x128xf32, #tpu.memory_space<hbm>> -> memref<10000x128xf32, #tpu.memory_space<hbm>>
        %dma_start3A_490 = tpu.memref_slice %arg9[%dma_start3A_479] : memref<2x!tpu.dma_semaphore, #tpu.memory_space<semaphore_mem>> -> memref<1x!tpu.dma_semaphore, #tpu.memory_space<semaphore_mem>>
        %dma_start3A_491 = tpu.memref_squeeze %dma_start3A_490 : memref<1x!tpu.dma_semaphore, #tpu.memory_space<semaphore_mem>> -> memref<!tpu.dma_semaphore, #tpu.memory_space<semaphore_mem>>
        tpu.enqueue_indirect_dma source(%dma_start3A_489 : memref<10000x128xf32, #tpu.memory_space<hbm>>) target(%dma_start3A_483 : memref<128x128xf32, #tpu.memory_space<vmem>>) offsets(%dma_start3A_486 : memref<128xi32, #tpu.memory_space<vmem>>) semaphore(%dma_start3A_491 : memref<!tpu.dma_semaphore, #tpu.memory_space<semaphore_mem>>)
      } else {
      }
      %mul3A_277 = arith.constant 4 : i32
      %mul3A_278 = arith.muli %while3A_225, %mul3A_277 : i32
      %add3A_279 = arith.constant 1 : i32
      %add3A_280 = arith.addi %mul3A_278, %add3A_279 : i32
      %dma_wait3A_281 = arith.constant 1 : i32
      %dma_wait3A_282 = arith.constant 1 : i32
      %dma_wait3A_283 = arith.constant 1 : i32
      %dma_wait3A_284 = arith.constant 0 : i32
      %dma_wait3A_285 = arith.constant 0 : i32
      %dma_wait3A_286 = tpu.memref_slice %arg7[%dma_wait3A_282, %dma_wait3A_284, %dma_wait3A_285] : memref<2x128x128xf32, #tpu.memory_space<vmem>> -> memref<1x128x128xf32, #tpu.memory_space<vmem>>
      %dma_wait3A_287 = tpu.memref_squeeze %dma_wait3A_286 : memref<1x128x128xf32, #tpu.memory_space<vmem>> -> memref<128x128xf32, #tpu.memory_space<vmem>>
      %dma_wait3A_288 = arith.constant 0 : i32
      %dma_wait3A_289 = tpu.memref_slice %arg5[%dma_wait3A_281, %dma_wait3A_288] : memref<4x128xi32, #tpu.memory_space<vmem>> -> memref<1x128xi32, #tpu.memory_space<vmem>>
      %dma_wait3A_290 = tpu.memref_squeeze %dma_wait3A_289 : memref<1x128xi32, #tpu.memory_space<vmem>> -> memref<128xi32, #tpu.memory_space<vmem>>
      %dma_wait3A_291 = arith.constant 0 : i32
      %dma_wait3A_292 = arith.constant 0 : i32
      %dma_wait3A_293 = tpu.memref_slice %arg2[%dma_wait3A_291, %dma_wait3A_292] : memref<10000x128xf32, #tpu.memory_space<hbm>> -> memref<10000x128xf32, #tpu.memory_space<hbm>>
      %dma_wait3A_294 = tpu.memref_slice %arg9[%dma_wait3A_283] : memref<2x!tpu.dma_semaphore, #tpu.memory_space<semaphore_mem>> -> memref<1x!tpu.dma_semaphore, #tpu.memory_space<semaphore_mem>>
      %dma_wait3A_295 = tpu.memref_squeeze %dma_wait3A_294 : memref<1x!tpu.dma_semaphore, #tpu.memory_space<semaphore_mem>> -> memref<!tpu.dma_semaphore, #tpu.memory_space<semaphore_mem>>
      tpu.wait_indirect_dma semaphore(%dma_wait3A_295 : memref<!tpu.dma_semaphore, #tpu.memory_space<semaphore_mem>>) src(%dma_wait3A_293 : memref<10000x128xf32, #tpu.memory_space<hbm>>) dst(%dma_wait3A_287 : memref<128x128xf32, #tpu.memory_space<vmem>>)
      %dma_start3A_296 = arith.constant 1 : i32
      %dma_start3A_297 = arith.constant 1 : i32
      %dma_start3A_298 = arith.constant 1 : i32
      %dma_start3A_299 = arith.constant 0 : i32
      %dma_start3A_300 = arith.constant 0 : i32
      %dma_start3A_301 = tpu.memref_slice %arg7[%dma_start3A_296, %dma_start3A_299, %dma_start3A_300] : memref<2x128x128xf32, #tpu.memory_space<vmem>> -> memref<1x128x128xf32, #tpu.memory_space<vmem>>
      %dma_start3A_302 = tpu.memref_squeeze %dma_start3A_301 : memref<1x128x128xf32, #tpu.memory_space<vmem>> -> memref<128x128xf32, #tpu.memory_space<vmem>>
      %dma_start3A_303 = arith.constant 0 : i32
      %dma_start3A_304 = tpu.memref_slice %arg6[%dma_start3A_297, %dma_start3A_303] : memref<4x128xi32, #tpu.memory_space<vmem>> -> memref<1x128xi32, #tpu.memory_space<vmem>>
      %dma_start3A_305 = tpu.memref_squeeze %dma_start3A_304 : memref<1x128xi32, #tpu.memory_space<vmem>> -> memref<128xi32, #tpu.memory_space<vmem>>
      %dma_start3A_306 = arith.constant 0 : i32
      %dma_start3A_307 = arith.constant 0 : i32
      %dma_start3A_308 = tpu.memref_slice %arg8[%dma_start3A_306, %dma_start3A_307] : memref<10240x128xf32, #tpu.memory_space<vmem_shared>> -> memref<10240x128xf32, #tpu.memory_space<vmem_shared>>
      %dma_start3A_309 = tpu.memref_slice %arg10[%dma_start3A_298] : memref<2x!tpu.dma_semaphore, #tpu.memory_space<semaphore_mem>> -> memref<1x!tpu.dma_semaphore, #tpu.memory_space<semaphore_mem>>
      %dma_start3A_310 = tpu.memref_squeeze %dma_start3A_309 : memref<1x!tpu.dma_semaphore, #tpu.memory_space<semaphore_mem>> -> memref<!tpu.dma_semaphore, #tpu.memory_space<semaphore_mem>>
      tpu.enqueue_indirect_dma source(%dma_start3A_302 : memref<128x128xf32, #tpu.memory_space<vmem>>) target(%dma_start3A_308 : memref<10240x128xf32, #tpu.memory_space<vmem_shared>>) offsets(%dma_start3A_305 : memref<128xi32, #tpu.memory_space<vmem>>) semaphore(%dma_start3A_310 : memref<!tpu.dma_semaphore, #tpu.memory_space<semaphore_mem>>) {add = true}
      %ge3A_311 = arith.constant 1 : i32
      %ge3A_312 = arith.cmpi sge, %add3A_280, %ge3A_311 : i32
      %add3A_313 = arith.constant 1 : i32
      %add3A_314 = arith.addi %add3A_280, %add3A_313 : i32
      %lt3A_315 = arith.cmpi slt, %add3A_314, %select_n3A : i32
      %and3A_316 = arith.andi %ge3A_312, %lt3A_315 : i1
      %convert_element_type3A_317 = arith.extui %and3A_316 : i1 to i32
      %cond3A_318 = arith.constant 0 : i32
      %cond3A_319 = arith.cmpi ne, %convert_element_type3A_317, %cond3A_318 : i32
      scf.if %cond3A_319 {
        %dma_wait3A_442 = arith.constant 0 : i32
        %dma_wait3A_443 = arith.constant 1 : i32
        %dma_wait3A_444 = arith.constant 0 : i32
        %dma_wait3A_445 = arith.constant 0 : i32
        %dma_wait3A_446 = arith.constant 0 : i32
        %dma_wait3A_447 = tpu.memref_slice %arg7[%dma_wait3A_442, %dma_wait3A_445, %dma_wait3A_446] : memref<2x128x128xf32, #tpu.memory_space<vmem>> -> memref<1x128x128xf32, #tpu.memory_space<vmem>>
        %dma_wait3A_448 = tpu.memref_squeeze %dma_wait3A_447 : memref<1x128x128xf32, #tpu.memory_space<vmem>> -> memref<128x128xf32, #tpu.memory_space<vmem>>
        %dma_wait3A_449 = arith.constant 0 : i32
        %dma_wait3A_450 = tpu.memref_slice %arg6[%dma_wait3A_443, %dma_wait3A_449] : memref<4x128xi32, #tpu.memory_space<vmem>> -> memref<1x128xi32, #tpu.memory_space<vmem>>
        %dma_wait3A_451 = tpu.memref_squeeze %dma_wait3A_450 : memref<1x128xi32, #tpu.memory_space<vmem>> -> memref<128xi32, #tpu.memory_space<vmem>>
        %dma_wait3A_452 = arith.constant 0 : i32
        %dma_wait3A_453 = arith.constant 0 : i32
        %dma_wait3A_454 = tpu.memref_slice %arg8[%dma_wait3A_452, %dma_wait3A_453] : memref<10240x128xf32, #tpu.memory_space<vmem_shared>> -> memref<10240x128xf32, #tpu.memory_space<vmem_shared>>
        %dma_wait3A_455 = tpu.memref_slice %arg10[%dma_wait3A_444] : memref<2x!tpu.dma_semaphore, #tpu.memory_space<semaphore_mem>> -> memref<1x!tpu.dma_semaphore, #tpu.memory_space<semaphore_mem>>
        %dma_wait3A_456 = tpu.memref_squeeze %dma_wait3A_455 : memref<1x!tpu.dma_semaphore, #tpu.memory_space<semaphore_mem>> -> memref<!tpu.dma_semaphore, #tpu.memory_space<semaphore_mem>>
        tpu.wait_indirect_dma semaphore(%dma_wait3A_456 : memref<!tpu.dma_semaphore, #tpu.memory_space<semaphore_mem>>) src(%dma_wait3A_448 : memref<128x128xf32, #tpu.memory_space<vmem>>) dst(%dma_wait3A_454 : memref<10240x128xf32, #tpu.memory_space<vmem_shared>>)
      } else {
      }
      %add3A_320 = arith.constant 3 : i32
      %add3A_321 = arith.addi %add3A_280, %add3A_320 : i32
      %lt3A_322 = arith.cmpi slt, %add3A_321, %select_n3A : i32
      %convert_element_type3A_323 = arith.extui %lt3A_322 : i1 to i32
      %cond3A_324 = arith.constant 0 : i32
      %cond3A_325 = arith.cmpi ne, %convert_element_type3A_323, %cond3A_324 : i32
      scf.if %cond3A_325 {
        %add3A_442 = arith.constant 3 : i32
        %add3A_443 = arith.addi %add3A_280, %add3A_442 : i32
        %add3A_444 = arith.addi %mul3A_11, %add3A_443 : i32
        %mul3A_445 = arith.constant 128 : i32
        %mul3A_446 = arith.muli %add3A_444, %mul3A_445 : i32
        %dma_start3A_447 = arith.constant 0 : i32
        %dma_start3A_448 = arith.constant 0 : i32
        %dma_start3A_449 = arith.constant 0 : i32
        %dma_start3A_450 = arith.constant 0 : i32
        %dma_start3A_451 = tpu.memref_slice %arg5[%dma_start3A_448, %dma_start3A_450] : memref<4x128xi32, #tpu.memory_space<vmem>> -> memref<1x128xi32, #tpu.memory_space<vmem>>
        %dma_start3A_452 = tpu.memref_squeeze %dma_start3A_451 : memref<1x128xi32, #tpu.memory_space<vmem>> -> memref<128xi32, #tpu.memory_space<vmem>>
        %dma_start3A_453 = tpu.memref_slice %arg3[%dma_start3A_447, %mul3A_446] : memref<2x320000xi32, #tpu.memory_space<hbm>> -> memref<1x128xi32, #tpu.memory_space<hbm>>
        %dma_start3A_454 = tpu.memref_squeeze %dma_start3A_453 : memref<1x128xi32, #tpu.memory_space<hbm>> -> memref<128xi32, #tpu.memory_space<hbm>>
        %dma_start3A_455 = tpu.memref_slice %arg11[%dma_start3A_449] : memref<4x!tpu.dma_semaphore, #tpu.memory_space<semaphore_mem>> -> memref<1x!tpu.dma_semaphore, #tpu.memory_space<semaphore_mem>>
        %dma_start3A_456 = tpu.memref_squeeze %dma_start3A_455 : memref<1x!tpu.dma_semaphore, #tpu.memory_space<semaphore_mem>> -> memref<!tpu.dma_semaphore, #tpu.memory_space<semaphore_mem>>
        %dma_start3A_457 = arith.constant 0 : i32
        %dma_start3A_458 = tpu.memref_slice %arg5[%dma_start3A_448, %dma_start3A_457] : memref<4x128xi32, #tpu.memory_space<vmem>> -> memref<1x128xi32, #tpu.memory_space<vmem>>
        %dma_start3A_459 = tpu.memref_squeeze %dma_start3A_458 : memref<1x128xi32, #tpu.memory_space<vmem>> -> memref<128xi32, #tpu.memory_space<vmem>>
        %dma_start3A_460 = tpu.memref_slice %arg3[%dma_start3A_447, %mul3A_446] : memref<2x320000xi32, #tpu.memory_space<hbm>> -> memref<1x128xi32, #tpu.memory_space<hbm>>
        %dma_start3A_461 = tpu.memref_squeeze %dma_start3A_460 : memref<1x128xi32, #tpu.memory_space<hbm>> -> memref<128xi32, #tpu.memory_space<hbm>>
        tpu.enqueue_dma source(%dma_start3A_461 : memref<128xi32, #tpu.memory_space<hbm>>) target(%dma_start3A_459 : memref<128xi32, #tpu.memory_space<vmem>>) target_semaphore(%dma_start3A_456 : memref<!tpu.dma_semaphore, #tpu.memory_space<semaphore_mem>>)
        %dma_start3A_462 = arith.constant 1 : i32
        %dma_start3A_463 = arith.constant 0 : i32
        %dma_start3A_464 = arith.constant 0 : i32
        %dma_start3A_465 = arith.constant 0 : i32
        %dma_start3A_466 = tpu.memref_slice %arg6[%dma_start3A_463, %dma_start3A_465] : memref<4x128xi32, #tpu.memory_space<vmem>> -> memref<1x128xi32, #tpu.memory_space<vmem>>
        %dma_start3A_467 = tpu.memref_squeeze %dma_start3A_466 : memref<1x128xi32, #tpu.memory_space<vmem>> -> memref<128xi32, #tpu.memory_space<vmem>>
        %dma_start3A_468 = tpu.memref_slice %arg3[%dma_start3A_462, %mul3A_446] : memref<2x320000xi32, #tpu.memory_space<hbm>> -> memref<1x128xi32, #tpu.memory_space<hbm>>
        %dma_start3A_469 = tpu.memref_squeeze %dma_start3A_468 : memref<1x128xi32, #tpu.memory_space<hbm>> -> memref<128xi32, #tpu.memory_space<hbm>>
        %dma_start3A_470 = tpu.memref_slice %arg11[%dma_start3A_464] : memref<4x!tpu.dma_semaphore, #tpu.memory_space<semaphore_mem>> -> memref<1x!tpu.dma_semaphore, #tpu.memory_space<semaphore_mem>>
        %dma_start3A_471 = tpu.memref_squeeze %dma_start3A_470 : memref<1x!tpu.dma_semaphore, #tpu.memory_space<semaphore_mem>> -> memref<!tpu.dma_semaphore, #tpu.memory_space<semaphore_mem>>
        %dma_start3A_472 = arith.constant 0 : i32
        %dma_start3A_473 = tpu.memref_slice %arg6[%dma_start3A_463, %dma_start3A_472] : memref<4x128xi32, #tpu.memory_space<vmem>> -> memref<1x128xi32, #tpu.memory_space<vmem>>
        %dma_start3A_474 = tpu.memref_squeeze %dma_start3A_473 : memref<1x128xi32, #tpu.memory_space<vmem>> -> memref<128xi32, #tpu.memory_space<vmem>>
        %dma_start3A_475 = tpu.memref_slice %arg3[%dma_start3A_462, %mul3A_446] : memref<2x320000xi32, #tpu.memory_space<hbm>> -> memref<1x128xi32, #tpu.memory_space<hbm>>
        %dma_start3A_476 = tpu.memref_squeeze %dma_start3A_475 : memref<1x128xi32, #tpu.memory_space<hbm>> -> memref<128xi32, #tpu.memory_space<hbm>>
        tpu.enqueue_dma source(%dma_start3A_476 : memref<128xi32, #tpu.memory_space<hbm>>) target(%dma_start3A_474 : memref<128xi32, #tpu.memory_space<vmem>>) target_semaphore(%dma_start3A_471 : memref<!tpu.dma_semaphore, #tpu.memory_space<semaphore_mem>>)
      } else {
      }
      %add3A_326 = arith.constant 1 : i32
      %add3A_327 = arith.addi %add3A_280, %add3A_326 : i32
      %lt3A_328 = arith.cmpi slt, %add3A_327, %select_n3A : i32
      %convert_element_type3A_329 = arith.extui %lt3A_328 : i1 to i32
      %cond3A_330 = arith.constant 0 : i32
      %cond3A_331 = arith.cmpi ne, %convert_element_type3A_329, %cond3A_330 : i32
      scf.if %cond3A_331 {
        %add3A_442 = arith.constant 1 : i32
        %add3A_443 = arith.addi %add3A_280, %add3A_442 : i32
        %add3A_444 = arith.addi %mul3A_11, %add3A_443 : i32
        %mul3A_445 = arith.constant 128 : i32
        %mul3A_446 = arith.muli %add3A_444, %mul3A_445 : i32
        %dma_wait3A_447 = arith.constant 0 : i32
        %dma_wait3A_448 = arith.constant 2 : i32
        %dma_wait3A_449 = arith.constant 2 : i32
        %dma_wait3A_450 = arith.constant 0 : i32
        %dma_wait3A_451 = tpu.memref_slice %arg5[%dma_wait3A_448, %dma_wait3A_450] : memref<4x128xi32, #tpu.memory_space<vmem>> -> memref<1x128xi32, #tpu.memory_space<vmem>>
        %dma_wait3A_452 = tpu.memref_squeeze %dma_wait3A_451 : memref<1x128xi32, #tpu.memory_space<vmem>> -> memref<128xi32, #tpu.memory_space<vmem>>
        %dma_wait3A_453 = tpu.memref_slice %arg3[%dma_wait3A_447, %mul3A_446] : memref<2x320000xi32, #tpu.memory_space<hbm>> -> memref<1x128xi32, #tpu.memory_space<hbm>>
        %dma_wait3A_454 = tpu.memref_squeeze %dma_wait3A_453 : memref<1x128xi32, #tpu.memory_space<hbm>> -> memref<128xi32, #tpu.memory_space<hbm>>
        %dma_wait3A_455 = tpu.memref_slice %arg11[%dma_wait3A_449] : memref<4x!tpu.dma_semaphore, #tpu.memory_space<semaphore_mem>> -> memref<1x!tpu.dma_semaphore, #tpu.memory_space<semaphore_mem>>
        %dma_wait3A_456 = tpu.memref_squeeze %dma_wait3A_455 : memref<1x!tpu.dma_semaphore, #tpu.memory_space<semaphore_mem>> -> memref<!tpu.dma_semaphore, #tpu.memory_space<semaphore_mem>>
        %dma_wait3A_457 = arith.constant 0 : i32
        %dma_wait3A_458 = tpu.memref_slice %arg5[%dma_wait3A_448, %dma_wait3A_457] : memref<4x128xi32, #tpu.memory_space<vmem>> -> memref<1x128xi32, #tpu.memory_space<vmem>>
        %dma_wait3A_459 = tpu.memref_squeeze %dma_wait3A_458 : memref<1x128xi32, #tpu.memory_space<vmem>> -> memref<128xi32, #tpu.memory_space<vmem>>
        %dma_wait3A_460 = tpu.memref_slice %arg3[%dma_wait3A_447, %mul3A_446] : memref<2x320000xi32, #tpu.memory_space<hbm>> -> memref<1x128xi32, #tpu.memory_space<hbm>>
        %dma_wait3A_461 = tpu.memref_squeeze %dma_wait3A_460 : memref<1x128xi32, #tpu.memory_space<hbm>> -> memref<128xi32, #tpu.memory_space<hbm>>
        tpu.wait_dma2 semaphore(%dma_wait3A_456 : memref<!tpu.dma_semaphore, #tpu.memory_space<semaphore_mem>>) src(%dma_wait3A_461 : memref<128xi32, #tpu.memory_space<hbm>>) dst(%dma_wait3A_459 : memref<128xi32, #tpu.memory_space<vmem>>)
        %dma_wait3A_462 = arith.constant 1 : i32
        %dma_wait3A_463 = arith.constant 2 : i32
        %dma_wait3A_464 = arith.constant 2 : i32
        %dma_wait3A_465 = arith.constant 0 : i32
        %dma_wait3A_466 = tpu.memref_slice %arg6[%dma_wait3A_463, %dma_wait3A_465] : memref<4x128xi32, #tpu.memory_space<vmem>> -> memref<1x128xi32, #tpu.memory_space<vmem>>
        %dma_wait3A_467 = tpu.memref_squeeze %dma_wait3A_466 : memref<1x128xi32, #tpu.memory_space<vmem>> -> memref<128xi32, #tpu.memory_space<vmem>>
        %dma_wait3A_468 = tpu.memref_slice %arg3[%dma_wait3A_462, %mul3A_446] : memref<2x320000xi32, #tpu.memory_space<hbm>> -> memref<1x128xi32, #tpu.memory_space<hbm>>
        %dma_wait3A_469 = tpu.memref_squeeze %dma_wait3A_468 : memref<1x128xi32, #tpu.memory_space<hbm>> -> memref<128xi32, #tpu.memory_space<hbm>>
        %dma_wait3A_470 = tpu.memref_slice %arg11[%dma_wait3A_464] : memref<4x!tpu.dma_semaphore, #tpu.memory_space<semaphore_mem>> -> memref<1x!tpu.dma_semaphore, #tpu.memory_space<semaphore_mem>>
        %dma_wait3A_471 = tpu.memref_squeeze %dma_wait3A_470 : memref<1x!tpu.dma_semaphore, #tpu.memory_space<semaphore_mem>> -> memref<!tpu.dma_semaphore, #tpu.memory_space<semaphore_mem>>
        %dma_wait3A_472 = arith.constant 0 : i32
        %dma_wait3A_473 = tpu.memref_slice %arg6[%dma_wait3A_463, %dma_wait3A_472] : memref<4x128xi32, #tpu.memory_space<vmem>> -> memref<1x128xi32, #tpu.memory_space<vmem>>
        %dma_wait3A_474 = tpu.memref_squeeze %dma_wait3A_473 : memref<1x128xi32, #tpu.memory_space<vmem>> -> memref<128xi32, #tpu.memory_space<vmem>>
        %dma_wait3A_475 = tpu.memref_slice %arg3[%dma_wait3A_462, %mul3A_446] : memref<2x320000xi32, #tpu.memory_space<hbm>> -> memref<1x128xi32, #tpu.memory_space<hbm>>
        %dma_wait3A_476 = tpu.memref_squeeze %dma_wait3A_475 : memref<1x128xi32, #tpu.memory_space<hbm>> -> memref<128xi32, #tpu.memory_space<hbm>>
        tpu.wait_dma2 semaphore(%dma_wait3A_471 : memref<!tpu.dma_semaphore, #tpu.memory_space<semaphore_mem>>) src(%dma_wait3A_476 : memref<128xi32, #tpu.memory_space<hbm>>) dst(%dma_wait3A_474 : memref<128xi32, #tpu.memory_space<vmem>>)
        %dma_start3A_477 = arith.constant 2 : i32
        %dma_start3A_478 = arith.constant 0 : i32
        %dma_start3A_479 = arith.constant 0 : i32
        %dma_start3A_480 = arith.constant 0 : i32
        %dma_start3A_481 = arith.constant 0 : i32
        %dma_start3A_482 = tpu.memref_slice %arg7[%dma_start3A_478, %dma_start3A_480, %dma_start3A_481] : memref<2x128x128xf32, #tpu.memory_space<vmem>> -> memref<1x128x128xf32, #tpu.memory_space<vmem>>
        %dma_start3A_483 = tpu.memref_squeeze %dma_start3A_482 : memref<1x128x128xf32, #tpu.memory_space<vmem>> -> memref<128x128xf32, #tpu.memory_space<vmem>>
        %dma_start3A_484 = arith.constant 0 : i32
        %dma_start3A_485 = tpu.memref_slice %arg5[%dma_start3A_477, %dma_start3A_484] : memref<4x128xi32, #tpu.memory_space<vmem>> -> memref<1x128xi32, #tpu.memory_space<vmem>>
        %dma_start3A_486 = tpu.memref_squeeze %dma_start3A_485 : memref<1x128xi32, #tpu.memory_space<vmem>> -> memref<128xi32, #tpu.memory_space<vmem>>
        %dma_start3A_487 = arith.constant 0 : i32
        %dma_start3A_488 = arith.constant 0 : i32
        %dma_start3A_489 = tpu.memref_slice %arg2[%dma_start3A_487, %dma_start3A_488] : memref<10000x128xf32, #tpu.memory_space<hbm>> -> memref<10000x128xf32, #tpu.memory_space<hbm>>
        %dma_start3A_490 = tpu.memref_slice %arg9[%dma_start3A_479] : memref<2x!tpu.dma_semaphore, #tpu.memory_space<semaphore_mem>> -> memref<1x!tpu.dma_semaphore, #tpu.memory_space<semaphore_mem>>
        %dma_start3A_491 = tpu.memref_squeeze %dma_start3A_490 : memref<1x!tpu.dma_semaphore, #tpu.memory_space<semaphore_mem>> -> memref<!tpu.dma_semaphore, #tpu.memory_space<semaphore_mem>>
        tpu.enqueue_indirect_dma source(%dma_start3A_489 : memref<10000x128xf32, #tpu.memory_space<hbm>>) target(%dma_start3A_483 : memref<128x128xf32, #tpu.memory_space<vmem>>) offsets(%dma_start3A_486 : memref<128xi32, #tpu.memory_space<vmem>>) semaphore(%dma_start3A_491 : memref<!tpu.dma_semaphore, #tpu.memory_space<semaphore_mem>>)
      } else {
      }
      %mul3A_332 = arith.constant 4 : i32
      %mul3A_333 = arith.muli %while3A_225, %mul3A_332 : i32
      %add3A_334 = arith.constant 2 : i32
      %add3A_335 = arith.addi %mul3A_333, %add3A_334 : i32
      %dma_wait3A_336 = arith.constant 2 : i32
      %dma_wait3A_337 = arith.constant 0 : i32
      %dma_wait3A_338 = arith.constant 0 : i32
      %dma_wait3A_339 = arith.constant 0 : i32
      %dma_wait3A_340 = arith.constant 0 : i32
      %dma_wait3A_341 = tpu.memref_slice %arg7[%dma_wait3A_337, %dma_wait3A_339, %dma_wait3A_340] : memref<2x128x128xf32, #tpu.memory_space<vmem>> -> memref<1x128x128xf32, #tpu.memory_space<vmem>>
      %dma_wait3A_342 = tpu.memref_squeeze %dma_wait3A_341 : memref<1x128x128xf32, #tpu.memory_space<vmem>> -> memref<128x128xf32, #tpu.memory_space<vmem>>
      %dma_wait3A_343 = arith.constant 0 : i32
      %dma_wait3A_344 = tpu.memref_slice %arg5[%dma_wait3A_336, %dma_wait3A_343] : memref<4x128xi32, #tpu.memory_space<vmem>> -> memref<1x128xi32, #tpu.memory_space<vmem>>
      %dma_wait3A_345 = tpu.memref_squeeze %dma_wait3A_344 : memref<1x128xi32, #tpu.memory_space<vmem>> -> memref<128xi32, #tpu.memory_space<vmem>>
      %dma_wait3A_346 = arith.constant 0 : i32
      %dma_wait3A_347 = arith.constant 0 : i32
      %dma_wait3A_348 = tpu.memref_slice %arg2[%dma_wait3A_346, %dma_wait3A_347] : memref<10000x128xf32, #tpu.memory_space<hbm>> -> memref<10000x128xf32, #tpu.memory_space<hbm>>
      %dma_wait3A_349 = tpu.memref_slice %arg9[%dma_wait3A_338] : memref<2x!tpu.dma_semaphore, #tpu.memory_space<semaphore_mem>> -> memref<1x!tpu.dma_semaphore, #tpu.memory_space<semaphore_mem>>
      %dma_wait3A_350 = tpu.memref_squeeze %dma_wait3A_349 : memref<1x!tpu.dma_semaphore, #tpu.memory_space<semaphore_mem>> -> memref<!tpu.dma_semaphore, #tpu.memory_space<semaphore_mem>>
      tpu.wait_indirect_dma semaphore(%dma_wait3A_350 : memref<!tpu.dma_semaphore, #tpu.memory_space<semaphore_mem>>) src(%dma_wait3A_348 : memref<10000x128xf32, #tpu.memory_space<hbm>>) dst(%dma_wait3A_342 : memref<128x128xf32, #tpu.memory_space<vmem>>)
      %dma_start3A_351 = arith.constant 0 : i32
      %dma_start3A_352 = arith.constant 2 : i32
      %dma_start3A_353 = arith.constant 0 : i32
      %dma_start3A_354 = arith.constant 0 : i32
      %dma_start3A_355 = arith.constant 0 : i32
      %dma_start3A_356 = tpu.memref_slice %arg7[%dma_start3A_351, %dma_start3A_354, %dma_start3A_355] : memref<2x128x128xf32, #tpu.memory_space<vmem>> -> memref<1x128x128xf32, #tpu.memory_space<vmem>>
      %dma_start3A_357 = tpu.memref_squeeze %dma_start3A_356 : memref<1x128x128xf32, #tpu.memory_space<vmem>> -> memref<128x128xf32, #tpu.memory_space<vmem>>
      %dma_start3A_358 = arith.constant 0 : i32
      %dma_start3A_359 = tpu.memref_slice %arg6[%dma_start3A_352, %dma_start3A_358] : memref<4x128xi32, #tpu.memory_space<vmem>> -> memref<1x128xi32, #tpu.memory_space<vmem>>
      %dma_start3A_360 = tpu.memref_squeeze %dma_start3A_359 : memref<1x128xi32, #tpu.memory_space<vmem>> -> memref<128xi32, #tpu.memory_space<vmem>>
      %dma_start3A_361 = arith.constant 0 : i32
      %dma_start3A_362 = arith.constant 0 : i32
      %dma_start3A_363 = tpu.memref_slice %arg8[%dma_start3A_361, %dma_start3A_362] : memref<10240x128xf32, #tpu.memory_space<vmem_shared>> -> memref<10240x128xf32, #tpu.memory_space<vmem_shared>>
      %dma_start3A_364 = tpu.memref_slice %arg10[%dma_start3A_353] : memref<2x!tpu.dma_semaphore, #tpu.memory_space<semaphore_mem>> -> memref<1x!tpu.dma_semaphore, #tpu.memory_space<semaphore_mem>>
      %dma_start3A_365 = tpu.memref_squeeze %dma_start3A_364 : memref<1x!tpu.dma_semaphore, #tpu.memory_space<semaphore_mem>> -> memref<!tpu.dma_semaphore, #tpu.memory_space<semaphore_mem>>
      tpu.enqueue_indirect_dma source(%dma_start3A_357 : memref<128x128xf32, #tpu.memory_space<vmem>>) target(%dma_start3A_363 : memref<10240x128xf32, #tpu.memory_space<vmem_shared>>) offsets(%dma_start3A_360 : memref<128xi32, #tpu.memory_space<vmem>>) semaphore(%dma_start3A_365 : memref<!tpu.dma_semaphore, #tpu.memory_space<semaphore_mem>>) {add = true}
      %ge3A_366 = arith.constant 1 : i32
      %ge3A_367 = arith.cmpi sge, %add3A_335, %ge3A_366 : i32
      %add3A_368 = arith.constant 1 : i32
      %add3A_369 = arith.addi %add3A_335, %add3A_368 : i32
      %lt3A_370 = arith.cmpi slt, %add3A_369, %select_n3A : i32
      %and3A_371 = arith.andi %ge3A_367, %lt3A_370 : i1
      %convert_element_type3A_372 = arith.extui %and3A_371 : i1 to i32
      %cond3A_373 = arith.constant 0 : i32
      %cond3A_374 = arith.cmpi ne, %convert_element_type3A_372, %cond3A_373 : i32
      scf.if %cond3A_374 {
        %dma_wait3A_442 = arith.constant 1 : i32
        %dma_wait3A_443 = arith.constant 2 : i32
        %dma_wait3A_444 = arith.constant 1 : i32
        %dma_wait3A_445 = arith.constant 0 : i32
        %dma_wait3A_446 = arith.constant 0 : i32
        %dma_wait3A_447 = tpu.memref_slice %arg7[%dma_wait3A_442, %dma_wait3A_445, %dma_wait3A_446] : memref<2x128x128xf32, #tpu.memory_space<vmem>> -> memref<1x128x128xf32, #tpu.memory_space<vmem>>
        %dma_wait3A_448 = tpu.memref_squeeze %dma_wait3A_447 : memref<1x128x128xf32, #tpu.memory_space<vmem>> -> memref<128x128xf32, #tpu.memory_space<vmem>>
        %dma_wait3A_449 = arith.constant 0 : i32
        %dma_wait3A_450 = tpu.memref_slice %arg6[%dma_wait3A_443, %dma_wait3A_449] : memref<4x128xi32, #tpu.memory_space<vmem>> -> memref<1x128xi32, #tpu.memory_space<vmem>>
        %dma_wait3A_451 = tpu.memref_squeeze %dma_wait3A_450 : memref<1x128xi32, #tpu.memory_space<vmem>> -> memref<128xi32, #tpu.memory_space<vmem>>
        %dma_wait3A_452 = arith.constant 0 : i32
        %dma_wait3A_453 = arith.constant 0 : i32
        %dma_wait3A_454 = tpu.memref_slice %arg8[%dma_wait3A_452, %dma_wait3A_453] : memref<10240x128xf32, #tpu.memory_space<vmem_shared>> -> memref<10240x128xf32, #tpu.memory_space<vmem_shared>>
        %dma_wait3A_455 = tpu.memref_slice %arg10[%dma_wait3A_444] : memref<2x!tpu.dma_semaphore, #tpu.memory_space<semaphore_mem>> -> memref<1x!tpu.dma_semaphore, #tpu.memory_space<semaphore_mem>>
        %dma_wait3A_456 = tpu.memref_squeeze %dma_wait3A_455 : memref<1x!tpu.dma_semaphore, #tpu.memory_space<semaphore_mem>> -> memref<!tpu.dma_semaphore, #tpu.memory_space<semaphore_mem>>
        tpu.wait_indirect_dma semaphore(%dma_wait3A_456 : memref<!tpu.dma_semaphore, #tpu.memory_space<semaphore_mem>>) src(%dma_wait3A_448 : memref<128x128xf32, #tpu.memory_space<vmem>>) dst(%dma_wait3A_454 : memref<10240x128xf32, #tpu.memory_space<vmem_shared>>)
      } else {
      }
      %add3A_375 = arith.constant 3 : i32
      %add3A_376 = arith.addi %add3A_335, %add3A_375 : i32
      %lt3A_377 = arith.cmpi slt, %add3A_376, %select_n3A : i32
      %convert_element_type3A_378 = arith.extui %lt3A_377 : i1 to i32
      %cond3A_379 = arith.constant 0 : i32
      %cond3A_380 = arith.cmpi ne, %convert_element_type3A_378, %cond3A_379 : i32
      scf.if %cond3A_380 {
        %add3A_442 = arith.constant 3 : i32
        %add3A_443 = arith.addi %add3A_335, %add3A_442 : i32
        %add3A_444 = arith.addi %mul3A_11, %add3A_443 : i32
        %mul3A_445 = arith.constant 128 : i32
        %mul3A_446 = arith.muli %add3A_444, %mul3A_445 : i32
        %dma_start3A_447 = arith.constant 0 : i32
        %dma_start3A_448 = arith.constant 1 : i32
        %dma_start3A_449 = arith.constant 1 : i32
        %dma_start3A_450 = arith.constant 0 : i32
        %dma_start3A_451 = tpu.memref_slice %arg5[%dma_start3A_448, %dma_start3A_450] : memref<4x128xi32, #tpu.memory_space<vmem>> -> memref<1x128xi32, #tpu.memory_space<vmem>>
        %dma_start3A_452 = tpu.memref_squeeze %dma_start3A_451 : memref<1x128xi32, #tpu.memory_space<vmem>> -> memref<128xi32, #tpu.memory_space<vmem>>
        %dma_start3A_453 = tpu.memref_slice %arg3[%dma_start3A_447, %mul3A_446] : memref<2x320000xi32, #tpu.memory_space<hbm>> -> memref<1x128xi32, #tpu.memory_space<hbm>>
        %dma_start3A_454 = tpu.memref_squeeze %dma_start3A_453 : memref<1x128xi32, #tpu.memory_space<hbm>> -> memref<128xi32, #tpu.memory_space<hbm>>
        %dma_start3A_455 = tpu.memref_slice %arg11[%dma_start3A_449] : memref<4x!tpu.dma_semaphore, #tpu.memory_space<semaphore_mem>> -> memref<1x!tpu.dma_semaphore, #tpu.memory_space<semaphore_mem>>
        %dma_start3A_456 = tpu.memref_squeeze %dma_start3A_455 : memref<1x!tpu.dma_semaphore, #tpu.memory_space<semaphore_mem>> -> memref<!tpu.dma_semaphore, #tpu.memory_space<semaphore_mem>>
        %dma_start3A_457 = arith.constant 0 : i32
        %dma_start3A_458 = tpu.memref_slice %arg5[%dma_start3A_448, %dma_start3A_457] : memref<4x128xi32, #tpu.memory_space<vmem>> -> memref<1x128xi32, #tpu.memory_space<vmem>>
        %dma_start3A_459 = tpu.memref_squeeze %dma_start3A_458 : memref<1x128xi32, #tpu.memory_space<vmem>> -> memref<128xi32, #tpu.memory_space<vmem>>
        %dma_start3A_460 = tpu.memref_slice %arg3[%dma_start3A_447, %mul3A_446] : memref<2x320000xi32, #tpu.memory_space<hbm>> -> memref<1x128xi32, #tpu.memory_space<hbm>>
        %dma_start3A_461 = tpu.memref_squeeze %dma_start3A_460 : memref<1x128xi32, #tpu.memory_space<hbm>> -> memref<128xi32, #tpu.memory_space<hbm>>
        tpu.enqueue_dma source(%dma_start3A_461 : memref<128xi32, #tpu.memory_space<hbm>>) target(%dma_start3A_459 : memref<128xi32, #tpu.memory_space<vmem>>) target_semaphore(%dma_start3A_456 : memref<!tpu.dma_semaphore, #tpu.memory_space<semaphore_mem>>)
        %dma_start3A_462 = arith.constant 1 : i32
        %dma_start3A_463 = arith.constant 1 : i32
        %dma_start3A_464 = arith.constant 1 : i32
        %dma_start3A_465 = arith.constant 0 : i32
        %dma_start3A_466 = tpu.memref_slice %arg6[%dma_start3A_463, %dma_start3A_465] : memref<4x128xi32, #tpu.memory_space<vmem>> -> memref<1x128xi32, #tpu.memory_space<vmem>>
        %dma_start3A_467 = tpu.memref_squeeze %dma_start3A_466 : memref<1x128xi32, #tpu.memory_space<vmem>> -> memref<128xi32, #tpu.memory_space<vmem>>
        %dma_start3A_468 = tpu.memref_slice %arg3[%dma_start3A_462, %mul3A_446] : memref<2x320000xi32, #tpu.memory_space<hbm>> -> memref<1x128xi32, #tpu.memory_space<hbm>>
        %dma_start3A_469 = tpu.memref_squeeze %dma_start3A_468 : memref<1x128xi32, #tpu.memory_space<hbm>> -> memref<128xi32, #tpu.memory_space<hbm>>
        %dma_start3A_470 = tpu.memref_slice %arg11[%dma_start3A_464] : memref<4x!tpu.dma_semaphore, #tpu.memory_space<semaphore_mem>> -> memref<1x!tpu.dma_semaphore, #tpu.memory_space<semaphore_mem>>
        %dma_start3A_471 = tpu.memref_squeeze %dma_start3A_470 : memref<1x!tpu.dma_semaphore, #tpu.memory_space<semaphore_mem>> -> memref<!tpu.dma_semaphore, #tpu.memory_space<semaphore_mem>>
        %dma_start3A_472 = arith.constant 0 : i32
        %dma_start3A_473 = tpu.memref_slice %arg6[%dma_start3A_463, %dma_start3A_472] : memref<4x128xi32, #tpu.memory_space<vmem>> -> memref<1x128xi32, #tpu.memory_space<vmem>>
        %dma_start3A_474 = tpu.memref_squeeze %dma_start3A_473 : memref<1x128xi32, #tpu.memory_space<vmem>> -> memref<128xi32, #tpu.memory_space<vmem>>
        %dma_start3A_475 = tpu.memref_slice %arg3[%dma_start3A_462, %mul3A_446] : memref<2x320000xi32, #tpu.memory_space<hbm>> -> memref<1x128xi32, #tpu.memory_space<hbm>>
        %dma_start3A_476 = tpu.memref_squeeze %dma_start3A_475 : memref<1x128xi32, #tpu.memory_space<hbm>> -> memref<128xi32, #tpu.memory_space<hbm>>
        tpu.enqueue_dma source(%dma_start3A_476 : memref<128xi32, #tpu.memory_space<hbm>>) target(%dma_start3A_474 : memref<128xi32, #tpu.memory_space<vmem>>) target_semaphore(%dma_start3A_471 : memref<!tpu.dma_semaphore, #tpu.memory_space<semaphore_mem>>)
      } else {
      }
      %add3A_381 = arith.constant 1 : i32
      %add3A_382 = arith.addi %add3A_335, %add3A_381 : i32
      %lt3A_383 = arith.cmpi slt, %add3A_382, %select_n3A : i32
      %convert_element_type3A_384 = arith.extui %lt3A_383 : i1 to i32
      %cond3A_385 = arith.constant 0 : i32
      %cond3A_386 = arith.cmpi ne, %convert_element_type3A_384, %cond3A_385 : i32
      scf.if %cond3A_386 {
        %add3A_442 = arith.constant 1 : i32
        %add3A_443 = arith.addi %add3A_335, %add3A_442 : i32
        %add3A_444 = arith.addi %mul3A_11, %add3A_443 : i32
        %mul3A_445 = arith.constant 128 : i32
        %mul3A_446 = arith.muli %add3A_444, %mul3A_445 : i32
        %dma_wait3A_447 = arith.constant 0 : i32
        %dma_wait3A_448 = arith.constant 3 : i32
        %dma_wait3A_449 = arith.constant 3 : i32
        %dma_wait3A_450 = arith.constant 0 : i32
        %dma_wait3A_451 = tpu.memref_slice %arg5[%dma_wait3A_448, %dma_wait3A_450] : memref<4x128xi32, #tpu.memory_space<vmem>> -> memref<1x128xi32, #tpu.memory_space<vmem>>
        %dma_wait3A_452 = tpu.memref_squeeze %dma_wait3A_451 : memref<1x128xi32, #tpu.memory_space<vmem>> -> memref<128xi32, #tpu.memory_space<vmem>>
        %dma_wait3A_453 = tpu.memref_slice %arg3[%dma_wait3A_447, %mul3A_446] : memref<2x320000xi32, #tpu.memory_space<hbm>> -> memref<1x128xi32, #tpu.memory_space<hbm>>
        %dma_wait3A_454 = tpu.memref_squeeze %dma_wait3A_453 : memref<1x128xi32, #tpu.memory_space<hbm>> -> memref<128xi32, #tpu.memory_space<hbm>>
        %dma_wait3A_455 = tpu.memref_slice %arg11[%dma_wait3A_449] : memref<4x!tpu.dma_semaphore, #tpu.memory_space<semaphore_mem>> -> memref<1x!tpu.dma_semaphore, #tpu.memory_space<semaphore_mem>>
        %dma_wait3A_456 = tpu.memref_squeeze %dma_wait3A_455 : memref<1x!tpu.dma_semaphore, #tpu.memory_space<semaphore_mem>> -> memref<!tpu.dma_semaphore, #tpu.memory_space<semaphore_mem>>
        %dma_wait3A_457 = arith.constant 0 : i32
        %dma_wait3A_458 = tpu.memref_slice %arg5[%dma_wait3A_448, %dma_wait3A_457] : memref<4x128xi32, #tpu.memory_space<vmem>> -> memref<1x128xi32, #tpu.memory_space<vmem>>
        %dma_wait3A_459 = tpu.memref_squeeze %dma_wait3A_458 : memref<1x128xi32, #tpu.memory_space<vmem>> -> memref<128xi32, #tpu.memory_space<vmem>>
        %dma_wait3A_460 = tpu.memref_slice %arg3[%dma_wait3A_447, %mul3A_446] : memref<2x320000xi32, #tpu.memory_space<hbm>> -> memref<1x128xi32, #tpu.memory_space<hbm>>
        %dma_wait3A_461 = tpu.memref_squeeze %dma_wait3A_460 : memref<1x128xi32, #tpu.memory_space<hbm>> -> memref<128xi32, #tpu.memory_space<hbm>>
        tpu.wait_dma2 semaphore(%dma_wait3A_456 : memref<!tpu.dma_semaphore, #tpu.memory_space<semaphore_mem>>) src(%dma_wait3A_461 : memref<128xi32, #tpu.memory_space<hbm>>) dst(%dma_wait3A_459 : memref<128xi32, #tpu.memory_space<vmem>>)
        %dma_wait3A_462 = arith.constant 1 : i32
        %dma_wait3A_463 = arith.constant 3 : i32
        %dma_wait3A_464 = arith.constant 3 : i32
        %dma_wait3A_465 = arith.constant 0 : i32
        %dma_wait3A_466 = tpu.memref_slice %arg6[%dma_wait3A_463, %dma_wait3A_465] : memref<4x128xi32, #tpu.memory_space<vmem>> -> memref<1x128xi32, #tpu.memory_space<vmem>>
        %dma_wait3A_467 = tpu.memref_squeeze %dma_wait3A_466 : memref<1x128xi32, #tpu.memory_space<vmem>> -> memref<128xi32, #tpu.memory_space<vmem>>
        %dma_wait3A_468 = tpu.memref_slice %arg3[%dma_wait3A_462, %mul3A_446] : memref<2x320000xi32, #tpu.memory_space<hbm>> -> memref<1x128xi32, #tpu.memory_space<hbm>>
        %dma_wait3A_469 = tpu.memref_squeeze %dma_wait3A_468 : memref<1x128xi32, #tpu.memory_space<hbm>> -> memref<128xi32, #tpu.memory_space<hbm>>
        %dma_wait3A_470 = tpu.memref_slice %arg11[%dma_wait3A_464] : memref<4x!tpu.dma_semaphore, #tpu.memory_space<semaphore_mem>> -> memref<1x!tpu.dma_semaphore, #tpu.memory_space<semaphore_mem>>
        %dma_wait3A_471 = tpu.memref_squeeze %dma_wait3A_470 : memref<1x!tpu.dma_semaphore, #tpu.memory_space<semaphore_mem>> -> memref<!tpu.dma_semaphore, #tpu.memory_space<semaphore_mem>>
        %dma_wait3A_472 = arith.constant 0 : i32
        %dma_wait3A_473 = tpu.memref_slice %arg6[%dma_wait3A_463, %dma_wait3A_472] : memref<4x128xi32, #tpu.memory_space<vmem>> -> memref<1x128xi32, #tpu.memory_space<vmem>>
        %dma_wait3A_474 = tpu.memref_squeeze %dma_wait3A_473 : memref<1x128xi32, #tpu.memory_space<vmem>> -> memref<128xi32, #tpu.memory_space<vmem>>
        %dma_wait3A_475 = tpu.memref_slice %arg3[%dma_wait3A_462, %mul3A_446] : memref<2x320000xi32, #tpu.memory_space<hbm>> -> memref<1x128xi32, #tpu.memory_space<hbm>>
        %dma_wait3A_476 = tpu.memref_squeeze %dma_wait3A_475 : memref<1x128xi32, #tpu.memory_space<hbm>> -> memref<128xi32, #tpu.memory_space<hbm>>
        tpu.wait_dma2 semaphore(%dma_wait3A_471 : memref<!tpu.dma_semaphore, #tpu.memory_space<semaphore_mem>>) src(%dma_wait3A_476 : memref<128xi32, #tpu.memory_space<hbm>>) dst(%dma_wait3A_474 : memref<128xi32, #tpu.memory_space<vmem>>)
        %dma_start3A_477 = arith.constant 3 : i32
        %dma_start3A_478 = arith.constant 1 : i32
        %dma_start3A_479 = arith.constant 1 : i32
        %dma_start3A_480 = arith.constant 0 : i32
        %dma_start3A_481 = arith.constant 0 : i32
        %dma_start3A_482 = tpu.memref_slice %arg7[%dma_start3A_478, %dma_start3A_480, %dma_start3A_481] : memref<2x128x128xf32, #tpu.memory_space<vmem>> -> memref<1x128x128xf32, #tpu.memory_space<vmem>>
        %dma_start3A_483 = tpu.memref_squeeze %dma_start3A_482 : memref<1x128x128xf32, #tpu.memory_space<vmem>> -> memref<128x128xf32, #tpu.memory_space<vmem>>
        %dma_start3A_484 = arith.constant 0 : i32
        %dma_start3A_485 = tpu.memref_slice %arg5[%dma_start3A_477, %dma_start3A_484] : memref<4x128xi32, #tpu.memory_space<vmem>> -> memref<1x128xi32, #tpu.memory_space<vmem>>
        %dma_start3A_486 = tpu.memref_squeeze %dma_start3A_485 : memref<1x128xi32, #tpu.memory_space<vmem>> -> memref<128xi32, #tpu.memory_space<vmem>>
        %dma_start3A_487 = arith.constant 0 : i32
        %dma_start3A_488 = arith.constant 0 : i32
        %dma_start3A_489 = tpu.memref_slice %arg2[%dma_start3A_487, %dma_start3A_488] : memref<10000x128xf32, #tpu.memory_space<hbm>> -> memref<10000x128xf32, #tpu.memory_space<hbm>>
        %dma_start3A_490 = tpu.memref_slice %arg9[%dma_start3A_479] : memref<2x!tpu.dma_semaphore, #tpu.memory_space<semaphore_mem>> -> memref<1x!tpu.dma_semaphore, #tpu.memory_space<semaphore_mem>>
        %dma_start3A_491 = tpu.memref_squeeze %dma_start3A_490 : memref<1x!tpu.dma_semaphore, #tpu.memory_space<semaphore_mem>> -> memref<!tpu.dma_semaphore, #tpu.memory_space<semaphore_mem>>
        tpu.enqueue_indirect_dma source(%dma_start3A_489 : memref<10000x128xf32, #tpu.memory_space<hbm>>) target(%dma_start3A_483 : memref<128x128xf32, #tpu.memory_space<vmem>>) offsets(%dma_start3A_486 : memref<128xi32, #tpu.memory_space<vmem>>) semaphore(%dma_start3A_491 : memref<!tpu.dma_semaphore, #tpu.memory_space<semaphore_mem>>)
      } else {
      }
      %mul3A_387 = arith.constant 4 : i32
      %mul3A_388 = arith.muli %while3A_225, %mul3A_387 : i32
      %add3A_389 = arith.constant 3 : i32
      %add3A_390 = arith.addi %mul3A_388, %add3A_389 : i32
      %dma_wait3A_391 = arith.constant 3 : i32
      %dma_wait3A_392 = arith.constant 1 : i32
      %dma_wait3A_393 = arith.constant 1 : i32
      %dma_wait3A_394 = arith.constant 0 : i32
      %dma_wait3A_395 = arith.constant 0 : i32
      %dma_wait3A_396 = tpu.memref_slice %arg7[%dma_wait3A_392, %dma_wait3A_394, %dma_wait3A_395] : memref<2x128x128xf32, #tpu.memory_space<vmem>> -> memref<1x128x128xf32, #tpu.memory_space<vmem>>
      %dma_wait3A_397 = tpu.memref_squeeze %dma_wait3A_396 : memref<1x128x128xf32, #tpu.memory_space<vmem>> -> memref<128x128xf32, #tpu.memory_space<vmem>>
      %dma_wait3A_398 = arith.constant 0 : i32
      %dma_wait3A_399 = tpu.memref_slice %arg5[%dma_wait3A_391, %dma_wait3A_398] : memref<4x128xi32, #tpu.memory_space<vmem>> -> memref<1x128xi32, #tpu.memory_space<vmem>>
      %dma_wait3A_400 = tpu.memref_squeeze %dma_wait3A_399 : memref<1x128xi32, #tpu.memory_space<vmem>> -> memref<128xi32, #tpu.memory_space<vmem>>
      %dma_wait3A_401 = arith.constant 0 : i32
      %dma_wait3A_402 = arith.constant 0 : i32
      %dma_wait3A_403 = tpu.memref_slice %arg2[%dma_wait3A_401, %dma_wait3A_402] : memref<10000x128xf32, #tpu.memory_space<hbm>> -> memref<10000x128xf32, #tpu.memory_space<hbm>>
      %dma_wait3A_404 = tpu.memref_slice %arg9[%dma_wait3A_393] : memref<2x!tpu.dma_semaphore, #tpu.memory_space<semaphore_mem>> -> memref<1x!tpu.dma_semaphore, #tpu.memory_space<semaphore_mem>>
      %dma_wait3A_405 = tpu.memref_squeeze %dma_wait3A_404 : memref<1x!tpu.dma_semaphore, #tpu.memory_space<semaphore_mem>> -> memref<!tpu.dma_semaphore, #tpu.memory_space<semaphore_mem>>
      tpu.wait_indirect_dma semaphore(%dma_wait3A_405 : memref<!tpu.dma_semaphore, #tpu.memory_space<semaphore_mem>>) src(%dma_wait3A_403 : memref<10000x128xf32, #tpu.memory_space<hbm>>) dst(%dma_wait3A_397 : memref<128x128xf32, #tpu.memory_space<vmem>>)
      %dma_start3A_406 = arith.constant 1 : i32
      %dma_start3A_407 = arith.constant 3 : i32
      %dma_start3A_408 = arith.constant 1 : i32
      %dma_start3A_409 = arith.constant 0 : i32
      %dma_start3A_410 = arith.constant 0 : i32
      %dma_start3A_411 = tpu.memref_slice %arg7[%dma_start3A_406, %dma_start3A_409, %dma_start3A_410] : memref<2x128x128xf32, #tpu.memory_space<vmem>> -> memref<1x128x128xf32, #tpu.memory_space<vmem>>
      %dma_start3A_412 = tpu.memref_squeeze %dma_start3A_411 : memref<1x128x128xf32, #tpu.memory_space<vmem>> -> memref<128x128xf32, #tpu.memory_space<vmem>>
      %dma_start3A_413 = arith.constant 0 : i32
      %dma_start3A_414 = tpu.memref_slice %arg6[%dma_start3A_407, %dma_start3A_413] : memref<4x128xi32, #tpu.memory_space<vmem>> -> memref<1x128xi32, #tpu.memory_space<vmem>>
      %dma_start3A_415 = tpu.memref_squeeze %dma_start3A_414 : memref<1x128xi32, #tpu.memory_space<vmem>> -> memref<128xi32, #tpu.memory_space<vmem>>
      %dma_start3A_416 = arith.constant 0 : i32
      %dma_start3A_417 = arith.constant 0 : i32
      %dma_start3A_418 = tpu.memref_slice %arg8[%dma_start3A_416, %dma_start3A_417] : memref<10240x128xf32, #tpu.memory_space<vmem_shared>> -> memref<10240x128xf32, #tpu.memory_space<vmem_shared>>
      %dma_start3A_419 = tpu.memref_slice %arg10[%dma_start3A_408] : memref<2x!tpu.dma_semaphore, #tpu.memory_space<semaphore_mem>> -> memref<1x!tpu.dma_semaphore, #tpu.memory_space<semaphore_mem>>
      %dma_start3A_420 = tpu.memref_squeeze %dma_start3A_419 : memref<1x!tpu.dma_semaphore, #tpu.memory_space<semaphore_mem>> -> memref<!tpu.dma_semaphore, #tpu.memory_space<semaphore_mem>>
      tpu.enqueue_indirect_dma source(%dma_start3A_412 : memref<128x128xf32, #tpu.memory_space<vmem>>) target(%dma_start3A_418 : memref<10240x128xf32, #tpu.memory_space<vmem_shared>>) offsets(%dma_start3A_415 : memref<128xi32, #tpu.memory_space<vmem>>) semaphore(%dma_start3A_420 : memref<!tpu.dma_semaphore, #tpu.memory_space<semaphore_mem>>) {add = true}
      %ge3A_421 = arith.constant 1 : i32
      %ge3A_422 = arith.cmpi sge, %add3A_390, %ge3A_421 : i32
      %add3A_423 = arith.constant 1 : i32
      %add3A_424 = arith.addi %add3A_390, %add3A_423 : i32
      %lt3A_425 = arith.cmpi slt, %add3A_424, %select_n3A : i32
      %and3A_426 = arith.andi %ge3A_422, %lt3A_425 : i1
      %convert_element_type3A_427 = arith.extui %and3A_426 : i1 to i32
      %cond3A_428 = arith.constant 0 : i32
      %cond3A_429 = arith.cmpi ne, %convert_element_type3A_427, %cond3A_428 : i32
      scf.if %cond3A_429 {
        %dma_wait3A_442 = arith.constant 0 : i32
        %dma_wait3A_443 = arith.constant 3 : i32
        %dma_wait3A_444 = arith.constant 0 : i32
        %dma_wait3A_445 = arith.constant 0 : i32
        %dma_wait3A_446 = arith.constant 0 : i32
        %dma_wait3A_447 = tpu.memref_slice %arg7[%dma_wait3A_442, %dma_wait3A_445, %dma_wait3A_446] : memref<2x128x128xf32, #tpu.memory_space<vmem>> -> memref<1x128x128xf32, #tpu.memory_space<vmem>>
        %dma_wait3A_448 = tpu.memref_squeeze %dma_wait3A_447 : memref<1x128x128xf32, #tpu.memory_space<vmem>> -> memref<128x128xf32, #tpu.memory_space<vmem>>
        %dma_wait3A_449 = arith.constant 0 : i32
        %dma_wait3A_450 = tpu.memref_slice %arg6[%dma_wait3A_443, %dma_wait3A_449] : memref<4x128xi32, #tpu.memory_space<vmem>> -> memref<1x128xi32, #tpu.memory_space<vmem>>
        %dma_wait3A_451 = tpu.memref_squeeze %dma_wait3A_450 : memref<1x128xi32, #tpu.memory_space<vmem>> -> memref<128xi32, #tpu.memory_space<vmem>>
        %dma_wait3A_452 = arith.constant 0 : i32
        %dma_wait3A_453 = arith.constant 0 : i32
        %dma_wait3A_454 = tpu.memref_slice %arg8[%dma_wait3A_452, %dma_wait3A_453] : memref<10240x128xf32, #tpu.memory_space<vmem_shared>> -> memref<10240x128xf32, #tpu.memory_space<vmem_shared>>
        %dma_wait3A_455 = tpu.memref_slice %arg10[%dma_wait3A_444] : memref<2x!tpu.dma_semaphore, #tpu.memory_space<semaphore_mem>> -> memref<1x!tpu.dma_semaphore, #tpu.memory_space<semaphore_mem>>
        %dma_wait3A_456 = tpu.memref_squeeze %dma_wait3A_455 : memref<1x!tpu.dma_semaphore, #tpu.memory_space<semaphore_mem>> -> memref<!tpu.dma_semaphore, #tpu.memory_space<semaphore_mem>>
        tpu.wait_indirect_dma semaphore(%dma_wait3A_456 : memref<!tpu.dma_semaphore, #tpu.memory_space<semaphore_mem>>) src(%dma_wait3A_448 : memref<128x128xf32, #tpu.memory_space<vmem>>) dst(%dma_wait3A_454 : memref<10240x128xf32, #tpu.memory_space<vmem_shared>>)
      } else {
      }
      %add3A_430 = arith.constant 3 : i32
      %add3A_431 = arith.addi %add3A_390, %add3A_430 : i32
      %lt3A_432 = arith.cmpi slt, %add3A_431, %select_n3A : i32
      %convert_element_type3A_433 = arith.extui %lt3A_432 : i1 to i32
      %cond3A_434 = arith.constant 0 : i32
      %cond3A_435 = arith.cmpi ne, %convert_element_type3A_433, %cond3A_434 : i32
      scf.if %cond3A_435 {
        %add3A_442 = arith.constant 3 : i32
        %add3A_443 = arith.addi %add3A_390, %add3A_442 : i32
        %add3A_444 = arith.addi %mul3A_11, %add3A_443 : i32
        %mul3A_445 = arith.constant 128 : i32
        %mul3A_446 = arith.muli %add3A_444, %mul3A_445 : i32
        %dma_start3A_447 = arith.constant 0 : i32
        %dma_start3A_448 = arith.constant 2 : i32
        %dma_start3A_449 = arith.constant 2 : i32
        %dma_start3A_450 = arith.constant 0 : i32
        %dma_start3A_451 = tpu.memref_slice %arg5[%dma_start3A_448, %dma_start3A_450] : memref<4x128xi32, #tpu.memory_space<vmem>> -> memref<1x128xi32, #tpu.memory_space<vmem>>
        %dma_start3A_452 = tpu.memref_squeeze %dma_start3A_451 : memref<1x128xi32, #tpu.memory_space<vmem>> -> memref<128xi32, #tpu.memory_space<vmem>>
        %dma_start3A_453 = tpu.memref_slice %arg3[%dma_start3A_447, %mul3A_446] : memref<2x320000xi32, #tpu.memory_space<hbm>> -> memref<1x128xi32, #tpu.memory_space<hbm>>
        %dma_start3A_454 = tpu.memref_squeeze %dma_start3A_453 : memref<1x128xi32, #tpu.memory_space<hbm>> -> memref<128xi32, #tpu.memory_space<hbm>>
        %dma_start3A_455 = tpu.memref_slice %arg11[%dma_start3A_449] : memref<4x!tpu.dma_semaphore, #tpu.memory_space<semaphore_mem>> -> memref<1x!tpu.dma_semaphore, #tpu.memory_space<semaphore_mem>>
        %dma_start3A_456 = tpu.memref_squeeze %dma_start3A_455 : memref<1x!tpu.dma_semaphore, #tpu.memory_space<semaphore_mem>> -> memref<!tpu.dma_semaphore, #tpu.memory_space<semaphore_mem>>
        %dma_start3A_457 = arith.constant 0 : i32
        %dma_start3A_458 = tpu.memref_slice %arg5[%dma_start3A_448, %dma_start3A_457] : memref<4x128xi32, #tpu.memory_space<vmem>> -> memref<1x128xi32, #tpu.memory_space<vmem>>
        %dma_start3A_459 = tpu.memref_squeeze %dma_start3A_458 : memref<1x128xi32, #tpu.memory_space<vmem>> -> memref<128xi32, #tpu.memory_space<vmem>>
        %dma_start3A_460 = tpu.memref_slice %arg3[%dma_start3A_447, %mul3A_446] : memref<2x320000xi32, #tpu.memory_space<hbm>> -> memref<1x128xi32, #tpu.memory_space<hbm>>
        %dma_start3A_461 = tpu.memref_squeeze %dma_start3A_460 : memref<1x128xi32, #tpu.memory_space<hbm>> -> memref<128xi32, #tpu.memory_space<hbm>>
        tpu.enqueue_dma source(%dma_start3A_461 : memref<128xi32, #tpu.memory_space<hbm>>) target(%dma_start3A_459 : memref<128xi32, #tpu.memory_space<vmem>>) target_semaphore(%dma_start3A_456 : memref<!tpu.dma_semaphore, #tpu.memory_space<semaphore_mem>>)
        %dma_start3A_462 = arith.constant 1 : i32
        %dma_start3A_463 = arith.constant 2 : i32
        %dma_start3A_464 = arith.constant 2 : i32
        %dma_start3A_465 = arith.constant 0 : i32
        %dma_start3A_466 = tpu.memref_slice %arg6[%dma_start3A_463, %dma_start3A_465] : memref<4x128xi32, #tpu.memory_space<vmem>> -> memref<1x128xi32, #tpu.memory_space<vmem>>
        %dma_start3A_467 = tpu.memref_squeeze %dma_start3A_466 : memref<1x128xi32, #tpu.memory_space<vmem>> -> memref<128xi32, #tpu.memory_space<vmem>>
        %dma_start3A_468 = tpu.memref_slice %arg3[%dma_start3A_462, %mul3A_446] : memref<2x320000xi32, #tpu.memory_space<hbm>> -> memref<1x128xi32, #tpu.memory_space<hbm>>
        %dma_start3A_469 = tpu.memref_squeeze %dma_start3A_468 : memref<1x128xi32, #tpu.memory_space<hbm>> -> memref<128xi32, #tpu.memory_space<hbm>>
        %dma_start3A_470 = tpu.memref_slice %arg11[%dma_start3A_464] : memref<4x!tpu.dma_semaphore, #tpu.memory_space<semaphore_mem>> -> memref<1x!tpu.dma_semaphore, #tpu.memory_space<semaphore_mem>>
        %dma_start3A_471 = tpu.memref_squeeze %dma_start3A_470 : memref<1x!tpu.dma_semaphore, #tpu.memory_space<semaphore_mem>> -> memref<!tpu.dma_semaphore, #tpu.memory_space<semaphore_mem>>
        %dma_start3A_472 = arith.constant 0 : i32
        %dma_start3A_473 = tpu.memref_slice %arg6[%dma_start3A_463, %dma_start3A_472] : memref<4x128xi32, #tpu.memory_space<vmem>> -> memref<1x128xi32, #tpu.memory_space<vmem>>
        %dma_start3A_474 = tpu.memref_squeeze %dma_start3A_473 : memref<1x128xi32, #tpu.memory_space<vmem>> -> memref<128xi32, #tpu.memory_space<vmem>>
        %dma_start3A_475 = tpu.memref_slice %arg3[%dma_start3A_462, %mul3A_446] : memref<2x320000xi32, #tpu.memory_space<hbm>> -> memref<1x128xi32, #tpu.memory_space<hbm>>
        %dma_start3A_476 = tpu.memref_squeeze %dma_start3A_475 : memref<1x128xi32, #tpu.memory_space<hbm>> -> memref<128xi32, #tpu.memory_space<hbm>>
        tpu.enqueue_dma source(%dma_start3A_476 : memref<128xi32, #tpu.memory_space<hbm>>) target(%dma_start3A_474 : memref<128xi32, #tpu.memory_space<vmem>>) target_semaphore(%dma_start3A_471 : memref<!tpu.dma_semaphore, #tpu.memory_space<semaphore_mem>>)
      } else {
      }
      %add3A_436 = arith.constant 1 : i32
      %add3A_437 = arith.addi %add3A_390, %add3A_436 : i32
      %lt3A_438 = arith.cmpi slt, %add3A_437, %select_n3A : i32
      %convert_element_type3A_439 = arith.extui %lt3A_438 : i1 to i32
      %cond3A_440 = arith.constant 0 : i32
      %cond3A_441 = arith.cmpi ne, %convert_element_type3A_439, %cond3A_440 : i32
      scf.if %cond3A_441 {
        %add3A_442 = arith.constant 1 : i32
        %add3A_443 = arith.addi %add3A_390, %add3A_442 : i32
        %add3A_444 = arith.addi %mul3A_11, %add3A_443 : i32
        %mul3A_445 = arith.constant 128 : i32
        %mul3A_446 = arith.muli %add3A_444, %mul3A_445 : i32
        %dma_wait3A_447 = arith.constant 0 : i32
        %dma_wait3A_448 = arith.constant 0 : i32
        %dma_wait3A_449 = arith.constant 0 : i32
        %dma_wait3A_450 = arith.constant 0 : i32
        %dma_wait3A_451 = tpu.memref_slice %arg5[%dma_wait3A_448, %dma_wait3A_450] : memref<4x128xi32, #tpu.memory_space<vmem>> -> memref<1x128xi32, #tpu.memory_space<vmem>>
        %dma_wait3A_452 = tpu.memref_squeeze %dma_wait3A_451 : memref<1x128xi32, #tpu.memory_space<vmem>> -> memref<128xi32, #tpu.memory_space<vmem>>
        %dma_wait3A_453 = tpu.memref_slice %arg3[%dma_wait3A_447, %mul3A_446] : memref<2x320000xi32, #tpu.memory_space<hbm>> -> memref<1x128xi32, #tpu.memory_space<hbm>>
        %dma_wait3A_454 = tpu.memref_squeeze %dma_wait3A_453 : memref<1x128xi32, #tpu.memory_space<hbm>> -> memref<128xi32, #tpu.memory_space<hbm>>
        %dma_wait3A_455 = tpu.memref_slice %arg11[%dma_wait3A_449] : memref<4x!tpu.dma_semaphore, #tpu.memory_space<semaphore_mem>> -> memref<1x!tpu.dma_semaphore, #tpu.memory_space<semaphore_mem>>
        %dma_wait3A_456 = tpu.memref_squeeze %dma_wait3A_455 : memref<1x!tpu.dma_semaphore, #tpu.memory_space<semaphore_mem>> -> memref<!tpu.dma_semaphore, #tpu.memory_space<semaphore_mem>>
        %dma_wait3A_457 = arith.constant 0 : i32
        %dma_wait3A_458 = tpu.memref_slice %arg5[%dma_wait3A_448, %dma_wait3A_457] : memref<4x128xi32, #tpu.memory_space<vmem>> -> memref<1x128xi32, #tpu.memory_space<vmem>>
        %dma_wait3A_459 = tpu.memref_squeeze %dma_wait3A_458 : memref<1x128xi32, #tpu.memory_space<vmem>> -> memref<128xi32, #tpu.memory_space<vmem>>
        %dma_wait3A_460 = tpu.memref_slice %arg3[%dma_wait3A_447, %mul3A_446] : memref<2x320000xi32, #tpu.memory_space<hbm>> -> memref<1x128xi32, #tpu.memory_space<hbm>>
        %dma_wait3A_461 = tpu.memref_squeeze %dma_wait3A_460 : memref<1x128xi32, #tpu.memory_space<hbm>> -> memref<128xi32, #tpu.memory_space<hbm>>
        tpu.wait_dma2 semaphore(%dma_wait3A_456 : memref<!tpu.dma_semaphore, #tpu.memory_space<semaphore_mem>>) src(%dma_wait3A_461 : memref<128xi32, #tpu.memory_space<hbm>>) dst(%dma_wait3A_459 : memref<128xi32, #tpu.memory_space<vmem>>)
        %dma_wait3A_462 = arith.constant 1 : i32
        %dma_wait3A_463 = arith.constant 0 : i32
        %dma_wait3A_464 = arith.constant 0 : i32
        %dma_wait3A_465 = arith.constant 0 : i32
        %dma_wait3A_466 = tpu.memref_slice %arg6[%dma_wait3A_463, %dma_wait3A_465] : memref<4x128xi32, #tpu.memory_space<vmem>> -> memref<1x128xi32, #tpu.memory_space<vmem>>
        %dma_wait3A_467 = tpu.memref_squeeze %dma_wait3A_466 : memref<1x128xi32, #tpu.memory_space<vmem>> -> memref<128xi32, #tpu.memory_space<vmem>>
        %dma_wait3A_468 = tpu.memref_slice %arg3[%dma_wait3A_462, %mul3A_446] : memref<2x320000xi32, #tpu.memory_space<hbm>> -> memref<1x128xi32, #tpu.memory_space<hbm>>
        %dma_wait3A_469 = tpu.memref_squeeze %dma_wait3A_468 : memref<1x128xi32, #tpu.memory_space<hbm>> -> memref<128xi32, #tpu.memory_space<hbm>>
        %dma_wait3A_470 = tpu.memref_slice %arg11[%dma_wait3A_464] : memref<4x!tpu.dma_semaphore, #tpu.memory_space<semaphore_mem>> -> memref<1x!tpu.dma_semaphore, #tpu.memory_space<semaphore_mem>>
        %dma_wait3A_471 = tpu.memref_squeeze %dma_wait3A_470 : memref<1x!tpu.dma_semaphore, #tpu.memory_space<semaphore_mem>> -> memref<!tpu.dma_semaphore, #tpu.memory_space<semaphore_mem>>
        %dma_wait3A_472 = arith.constant 0 : i32
        %dma_wait3A_473 = tpu.memref_slice %arg6[%dma_wait3A_463, %dma_wait3A_472] : memref<4x128xi32, #tpu.memory_space<vmem>> -> memref<1x128xi32, #tpu.memory_space<vmem>>
        %dma_wait3A_474 = tpu.memref_squeeze %dma_wait3A_473 : memref<1x128xi32, #tpu.memory_space<vmem>> -> memref<128xi32, #tpu.memory_space<vmem>>
        %dma_wait3A_475 = tpu.memref_slice %arg3[%dma_wait3A_462, %mul3A_446] : memref<2x320000xi32, #tpu.memory_space<hbm>> -> memref<1x128xi32, #tpu.memory_space<hbm>>
        %dma_wait3A_476 = tpu.memref_squeeze %dma_wait3A_475 : memref<1x128xi32, #tpu.memory_space<hbm>> -> memref<128xi32, #tpu.memory_space<hbm>>
        tpu.wait_dma2 semaphore(%dma_wait3A_471 : memref<!tpu.dma_semaphore, #tpu.memory_space<semaphore_mem>>) src(%dma_wait3A_476 : memref<128xi32, #tpu.memory_space<hbm>>) dst(%dma_wait3A_474 : memref<128xi32, #tpu.memory_space<vmem>>)
        %dma_start3A_477 = arith.constant 0 : i32
        %dma_start3A_478 = arith.constant 0 : i32
        %dma_start3A_479 = arith.constant 0 : i32
        %dma_start3A_480 = arith.constant 0 : i32
        %dma_start3A_481 = arith.constant 0 : i32
        %dma_start3A_482 = tpu.memref_slice %arg7[%dma_start3A_478, %dma_start3A_480, %dma_start3A_481] : memref<2x128x128xf32, #tpu.memory_space<vmem>> -> memref<1x128x128xf32, #tpu.memory_space<vmem>>
        %dma_start3A_483 = tpu.memref_squeeze %dma_start3A_482 : memref<1x128x128xf32, #tpu.memory_space<vmem>> -> memref<128x128xf32, #tpu.memory_space<vmem>>
        %dma_start3A_484 = arith.constant 0 : i32
        %dma_start3A_485 = tpu.memref_slice %arg5[%dma_start3A_477, %dma_start3A_484] : memref<4x128xi32, #tpu.memory_space<vmem>> -> memref<1x128xi32, #tpu.memory_space<vmem>>
        %dma_start3A_486 = tpu.memref_squeeze %dma_start3A_485 : memref<1x128xi32, #tpu.memory_space<vmem>> -> memref<128xi32, #tpu.memory_space<vmem>>
        %dma_start3A_487 = arith.constant 0 : i32
        %dma_start3A_488 = arith.constant 0 : i32
        %dma_start3A_489 = tpu.memref_slice %arg2[%dma_start3A_487, %dma_start3A_488] : memref<10000x128xf32, #tpu.memory_space<hbm>> -> memref<10000x128xf32, #tpu.memory_space<hbm>>
        %dma_start3A_490 = tpu.memref_slice %arg9[%dma_start3A_479] : memref<2x!tpu.dma_semaphore, #tpu.memory_space<semaphore_mem>> -> memref<1x!tpu.dma_semaphore, #tpu.memory_space<semaphore_mem>>
        %dma_start3A_491 = tpu.memref_squeeze %dma_start3A_490 : memref<1x!tpu.dma_semaphore, #tpu.memory_space<semaphore_mem>> -> memref<!tpu.dma_semaphore, #tpu.memory_space<semaphore_mem>>
        tpu.enqueue_indirect_dma source(%dma_start3A_489 : memref<10000x128xf32, #tpu.memory_space<hbm>>) target(%dma_start3A_483 : memref<128x128xf32, #tpu.memory_space<vmem>>) offsets(%dma_start3A_486 : memref<128xi32, #tpu.memory_space<vmem>>) semaphore(%dma_start3A_491 : memref<!tpu.dma_semaphore, #tpu.memory_space<semaphore_mem>>)
      } else {
      }
    }
    %while3A_188 = arith.constant 1 : i32
    scf.for %while3A_225 = %while3A_186 to %while3A_182 step %while3A_188  : i32 {
      %mul3A_226 = arith.constant 4 : i32
      %mul3A_227 = arith.muli %while3A_225, %mul3A_226 : i32
      %add3A_228 = arith.constant 0 : i32
      %add3A_229 = arith.addi %mul3A_227, %add3A_228 : i32
      %dma_wait3A_230 = arith.constant 0 : i32
      %dma_wait3A_231 = arith.constant 0 : i32
      %dma_wait3A_232 = arith.constant 0 : i32
      %dma_wait3A_233 = arith.constant 0 : i32
      %dma_wait3A_234 = arith.constant 0 : i32
      %dma_wait3A_235 = tpu.memref_slice %arg7[%dma_wait3A_231, %dma_wait3A_233, %dma_wait3A_234] : memref<2x128x128xf32, #tpu.memory_space<vmem>> -> memref<1x128x128xf32, #tpu.memory_space<vmem>>
      %dma_wait3A_236 = tpu.memref_squeeze %dma_wait3A_235 : memref<1x128x128xf32, #tpu.memory_space<vmem>> -> memref<128x128xf32, #tpu.memory_space<vmem>>
      %dma_wait3A_237 = arith.constant 0 : i32
      %dma_wait3A_238 = tpu.memref_slice %arg5[%dma_wait3A_230, %dma_wait3A_237] : memref<4x128xi32, #tpu.memory_space<vmem>> -> memref<1x128xi32, #tpu.memory_space<vmem>>
      %dma_wait3A_239 = tpu.memref_squeeze %dma_wait3A_238 : memref<1x128xi32, #tpu.memory_space<vmem>> -> memref<128xi32, #tpu.memory_space<vmem>>
      %dma_wait3A_240 = arith.constant 0 : i32
      %dma_wait3A_241 = arith.constant 0 : i32
      %dma_wait3A_242 = tpu.memref_slice %arg2[%dma_wait3A_240, %dma_wait3A_241] : memref<10000x128xf32, #tpu.memory_space<hbm>> -> memref<10000x128xf32, #tpu.memory_space<hbm>>
      %dma_wait3A_243 = tpu.memref_slice %arg9[%dma_wait3A_232] : memref<2x!tpu.dma_semaphore, #tpu.memory_space<semaphore_mem>> -> memref<1x!tpu.dma_semaphore, #tpu.memory_space<semaphore_mem>>
      %dma_wait3A_244 = tpu.memref_squeeze %dma_wait3A_243 : memref<1x!tpu.dma_semaphore, #tpu.memory_space<semaphore_mem>> -> memref<!tpu.dma_semaphore, #tpu.memory_space<semaphore_mem>>
      tpu.wait_indirect_dma semaphore(%dma_wait3A_244 : memref<!tpu.dma_semaphore, #tpu.memory_space<semaphore_mem>>) src(%dma_wait3A_242 : memref<10000x128xf32, #tpu.memory_space<hbm>>) dst(%dma_wait3A_236 : memref<128x128xf32, #tpu.memory_space<vmem>>)
      %dma_start3A_245 = arith.constant 0 : i32
      %dma_start3A_246 = arith.constant 0 : i32
      %dma_start3A_247 = arith.constant 0 : i32
      %dma_start3A_248 = arith.constant 0 : i32
      %dma_start3A_249 = arith.constant 0 : i32
      %dma_start3A_250 = tpu.memref_slice %arg7[%dma_start3A_245, %dma_start3A_248, %dma_start3A_249] : memref<2x128x128xf32, #tpu.memory_space<vmem>> -> memref<1x128x128xf32, #tpu.memory_space<vmem>>
      %dma_start3A_251 = tpu.memref_squeeze %dma_start3A_250 : memref<1x128x128xf32, #tpu.memory_space<vmem>> -> memref<128x128xf32, #tpu.memory_space<vmem>>
      %dma_start3A_252 = arith.constant 0 : i32
      %dma_start3A_253 = tpu.memref_slice %arg6[%dma_start3A_246, %dma_start3A_252] : memref<4x128xi32, #tpu.memory_space<vmem>> -> memref<1x128xi32, #tpu.memory_space<vmem>>
      %dma_start3A_254 = tpu.memref_squeeze %dma_start3A_253 : memref<1x128xi32, #tpu.memory_space<vmem>> -> memref<128xi32, #tpu.memory_space<vmem>>
      %dma_start3A_255 = arith.constant 0 : i32
      %dma_start3A_256 = arith.constant 0 : i32
      %dma_start3A_257 = tpu.memref_slice %arg8[%dma_start3A_255, %dma_start3A_256] : memref<10240x128xf32, #tpu.memory_space<vmem_shared>> -> memref<10240x128xf32, #tpu.memory_space<vmem_shared>>
      %dma_start3A_258 = tpu.memref_slice %arg10[%dma_start3A_247] : memref<2x!tpu.dma_semaphore, #tpu.memory_space<semaphore_mem>> -> memref<1x!tpu.dma_semaphore, #tpu.memory_space<semaphore_mem>>
      %dma_start3A_259 = tpu.memref_squeeze %dma_start3A_258 : memref<1x!tpu.dma_semaphore, #tpu.memory_space<semaphore_mem>> -> memref<!tpu.dma_semaphore, #tpu.memory_space<semaphore_mem>>
      tpu.enqueue_indirect_dma source(%dma_start3A_251 : memref<128x128xf32, #tpu.memory_space<vmem>>) target(%dma_start3A_257 : memref<10240x128xf32, #tpu.memory_space<vmem_shared>>) offsets(%dma_start3A_254 : memref<128xi32, #tpu.memory_space<vmem>>) semaphore(%dma_start3A_259 : memref<!tpu.dma_semaphore, #tpu.memory_space<semaphore_mem>>) {add = true}
      %ge3A = arith.constant 1 : i32
      %ge3A_260 = arith.cmpi sge, %add3A_229, %ge3A : i32
      %add3A_261 = arith.constant 1 : i32
      %add3A_262 = arith.addi %add3A_229, %add3A_261 : i32
      %lt3A = arith.cmpi slt, %add3A_262, %select_n3A : i32
      %and3A_263 = arith.andi %ge3A_260, %lt3A : i1
      %convert_element_type3A = arith.extui %and3A_263 : i1 to i32
      %cond3A = arith.constant 0 : i32
      %cond3A_264 = arith.cmpi ne, %convert_element_type3A, %cond3A : i32
      scf.if %cond3A_264 {
        %dma_wait3A_442 = arith.constant 1 : i32
        %dma_wait3A_443 = arith.constant 0 : i32
        %dma_wait3A_444 = arith.constant 1 : i32
        %dma_wait3A_445 = arith.constant 0 : i32
        %dma_wait3A_446 = arith.constant 0 : i32
        %dma_wait3A_447 = tpu.memref_slice %arg7[%dma_wait3A_442, %dma_wait3A_445, %dma_wait3A_446] : memref<2x128x128xf32, #tpu.memory_space<vmem>> -> memref<1x128x128xf32, #tpu.memory_space<vmem>>
        %dma_wait3A_448 = tpu.memref_squeeze %dma_wait3A_447 : memref<1x128x128xf32, #tpu.memory_space<vmem>> -> memref<128x128xf32, #tpu.memory_space<vmem>>
        %dma_wait3A_449 = arith.constant 0 : i32
        %dma_wait3A_450 = tpu.memref_slice %arg6[%dma_wait3A_443, %dma_wait3A_449] : memref<4x128xi32, #tpu.memory_space<vmem>> -> memref<1x128xi32, #tpu.memory_space<vmem>>
        %dma_wait3A_451 = tpu.memref_squeeze %dma_wait3A_450 : memref<1x128xi32, #tpu.memory_space<vmem>> -> memref<128xi32, #tpu.memory_space<vmem>>
        %dma_wait3A_452 = arith.constant 0 : i32
        %dma_wait3A_453 = arith.constant 0 : i32
        %dma_wait3A_454 = tpu.memref_slice %arg8[%dma_wait3A_452, %dma_wait3A_453] : memref<10240x128xf32, #tpu.memory_space<vmem_shared>> -> memref<10240x128xf32, #tpu.memory_space<vmem_shared>>
        %dma_wait3A_455 = tpu.memref_slice %arg10[%dma_wait3A_444] : memref<2x!tpu.dma_semaphore, #tpu.memory_space<semaphore_mem>> -> memref<1x!tpu.dma_semaphore, #tpu.memory_space<semaphore_mem>>
        %dma_wait3A_456 = tpu.memref_squeeze %dma_wait3A_455 : memref<1x!tpu.dma_semaphore, #tpu.memory_space<semaphore_mem>> -> memref<!tpu.dma_semaphore, #tpu.memory_space<semaphore_mem>>
        tpu.wait_indirect_dma semaphore(%dma_wait3A_456 : memref<!tpu.dma_semaphore, #tpu.memory_space<semaphore_mem>>) src(%dma_wait3A_448 : memref<128x128xf32, #tpu.memory_space<vmem>>) dst(%dma_wait3A_454 : memref<10240x128xf32, #tpu.memory_space<vmem_shared>>)
      } else {
      }
      %add3A_265 = arith.constant 3 : i32
      %add3A_266 = arith.addi %add3A_229, %add3A_265 : i32
      %lt3A_267 = arith.cmpi slt, %add3A_266, %select_n3A : i32
      %convert_element_type3A_268 = arith.extui %lt3A_267 : i1 to i32
      %cond3A_269 = arith.constant 0 : i32
      %cond3A_270 = arith.cmpi ne, %convert_element_type3A_268, %cond3A_269 : i32
      scf.if %cond3A_270 {
        %add3A_442 = arith.constant 3 : i32
        %add3A_443 = arith.addi %add3A_229, %add3A_442 : i32
        %add3A_444 = arith.addi %mul3A_11, %add3A_443 : i32
        %mul3A_445 = arith.constant 128 : i32
        %mul3A_446 = arith.muli %add3A_444, %mul3A_445 : i32
        %dma_start3A_447 = arith.constant 0 : i32
        %dma_start3A_448 = arith.constant 3 : i32
        %dma_start3A_449 = arith.constant 3 : i32
        %dma_start3A_450 = arith.constant 0 : i32
        %dma_start3A_451 = tpu.memref_slice %arg5[%dma_start3A_448, %dma_start3A_450] : memref<4x128xi32, #tpu.memory_space<vmem>> -> memref<1x128xi32, #tpu.memory_space<vmem>>
        %dma_start3A_452 = tpu.memref_squeeze %dma_start3A_451 : memref<1x128xi32, #tpu.memory_space<vmem>> -> memref<128xi32, #tpu.memory_space<vmem>>
        %dma_start3A_453 = tpu.memref_slice %arg3[%dma_start3A_447, %mul3A_446] : memref<2x320000xi32, #tpu.memory_space<hbm>> -> memref<1x128xi32, #tpu.memory_space<hbm>>
        %dma_start3A_454 = tpu.memref_squeeze %dma_start3A_453 : memref<1x128xi32, #tpu.memory_space<hbm>> -> memref<128xi32, #tpu.memory_space<hbm>>
        %dma_start3A_455 = tpu.memref_slice %arg11[%dma_start3A_449] : memref<4x!tpu.dma_semaphore, #tpu.memory_space<semaphore_mem>> -> memref<1x!tpu.dma_semaphore, #tpu.memory_space<semaphore_mem>>
        %dma_start3A_456 = tpu.memref_squeeze %dma_start3A_455 : memref<1x!tpu.dma_semaphore, #tpu.memory_space<semaphore_mem>> -> memref<!tpu.dma_semaphore, #tpu.memory_space<semaphore_mem>>
        %dma_start3A_457 = arith.constant 0 : i32
        %dma_start3A_458 = tpu.memref_slice %arg5[%dma_start3A_448, %dma_start3A_457] : memref<4x128xi32, #tpu.memory_space<vmem>> -> memref<1x128xi32, #tpu.memory_space<vmem>>
        %dma_start3A_459 = tpu.memref_squeeze %dma_start3A_458 : memref<1x128xi32, #tpu.memory_space<vmem>> -> memref<128xi32, #tpu.memory_space<vmem>>
        %dma_start3A_460 = tpu.memref_slice %arg3[%dma_start3A_447, %mul3A_446] : memref<2x320000xi32, #tpu.memory_space<hbm>> -> memref<1x128xi32, #tpu.memory_space<hbm>>
        %dma_start3A_461 = tpu.memref_squeeze %dma_start3A_460 : memref<1x128xi32, #tpu.memory_space<hbm>> -> memref<128xi32, #tpu.memory_space<hbm>>
        tpu.enqueue_dma source(%dma_start3A_461 : memref<128xi32, #tpu.memory_space<hbm>>) target(%dma_start3A_459 : memref<128xi32, #tpu.memory_space<vmem>>) target_semaphore(%dma_start3A_456 : memref<!tpu.dma_semaphore, #tpu.memory_space<semaphore_mem>>)
        %dma_start3A_462 = arith.constant 1 : i32
        %dma_start3A_463 = arith.constant 3 : i32
        %dma_start3A_464 = arith.constant 3 : i32
        %dma_start3A_465 = arith.constant 0 : i32
        %dma_start3A_466 = tpu.memref_slice %arg6[%dma_start3A_463, %dma_start3A_465] : memref<4x128xi32, #tpu.memory_space<vmem>> -> memref<1x128xi32, #tpu.memory_space<vmem>>
        %dma_start3A_467 = tpu.memref_squeeze %dma_start3A_466 : memref<1x128xi32, #tpu.memory_space<vmem>> -> memref<128xi32, #tpu.memory_space<vmem>>
        %dma_start3A_468 = tpu.memref_slice %arg3[%dma_start3A_462, %mul3A_446] : memref<2x320000xi32, #tpu.memory_space<hbm>> -> memref<1x128xi32, #tpu.memory_space<hbm>>
        %dma_start3A_469 = tpu.memref_squeeze %dma_start3A_468 : memref<1x128xi32, #tpu.memory_space<hbm>> -> memref<128xi32, #tpu.memory_space<hbm>>
        %dma_start3A_470 = tpu.memref_slice %arg11[%dma_start3A_464] : memref<4x!tpu.dma_semaphore, #tpu.memory_space<semaphore_mem>> -> memref<1x!tpu.dma_semaphore, #tpu.memory_space<semaphore_mem>>
        %dma_start3A_471 = tpu.memref_squeeze %dma_start3A_470 : memref<1x!tpu.dma_semaphore, #tpu.memory_space<semaphore_mem>> -> memref<!tpu.dma_semaphore, #tpu.memory_space<semaphore_mem>>
        %dma_start3A_472 = arith.constant 0 : i32
        %dma_start3A_473 = tpu.memref_slice %arg6[%dma_start3A_463, %dma_start3A_472] : memref<4x128xi32, #tpu.memory_space<vmem>> -> memref<1x128xi32, #tpu.memory_space<vmem>>
        %dma_start3A_474 = tpu.memref_squeeze %dma_start3A_473 : memref<1x128xi32, #tpu.memory_space<vmem>> -> memref<128xi32, #tpu.memory_space<vmem>>
        %dma_start3A_475 = tpu.memref_slice %arg3[%dma_start3A_462, %mul3A_446] : memref<2x320000xi32, #tpu.memory_space<hbm>> -> memref<1x128xi32, #tpu.memory_space<hbm>>
        %dma_start3A_476 = tpu.memref_squeeze %dma_start3A_475 : memref<1x128xi32, #tpu.memory_space<hbm>> -> memref<128xi32, #tpu.memory_space<hbm>>
        tpu.enqueue_dma source(%dma_start3A_476 : memref<128xi32, #tpu.memory_space<hbm>>) target(%dma_start3A_474 : memref<128xi32, #tpu.memory_space<vmem>>) target_semaphore(%dma_start3A_471 : memref<!tpu.dma_semaphore, #tpu.memory_space<semaphore_mem>>)
      } else {
      }
      %add3A_271 = arith.constant 1 : i32
      %add3A_272 = arith.addi %add3A_229, %add3A_271 : i32
      %lt3A_273 = arith.cmpi slt, %add3A_272, %select_n3A : i32
      %convert_element_type3A_274 = arith.extui %lt3A_273 : i1 to i32
      %cond3A_275 = arith.constant 0 : i32
      %cond3A_276 = arith.cmpi ne, %convert_element_type3A_274, %cond3A_275 : i32
      scf.if %cond3A_276 {
        %add3A_442 = arith.constant 1 : i32
        %add3A_443 = arith.addi %add3A_229, %add3A_442 : i32
        %add3A_444 = arith.addi %mul3A_11, %add3A_443 : i32
        %mul3A_445 = arith.constant 128 : i32
        %mul3A_446 = arith.muli %add3A_444, %mul3A_445 : i32
        %dma_wait3A_447 = arith.constant 0 : i32
        %dma_wait3A_448 = arith.constant 1 : i32
        %dma_wait3A_449 = arith.constant 1 : i32
        %dma_wait3A_450 = arith.constant 0 : i32
        %dma_wait3A_451 = tpu.memref_slice %arg5[%dma_wait3A_448, %dma_wait3A_450] : memref<4x128xi32, #tpu.memory_space<vmem>> -> memref<1x128xi32, #tpu.memory_space<vmem>>
        %dma_wait3A_452 = tpu.memref_squeeze %dma_wait3A_451 : memref<1x128xi32, #tpu.memory_space<vmem>> -> memref<128xi32, #tpu.memory_space<vmem>>
        %dma_wait3A_453 = tpu.memref_slice %arg3[%dma_wait3A_447, %mul3A_446] : memref<2x320000xi32, #tpu.memory_space<hbm>> -> memref<1x128xi32, #tpu.memory_space<hbm>>
        %dma_wait3A_454 = tpu.memref_squeeze %dma_wait3A_453 : memref<1x128xi32, #tpu.memory_space<hbm>> -> memref<128xi32, #tpu.memory_space<hbm>>
        %dma_wait3A_455 = tpu.memref_slice %arg11[%dma_wait3A_449] : memref<4x!tpu.dma_semaphore, #tpu.memory_space<semaphore_mem>> -> memref<1x!tpu.dma_semaphore, #tpu.memory_space<semaphore_mem>>
        %dma_wait3A_456 = tpu.memref_squeeze %dma_wait3A_455 : memref<1x!tpu.dma_semaphore, #tpu.memory_space<semaphore_mem>> -> memref<!tpu.dma_semaphore, #tpu.memory_space<semaphore_mem>>
        %dma_wait3A_457 = arith.constant 0 : i32
        %dma_wait3A_458 = tpu.memref_slice %arg5[%dma_wait3A_448, %dma_wait3A_457] : memref<4x128xi32, #tpu.memory_space<vmem>> -> memref<1x128xi32, #tpu.memory_space<vmem>>
        %dma_wait3A_459 = tpu.memref_squeeze %dma_wait3A_458 : memref<1x128xi32, #tpu.memory_space<vmem>> -> memref<128xi32, #tpu.memory_space<vmem>>
        %dma_wait3A_460 = tpu.memref_slice %arg3[%dma_wait3A_447, %mul3A_446] : memref<2x320000xi32, #tpu.memory_space<hbm>> -> memref<1x128xi32, #tpu.memory_space<hbm>>
        %dma_wait3A_461 = tpu.memref_squeeze %dma_wait3A_460 : memref<1x128xi32, #tpu.memory_space<hbm>> -> memref<128xi32, #tpu.memory_space<hbm>>
        tpu.wait_dma2 semaphore(%dma_wait3A_456 : memref<!tpu.dma_semaphore, #tpu.memory_space<semaphore_mem>>) src(%dma_wait3A_461 : memref<128xi32, #tpu.memory_space<hbm>>) dst(%dma_wait3A_459 : memref<128xi32, #tpu.memory_space<vmem>>)
        %dma_wait3A_462 = arith.constant 1 : i32
        %dma_wait3A_463 = arith.constant 1 : i32
        %dma_wait3A_464 = arith.constant 1 : i32
        %dma_wait3A_465 = arith.constant 0 : i32
        %dma_wait3A_466 = tpu.memref_slice %arg6[%dma_wait3A_463, %dma_wait3A_465] : memref<4x128xi32, #tpu.memory_space<vmem>> -> memref<1x128xi32, #tpu.memory_space<vmem>>
        %dma_wait3A_467 = tpu.memref_squeeze %dma_wait3A_466 : memref<1x128xi32, #tpu.memory_space<vmem>> -> memref<128xi32, #tpu.memory_space<vmem>>
        %dma_wait3A_468 = tpu.memref_slice %arg3[%dma_wait3A_462, %mul3A_446] : memref<2x320000xi32, #tpu.memory_space<hbm>> -> memref<1x128xi32, #tpu.memory_space<hbm>>
        %dma_wait3A_469 = tpu.memref_squeeze %dma_wait3A_468 : memref<1x128xi32, #tpu.memory_space<hbm>> -> memref<128xi32, #tpu.memory_space<hbm>>
        %dma_wait3A_470 = tpu.memref_slice %arg11[%dma_wait3A_464] : memref<4x!tpu.dma_semaphore, #tpu.memory_space<semaphore_mem>> -> memref<1x!tpu.dma_semaphore, #tpu.memory_space<semaphore_mem>>
        %dma_wait3A_471 = tpu.memref_squeeze %dma_wait3A_470 : memref<1x!tpu.dma_semaphore, #tpu.memory_space<semaphore_mem>> -> memref<!tpu.dma_semaphore, #tpu.memory_space<semaphore_mem>>
        %dma_wait3A_472 = arith.constant 0 : i32
        %dma_wait3A_473 = tpu.memref_slice %arg6[%dma_wait3A_463, %dma_wait3A_472] : memref<4x128xi32, #tpu.memory_space<vmem>> -> memref<1x128xi32, #tpu.memory_space<vmem>>
        %dma_wait3A_474 = tpu.memref_squeeze %dma_wait3A_473 : memref<1x128xi32, #tpu.memory_space<vmem>> -> memref<128xi32, #tpu.memory_space<vmem>>
        %dma_wait3A_475 = tpu.memref_slice %arg3[%dma_wait3A_462, %mul3A_446] : memref<2x320000xi32, #tpu.memory_space<hbm>> -> memref<1x128xi32, #tpu.memory_space<hbm>>
        %dma_wait3A_476 = tpu.memref_squeeze %dma_wait3A_475 : memref<1x128xi32, #tpu.memory_space<hbm>> -> memref<128xi32, #tpu.memory_space<hbm>>
        tpu.wait_dma2 semaphore(%dma_wait3A_471 : memref<!tpu.dma_semaphore, #tpu.memory_space<semaphore_mem>>) src(%dma_wait3A_476 : memref<128xi32, #tpu.memory_space<hbm>>) dst(%dma_wait3A_474 : memref<128xi32, #tpu.memory_space<vmem>>)
        %dma_start3A_477 = arith.constant 1 : i32
        %dma_start3A_478 = arith.constant 1 : i32
        %dma_start3A_479 = arith.constant 1 : i32
        %dma_start3A_480 = arith.constant 0 : i32
        %dma_start3A_481 = arith.constant 0 : i32
        %dma_start3A_482 = tpu.memref_slice %arg7[%dma_start3A_478, %dma_start3A_480, %dma_start3A_481] : memref<2x128x128xf32, #tpu.memory_space<vmem>> -> memref<1x128x128xf32, #tpu.memory_space<vmem>>
        %dma_start3A_483 = tpu.memref_squeeze %dma_start3A_482 : memref<1x128x128xf32, #tpu.memory_space<vmem>> -> memref<128x128xf32, #tpu.memory_space<vmem>>
        %dma_start3A_484 = arith.constant 0 : i32
        %dma_start3A_485 = tpu.memref_slice %arg5[%dma_start3A_477, %dma_start3A_484] : memref<4x128xi32, #tpu.memory_space<vmem>> -> memref<1x128xi32, #tpu.memory_space<vmem>>
        %dma_start3A_486 = tpu.memref_squeeze %dma_start3A_485 : memref<1x128xi32, #tpu.memory_space<vmem>> -> memref<128xi32, #tpu.memory_space<vmem>>
        %dma_start3A_487 = arith.constant 0 : i32
        %dma_start3A_488 = arith.constant 0 : i32
        %dma_start3A_489 = tpu.memref_slice %arg2[%dma_start3A_487, %dma_start3A_488] : memref<10000x128xf32, #tpu.memory_space<hbm>> -> memref<10000x128xf32, #tpu.memory_space<hbm>>
        %dma_start3A_490 = tpu.memref_slice %arg9[%dma_start3A_479] : memref<2x!tpu.dma_semaphore, #tpu.memory_space<semaphore_mem>> -> memref<1x!tpu.dma_semaphore, #tpu.memory_space<semaphore_mem>>
        %dma_start3A_491 = tpu.memref_squeeze %dma_start3A_490 : memref<1x!tpu.dma_semaphore, #tpu.memory_space<semaphore_mem>> -> memref<!tpu.dma_semaphore, #tpu.memory_space<semaphore_mem>>
        tpu.enqueue_indirect_dma source(%dma_start3A_489 : memref<10000x128xf32, #tpu.memory_space<hbm>>) target(%dma_start3A_483 : memref<128x128xf32, #tpu.memory_space<vmem>>) offsets(%dma_start3A_486 : memref<128xi32, #tpu.memory_space<vmem>>) semaphore(%dma_start3A_491 : memref<!tpu.dma_semaphore, #tpu.memory_space<semaphore_mem>>)
      } else {
      }
      %mul3A_277 = arith.constant 4 : i32
      %mul3A_278 = arith.muli %while3A_225, %mul3A_277 : i32
      %add3A_279 = arith.constant 1 : i32
      %add3A_280 = arith.addi %mul3A_278, %add3A_279 : i32
      %dma_wait3A_281 = arith.constant 1 : i32
      %dma_wait3A_282 = arith.constant 1 : i32
      %dma_wait3A_283 = arith.constant 1 : i32
      %dma_wait3A_284 = arith.constant 0 : i32
      %dma_wait3A_285 = arith.constant 0 : i32
      %dma_wait3A_286 = tpu.memref_slice %arg7[%dma_wait3A_282, %dma_wait3A_284, %dma_wait3A_285] : memref<2x128x128xf32, #tpu.memory_space<vmem>> -> memref<1x128x128xf32, #tpu.memory_space<vmem>>
      %dma_wait3A_287 = tpu.memref_squeeze %dma_wait3A_286 : memref<1x128x128xf32, #tpu.memory_space<vmem>> -> memref<128x128xf32, #tpu.memory_space<vmem>>
      %dma_wait3A_288 = arith.constant 0 : i32
      %dma_wait3A_289 = tpu.memref_slice %arg5[%dma_wait3A_281, %dma_wait3A_288] : memref<4x128xi32, #tpu.memory_space<vmem>> -> memref<1x128xi32, #tpu.memory_space<vmem>>
      %dma_wait3A_290 = tpu.memref_squeeze %dma_wait3A_289 : memref<1x128xi32, #tpu.memory_space<vmem>> -> memref<128xi32, #tpu.memory_space<vmem>>
      %dma_wait3A_291 = arith.constant 0 : i32
      %dma_wait3A_292 = arith.constant 0 : i32
      %dma_wait3A_293 = tpu.memref_slice %arg2[%dma_wait3A_291, %dma_wait3A_292] : memref<10000x128xf32, #tpu.memory_space<hbm>> -> memref<10000x128xf32, #tpu.memory_space<hbm>>
      %dma_wait3A_294 = tpu.memref_slice %arg9[%dma_wait3A_283] : memref<2x!tpu.dma_semaphore, #tpu.memory_space<semaphore_mem>> -> memref<1x!tpu.dma_semaphore, #tpu.memory_space<semaphore_mem>>
      %dma_wait3A_295 = tpu.memref_squeeze %dma_wait3A_294 : memref<1x!tpu.dma_semaphore, #tpu.memory_space<semaphore_mem>> -> memref<!tpu.dma_semaphore, #tpu.memory_space<semaphore_mem>>
      tpu.wait_indirect_dma semaphore(%dma_wait3A_295 : memref<!tpu.dma_semaphore, #tpu.memory_space<semaphore_mem>>) src(%dma_wait3A_293 : memref<10000x128xf32, #tpu.memory_space<hbm>>) dst(%dma_wait3A_287 : memref<128x128xf32, #tpu.memory_space<vmem>>)
      %dma_start3A_296 = arith.constant 1 : i32
      %dma_start3A_297 = arith.constant 1 : i32
      %dma_start3A_298 = arith.constant 1 : i32
      %dma_start3A_299 = arith.constant 0 : i32
      %dma_start3A_300 = arith.constant 0 : i32
      %dma_start3A_301 = tpu.memref_slice %arg7[%dma_start3A_296, %dma_start3A_299, %dma_start3A_300] : memref<2x128x128xf32, #tpu.memory_space<vmem>> -> memref<1x128x128xf32, #tpu.memory_space<vmem>>
      %dma_start3A_302 = tpu.memref_squeeze %dma_start3A_301 : memref<1x128x128xf32, #tpu.memory_space<vmem>> -> memref<128x128xf32, #tpu.memory_space<vmem>>
      %dma_start3A_303 = arith.constant 0 : i32
      %dma_start3A_304 = tpu.memref_slice %arg6[%dma_start3A_297, %dma_start3A_303] : memref<4x128xi32, #tpu.memory_space<vmem>> -> memref<1x128xi32, #tpu.memory_space<vmem>>
      %dma_start3A_305 = tpu.memref_squeeze %dma_start3A_304 : memref<1x128xi32, #tpu.memory_space<vmem>> -> memref<128xi32, #tpu.memory_space<vmem>>
      %dma_start3A_306 = arith.constant 0 : i32
      %dma_start3A_307 = arith.constant 0 : i32
      %dma_start3A_308 = tpu.memref_slice %arg8[%dma_start3A_306, %dma_start3A_307] : memref<10240x128xf32, #tpu.memory_space<vmem_shared>> -> memref<10240x128xf32, #tpu.memory_space<vmem_shared>>
      %dma_start3A_309 = tpu.memref_slice %arg10[%dma_start3A_298] : memref<2x!tpu.dma_semaphore, #tpu.memory_space<semaphore_mem>> -> memref<1x!tpu.dma_semaphore, #tpu.memory_space<semaphore_mem>>
      %dma_start3A_310 = tpu.memref_squeeze %dma_start3A_309 : memref<1x!tpu.dma_semaphore, #tpu.memory_space<semaphore_mem>> -> memref<!tpu.dma_semaphore, #tpu.memory_space<semaphore_mem>>
      tpu.enqueue_indirect_dma source(%dma_start3A_302 : memref<128x128xf32, #tpu.memory_space<vmem>>) target(%dma_start3A_308 : memref<10240x128xf32, #tpu.memory_space<vmem_shared>>) offsets(%dma_start3A_305 : memref<128xi32, #tpu.memory_space<vmem>>) semaphore(%dma_start3A_310 : memref<!tpu.dma_semaphore, #tpu.memory_space<semaphore_mem>>) {add = true}
      %ge3A_311 = arith.constant 1 : i32
      %ge3A_312 = arith.cmpi sge, %add3A_280, %ge3A_311 : i32
      %add3A_313 = arith.constant 1 : i32
      %add3A_314 = arith.addi %add3A_280, %add3A_313 : i32
      %lt3A_315 = arith.cmpi slt, %add3A_314, %select_n3A : i32
      %and3A_316 = arith.andi %ge3A_312, %lt3A_315 : i1
      %convert_element_type3A_317 = arith.extui %and3A_316 : i1 to i32
      %cond3A_318 = arith.constant 0 : i32
      %cond3A_319 = arith.cmpi ne, %convert_element_type3A_317, %cond3A_318 : i32
      scf.if %cond3A_319 {
        %dma_wait3A_442 = arith.constant 0 : i32
        %dma_wait3A_443 = arith.constant 1 : i32
        %dma_wait3A_444 = arith.constant 0 : i32
        %dma_wait3A_445 = arith.constant 0 : i32
        %dma_wait3A_446 = arith.constant 0 : i32
        %dma_wait3A_447 = tpu.memref_slice %arg7[%dma_wait3A_442, %dma_wait3A_445, %dma_wait3A_446] : memref<2x128x128xf32, #tpu.memory_space<vmem>> -> memref<1x128x128xf32, #tpu.memory_space<vmem>>
        %dma_wait3A_448 = tpu.memref_squeeze %dma_wait3A_447 : memref<1x128x128xf32, #tpu.memory_space<vmem>> -> memref<128x128xf32, #tpu.memory_space<vmem>>
        %dma_wait3A_449 = arith.constant 0 : i32
        %dma_wait3A_450 = tpu.memref_slice %arg6[%dma_wait3A_443, %dma_wait3A_449] : memref<4x128xi32, #tpu.memory_space<vmem>> -> memref<1x128xi32, #tpu.memory_space<vmem>>
        %dma_wait3A_451 = tpu.memref_squeeze %dma_wait3A_450 : memref<1x128xi32, #tpu.memory_space<vmem>> -> memref<128xi32, #tpu.memory_space<vmem>>
        %dma_wait3A_452 = arith.constant 0 : i32
        %dma_wait3A_453 = arith.constant 0 : i32
        %dma_wait3A_454 = tpu.memref_slice %arg8[%dma_wait3A_452, %dma_wait3A_453] : memref<10240x128xf32, #tpu.memory_space<vmem_shared>> -> memref<10240x128xf32, #tpu.memory_space<vmem_shared>>
        %dma_wait3A_455 = tpu.memref_slice %arg10[%dma_wait3A_444] : memref<2x!tpu.dma_semaphore, #tpu.memory_space<semaphore_mem>> -> memref<1x!tpu.dma_semaphore, #tpu.memory_space<semaphore_mem>>
        %dma_wait3A_456 = tpu.memref_squeeze %dma_wait3A_455 : memref<1x!tpu.dma_semaphore, #tpu.memory_space<semaphore_mem>> -> memref<!tpu.dma_semaphore, #tpu.memory_space<semaphore_mem>>
        tpu.wait_indirect_dma semaphore(%dma_wait3A_456 : memref<!tpu.dma_semaphore, #tpu.memory_space<semaphore_mem>>) src(%dma_wait3A_448 : memref<128x128xf32, #tpu.memory_space<vmem>>) dst(%dma_wait3A_454 : memref<10240x128xf32, #tpu.memory_space<vmem_shared>>)
      } else {
      }
      %add3A_320 = arith.constant 3 : i32
      %add3A_321 = arith.addi %add3A_280, %add3A_320 : i32
      %lt3A_322 = arith.cmpi slt, %add3A_321, %select_n3A : i32
      %convert_element_type3A_323 = arith.extui %lt3A_322 : i1 to i32
      %cond3A_324 = arith.constant 0 : i32
      %cond3A_325 = arith.cmpi ne, %convert_element_type3A_323, %cond3A_324 : i32
      scf.if %cond3A_325 {
        %add3A_442 = arith.constant 3 : i32
        %add3A_443 = arith.addi %add3A_280, %add3A_442 : i32
        %add3A_444 = arith.addi %mul3A_11, %add3A_443 : i32
        %mul3A_445 = arith.constant 128 : i32
        %mul3A_446 = arith.muli %add3A_444, %mul3A_445 : i32
        %dma_start3A_447 = arith.constant 0 : i32
        %dma_start3A_448 = arith.constant 0 : i32
        %dma_start3A_449 = arith.constant 0 : i32
        %dma_start3A_450 = arith.constant 0 : i32
        %dma_start3A_451 = tpu.memref_slice %arg5[%dma_start3A_448, %dma_start3A_450] : memref<4x128xi32, #tpu.memory_space<vmem>> -> memref<1x128xi32, #tpu.memory_space<vmem>>
        %dma_start3A_452 = tpu.memref_squeeze %dma_start3A_451 : memref<1x128xi32, #tpu.memory_space<vmem>> -> memref<128xi32, #tpu.memory_space<vmem>>
        %dma_start3A_453 = tpu.memref_slice %arg3[%dma_start3A_447, %mul3A_446] : memref<2x320000xi32, #tpu.memory_space<hbm>> -> memref<1x128xi32, #tpu.memory_space<hbm>>
        %dma_start3A_454 = tpu.memref_squeeze %dma_start3A_453 : memref<1x128xi32, #tpu.memory_space<hbm>> -> memref<128xi32, #tpu.memory_space<hbm>>
        %dma_start3A_455 = tpu.memref_slice %arg11[%dma_start3A_449] : memref<4x!tpu.dma_semaphore, #tpu.memory_space<semaphore_mem>> -> memref<1x!tpu.dma_semaphore, #tpu.memory_space<semaphore_mem>>
        %dma_start3A_456 = tpu.memref_squeeze %dma_start3A_455 : memref<1x!tpu.dma_semaphore, #tpu.memory_space<semaphore_mem>> -> memref<!tpu.dma_semaphore, #tpu.memory_space<semaphore_mem>>
        %dma_start3A_457 = arith.constant 0 : i32
        %dma_start3A_458 = tpu.memref_slice %arg5[%dma_start3A_448, %dma_start3A_457] : memref<4x128xi32, #tpu.memory_space<vmem>> -> memref<1x128xi32, #tpu.memory_space<vmem>>
        %dma_start3A_459 = tpu.memref_squeeze %dma_start3A_458 : memref<1x128xi32, #tpu.memory_space<vmem>> -> memref<128xi32, #tpu.memory_space<vmem>>
        %dma_start3A_460 = tpu.memref_slice %arg3[%dma_start3A_447, %mul3A_446] : memref<2x320000xi32, #tpu.memory_space<hbm>> -> memref<1x128xi32, #tpu.memory_space<hbm>>
        %dma_start3A_461 = tpu.memref_squeeze %dma_start3A_460 : memref<1x128xi32, #tpu.memory_space<hbm>> -> memref<128xi32, #tpu.memory_space<hbm>>
        tpu.enqueue_dma source(%dma_start3A_461 : memref<128xi32, #tpu.memory_space<hbm>>) target(%dma_start3A_459 : memref<128xi32, #tpu.memory_space<vmem>>) target_semaphore(%dma_start3A_456 : memref<!tpu.dma_semaphore, #tpu.memory_space<semaphore_mem>>)
        %dma_start3A_462 = arith.constant 1 : i32
        %dma_start3A_463 = arith.constant 0 : i32
        %dma_start3A_464 = arith.constant 0 : i32
        %dma_start3A_465 = arith.constant 0 : i32
        %dma_start3A_466 = tpu.memref_slice %arg6[%dma_start3A_463, %dma_start3A_465] : memref<4x128xi32, #tpu.memory_space<vmem>> -> memref<1x128xi32, #tpu.memory_space<vmem>>
        %dma_start3A_467 = tpu.memref_squeeze %dma_start3A_466 : memref<1x128xi32, #tpu.memory_space<vmem>> -> memref<128xi32, #tpu.memory_space<vmem>>
        %dma_start3A_468 = tpu.memref_slice %arg3[%dma_start3A_462, %mul3A_446] : memref<2x320000xi32, #tpu.memory_space<hbm>> -> memref<1x128xi32, #tpu.memory_space<hbm>>
        %dma_start3A_469 = tpu.memref_squeeze %dma_start3A_468 : memref<1x128xi32, #tpu.memory_space<hbm>> -> memref<128xi32, #tpu.memory_space<hbm>>
        %dma_start3A_470 = tpu.memref_slice %arg11[%dma_start3A_464] : memref<4x!tpu.dma_semaphore, #tpu.memory_space<semaphore_mem>> -> memref<1x!tpu.dma_semaphore, #tpu.memory_space<semaphore_mem>>
        %dma_start3A_471 = tpu.memref_squeeze %dma_start3A_470 : memref<1x!tpu.dma_semaphore, #tpu.memory_space<semaphore_mem>> -> memref<!tpu.dma_semaphore, #tpu.memory_space<semaphore_mem>>
        %dma_start3A_472 = arith.constant 0 : i32
        %dma_start3A_473 = tpu.memref_slice %arg6[%dma_start3A_463, %dma_start3A_472] : memref<4x128xi32, #tpu.memory_space<vmem>> -> memref<1x128xi32, #tpu.memory_space<vmem>>
        %dma_start3A_474 = tpu.memref_squeeze %dma_start3A_473 : memref<1x128xi32, #tpu.memory_space<vmem>> -> memref<128xi32, #tpu.memory_space<vmem>>
        %dma_start3A_475 = tpu.memref_slice %arg3[%dma_start3A_462, %mul3A_446] : memref<2x320000xi32, #tpu.memory_space<hbm>> -> memref<1x128xi32, #tpu.memory_space<hbm>>
        %dma_start3A_476 = tpu.memref_squeeze %dma_start3A_475 : memref<1x128xi32, #tpu.memory_space<hbm>> -> memref<128xi32, #tpu.memory_space<hbm>>
        tpu.enqueue_dma source(%dma_start3A_476 : memref<128xi32, #tpu.memory_space<hbm>>) target(%dma_start3A_474 : memref<128xi32, #tpu.memory_space<vmem>>) target_semaphore(%dma_start3A_471 : memref<!tpu.dma_semaphore, #tpu.memory_space<semaphore_mem>>)
      } else {
      }
      %add3A_326 = arith.constant 1 : i32
      %add3A_327 = arith.addi %add3A_280, %add3A_326 : i32
      %lt3A_328 = arith.cmpi slt, %add3A_327, %select_n3A : i32
      %convert_element_type3A_329 = arith.extui %lt3A_328 : i1 to i32
      %cond3A_330 = arith.constant 0 : i32
      %cond3A_331 = arith.cmpi ne, %convert_element_type3A_329, %cond3A_330 : i32
      scf.if %cond3A_331 {
        %add3A_442 = arith.constant 1 : i32
        %add3A_443 = arith.addi %add3A_280, %add3A_442 : i32
        %add3A_444 = arith.addi %mul3A_11, %add3A_443 : i32
        %mul3A_445 = arith.constant 128 : i32
        %mul3A_446 = arith.muli %add3A_444, %mul3A_445 : i32
        %dma_wait3A_447 = arith.constant 0 : i32
        %dma_wait3A_448 = arith.constant 2 : i32
        %dma_wait3A_449 = arith.constant 2 : i32
        %dma_wait3A_450 = arith.constant 0 : i32
        %dma_wait3A_451 = tpu.memref_slice %arg5[%dma_wait3A_448, %dma_wait3A_450] : memref<4x128xi32, #tpu.memory_space<vmem>> -> memref<1x128xi32, #tpu.memory_space<vmem>>
        %dma_wait3A_452 = tpu.memref_squeeze %dma_wait3A_451 : memref<1x128xi32, #tpu.memory_space<vmem>> -> memref<128xi32, #tpu.memory_space<vmem>>
        %dma_wait3A_453 = tpu.memref_slice %arg3[%dma_wait3A_447, %mul3A_446] : memref<2x320000xi32, #tpu.memory_space<hbm>> -> memref<1x128xi32, #tpu.memory_space<hbm>>
        %dma_wait3A_454 = tpu.memref_squeeze %dma_wait3A_453 : memref<1x128xi32, #tpu.memory_space<hbm>> -> memref<128xi32, #tpu.memory_space<hbm>>
        %dma_wait3A_455 = tpu.memref_slice %arg11[%dma_wait3A_449] : memref<4x!tpu.dma_semaphore, #tpu.memory_space<semaphore_mem>> -> memref<1x!tpu.dma_semaphore, #tpu.memory_space<semaphore_mem>>
        %dma_wait3A_456 = tpu.memref_squeeze %dma_wait3A_455 : memref<1x!tpu.dma_semaphore, #tpu.memory_space<semaphore_mem>> -> memref<!tpu.dma_semaphore, #tpu.memory_space<semaphore_mem>>
        %dma_wait3A_457 = arith.constant 0 : i32
        %dma_wait3A_458 = tpu.memref_slice %arg5[%dma_wait3A_448, %dma_wait3A_457] : memref<4x128xi32, #tpu.memory_space<vmem>> -> memref<1x128xi32, #tpu.memory_space<vmem>>
        %dma_wait3A_459 = tpu.memref_squeeze %dma_wait3A_458 : memref<1x128xi32, #tpu.memory_space<vmem>> -> memref<128xi32, #tpu.memory_space<vmem>>
        %dma_wait3A_460 = tpu.memref_slice %arg3[%dma_wait3A_447, %mul3A_446] : memref<2x320000xi32, #tpu.memory_space<hbm>> -> memref<1x128xi32, #tpu.memory_space<hbm>>
        %dma_wait3A_461 = tpu.memref_squeeze %dma_wait3A_460 : memref<1x128xi32, #tpu.memory_space<hbm>> -> memref<128xi32, #tpu.memory_space<hbm>>
        tpu.wait_dma2 semaphore(%dma_wait3A_456 : memref<!tpu.dma_semaphore, #tpu.memory_space<semaphore_mem>>) src(%dma_wait3A_461 : memref<128xi32, #tpu.memory_space<hbm>>) dst(%dma_wait3A_459 : memref<128xi32, #tpu.memory_space<vmem>>)
        %dma_wait3A_462 = arith.constant 1 : i32
        %dma_wait3A_463 = arith.constant 2 : i32
        %dma_wait3A_464 = arith.constant 2 : i32
        %dma_wait3A_465 = arith.constant 0 : i32
        %dma_wait3A_466 = tpu.memref_slice %arg6[%dma_wait3A_463, %dma_wait3A_465] : memref<4x128xi32, #tpu.memory_space<vmem>> -> memref<1x128xi32, #tpu.memory_space<vmem>>
        %dma_wait3A_467 = tpu.memref_squeeze %dma_wait3A_466 : memref<1x128xi32, #tpu.memory_space<vmem>> -> memref<128xi32, #tpu.memory_space<vmem>>
        %dma_wait3A_468 = tpu.memref_slice %arg3[%dma_wait3A_462, %mul3A_446] : memref<2x320000xi32, #tpu.memory_space<hbm>> -> memref<1x128xi32, #tpu.memory_space<hbm>>
        %dma_wait3A_469 = tpu.memref_squeeze %dma_wait3A_468 : memref<1x128xi32, #tpu.memory_space<hbm>> -> memref<128xi32, #tpu.memory_space<hbm>>
        %dma_wait3A_470 = tpu.memref_slice %arg11[%dma_wait3A_464] : memref<4x!tpu.dma_semaphore, #tpu.memory_space<semaphore_mem>> -> memref<1x!tpu.dma_semaphore, #tpu.memory_space<semaphore_mem>>
        %dma_wait3A_471 = tpu.memref_squeeze %dma_wait3A_470 : memref<1x!tpu.dma_semaphore, #tpu.memory_space<semaphore_mem>> -> memref<!tpu.dma_semaphore, #tpu.memory_space<semaphore_mem>>
        %dma_wait3A_472 = arith.constant 0 : i32
        %dma_wait3A_473 = tpu.memref_slice %arg6[%dma_wait3A_463, %dma_wait3A_472] : memref<4x128xi32, #tpu.memory_space<vmem>> -> memref<1x128xi32, #tpu.memory_space<vmem>>
        %dma_wait3A_474 = tpu.memref_squeeze %dma_wait3A_473 : memref<1x128xi32, #tpu.memory_space<vmem>> -> memref<128xi32, #tpu.memory_space<vmem>>
        %dma_wait3A_475 = tpu.memref_slice %arg3[%dma_wait3A_462, %mul3A_446] : memref<2x320000xi32, #tpu.memory_space<hbm>> -> memref<1x128xi32, #tpu.memory_space<hbm>>
        %dma_wait3A_476 = tpu.memref_squeeze %dma_wait3A_475 : memref<1x128xi32, #tpu.memory_space<hbm>> -> memref<128xi32, #tpu.memory_space<hbm>>
        tpu.wait_dma2 semaphore(%dma_wait3A_471 : memref<!tpu.dma_semaphore, #tpu.memory_space<semaphore_mem>>) src(%dma_wait3A_476 : memref<128xi32, #tpu.memory_space<hbm>>) dst(%dma_wait3A_474 : memref<128xi32, #tpu.memory_space<vmem>>)
        %dma_start3A_477 = arith.constant 2 : i32
        %dma_start3A_478 = arith.constant 0 : i32
        %dma_start3A_479 = arith.constant 0 : i32
        %dma_start3A_480 = arith.constant 0 : i32
        %dma_start3A_481 = arith.constant 0 : i32
        %dma_start3A_482 = tpu.memref_slice %arg7[%dma_start3A_478, %dma_start3A_480, %dma_start3A_481] : memref<2x128x128xf32, #tpu.memory_space<vmem>> -> memref<1x128x128xf32, #tpu.memory_space<vmem>>
        %dma_start3A_483 = tpu.memref_squeeze %dma_start3A_482 : memref<1x128x128xf32, #tpu.memory_space<vmem>> -> memref<128x128xf32, #tpu.memory_space<vmem>>
        %dma_start3A_484 = arith.constant 0 : i32
        %dma_start3A_485 = tpu.memref_slice %arg5[%dma_start3A_477, %dma_start3A_484] : memref<4x128xi32, #tpu.memory_space<vmem>> -> memref<1x128xi32, #tpu.memory_space<vmem>>
        %dma_start3A_486 = tpu.memref_squeeze %dma_start3A_485 : memref<1x128xi32, #tpu.memory_space<vmem>> -> memref<128xi32, #tpu.memory_space<vmem>>
        %dma_start3A_487 = arith.constant 0 : i32
        %dma_start3A_488 = arith.constant 0 : i32
        %dma_start3A_489 = tpu.memref_slice %arg2[%dma_start3A_487, %dma_start3A_488] : memref<10000x128xf32, #tpu.memory_space<hbm>> -> memref<10000x128xf32, #tpu.memory_space<hbm>>
        %dma_start3A_490 = tpu.memref_slice %arg9[%dma_start3A_479] : memref<2x!tpu.dma_semaphore, #tpu.memory_space<semaphore_mem>> -> memref<1x!tpu.dma_semaphore, #tpu.memory_space<semaphore_mem>>
        %dma_start3A_491 = tpu.memref_squeeze %dma_start3A_490 : memref<1x!tpu.dma_semaphore, #tpu.memory_space<semaphore_mem>> -> memref<!tpu.dma_semaphore, #tpu.memory_space<semaphore_mem>>
        tpu.enqueue_indirect_dma source(%dma_start3A_489 : memref<10000x128xf32, #tpu.memory_space<hbm>>) target(%dma_start3A_483 : memref<128x128xf32, #tpu.memory_space<vmem>>) offsets(%dma_start3A_486 : memref<128xi32, #tpu.memory_space<vmem>>) semaphore(%dma_start3A_491 : memref<!tpu.dma_semaphore, #tpu.memory_space<semaphore_mem>>)
      } else {
      }
      %mul3A_332 = arith.constant 4 : i32
      %mul3A_333 = arith.muli %while3A_225, %mul3A_332 : i32
      %add3A_334 = arith.constant 2 : i32
      %add3A_335 = arith.addi %mul3A_333, %add3A_334 : i32
      %dma_wait3A_336 = arith.constant 2 : i32
      %dma_wait3A_337 = arith.constant 0 : i32
      %dma_wait3A_338 = arith.constant 0 : i32
      %dma_wait3A_339 = arith.constant 0 : i32
      %dma_wait3A_340 = arith.constant 0 : i32
      %dma_wait3A_341 = tpu.memref_slice %arg7[%dma_wait3A_337, %dma_wait3A_339, %dma_wait3A_340] : memref<2x128x128xf32, #tpu.memory_space<vmem>> -> memref<1x128x128xf32, #tpu.memory_space<vmem>>
      %dma_wait3A_342 = tpu.memref_squeeze %dma_wait3A_341 : memref<1x128x128xf32, #tpu.memory_space<vmem>> -> memref<128x128xf32, #tpu.memory_space<vmem>>
      %dma_wait3A_343 = arith.constant 0 : i32
      %dma_wait3A_344 = tpu.memref_slice %arg5[%dma_wait3A_336, %dma_wait3A_343] : memref<4x128xi32, #tpu.memory_space<vmem>> -> memref<1x128xi32, #tpu.memory_space<vmem>>
      %dma_wait3A_345 = tpu.memref_squeeze %dma_wait3A_344 : memref<1x128xi32, #tpu.memory_space<vmem>> -> memref<128xi32, #tpu.memory_space<vmem>>
      %dma_wait3A_346 = arith.constant 0 : i32
      %dma_wait3A_347 = arith.constant 0 : i32
      %dma_wait3A_348 = tpu.memref_slice %arg2[%dma_wait3A_346, %dma_wait3A_347] : memref<10000x128xf32, #tpu.memory_space<hbm>> -> memref<10000x128xf32, #tpu.memory_space<hbm>>
      %dma_wait3A_349 = tpu.memref_slice %arg9[%dma_wait3A_338] : memref<2x!tpu.dma_semaphore, #tpu.memory_space<semaphore_mem>> -> memref<1x!tpu.dma_semaphore, #tpu.memory_space<semaphore_mem>>
      %dma_wait3A_350 = tpu.memref_squeeze %dma_wait3A_349 : memref<1x!tpu.dma_semaphore, #tpu.memory_space<semaphore_mem>> -> memref<!tpu.dma_semaphore, #tpu.memory_space<semaphore_mem>>
      tpu.wait_indirect_dma semaphore(%dma_wait3A_350 : memref<!tpu.dma_semaphore, #tpu.memory_space<semaphore_mem>>) src(%dma_wait3A_348 : memref<10000x128xf32, #tpu.memory_space<hbm>>) dst(%dma_wait3A_342 : memref<128x128xf32, #tpu.memory_space<vmem>>)
      %dma_start3A_351 = arith.constant 0 : i32
      %dma_start3A_352 = arith.constant 2 : i32
      %dma_start3A_353 = arith.constant 0 : i32
      %dma_start3A_354 = arith.constant 0 : i32
      %dma_start3A_355 = arith.constant 0 : i32
      %dma_start3A_356 = tpu.memref_slice %arg7[%dma_start3A_351, %dma_start3A_354, %dma_start3A_355] : memref<2x128x128xf32, #tpu.memory_space<vmem>> -> memref<1x128x128xf32, #tpu.memory_space<vmem>>
      %dma_start3A_357 = tpu.memref_squeeze %dma_start3A_356 : memref<1x128x128xf32, #tpu.memory_space<vmem>> -> memref<128x128xf32, #tpu.memory_space<vmem>>
      %dma_start3A_358 = arith.constant 0 : i32
      %dma_start3A_359 = tpu.memref_slice %arg6[%dma_start3A_352, %dma_start3A_358] : memref<4x128xi32, #tpu.memory_space<vmem>> -> memref<1x128xi32, #tpu.memory_space<vmem>>
      %dma_start3A_360 = tpu.memref_squeeze %dma_start3A_359 : memref<1x128xi32, #tpu.memory_space<vmem>> -> memref<128xi32, #tpu.memory_space<vmem>>
      %dma_start3A_361 = arith.constant 0 : i32
      %dma_start3A_362 = arith.constant 0 : i32
      %dma_start3A_363 = tpu.memref_slice %arg8[%dma_start3A_361, %dma_start3A_362] : memref<10240x128xf32, #tpu.memory_space<vmem_shared>> -> memref<10240x128xf32, #tpu.memory_space<vmem_shared>>
      %dma_start3A_364 = tpu.memref_slice %arg10[%dma_start3A_353] : memref<2x!tpu.dma_semaphore, #tpu.memory_space<semaphore_mem>> -> memref<1x!tpu.dma_semaphore, #tpu.memory_space<semaphore_mem>>
      %dma_start3A_365 = tpu.memref_squeeze %dma_start3A_364 : memref<1x!tpu.dma_semaphore, #tpu.memory_space<semaphore_mem>> -> memref<!tpu.dma_semaphore, #tpu.memory_space<semaphore_mem>>
      tpu.enqueue_indirect_dma source(%dma_start3A_357 : memref<128x128xf32, #tpu.memory_space<vmem>>) target(%dma_start3A_363 : memref<10240x128xf32, #tpu.memory_space<vmem_shared>>) offsets(%dma_start3A_360 : memref<128xi32, #tpu.memory_space<vmem>>) semaphore(%dma_start3A_365 : memref<!tpu.dma_semaphore, #tpu.memory_space<semaphore_mem>>) {add = true}
      %ge3A_366 = arith.constant 1 : i32
      %ge3A_367 = arith.cmpi sge, %add3A_335, %ge3A_366 : i32
      %add3A_368 = arith.constant 1 : i32
      %add3A_369 = arith.addi %add3A_335, %add3A_368 : i32
      %lt3A_370 = arith.cmpi slt, %add3A_369, %select_n3A : i32
      %and3A_371 = arith.andi %ge3A_367, %lt3A_370 : i1
      %convert_element_type3A_372 = arith.extui %and3A_371 : i1 to i32
      %cond3A_373 = arith.constant 0 : i32
      %cond3A_374 = arith.cmpi ne, %convert_element_type3A_372, %cond3A_373 : i32
      scf.if %cond3A_374 {
        %dma_wait3A_442 = arith.constant 1 : i32
        %dma_wait3A_443 = arith.constant 2 : i32
        %dma_wait3A_444 = arith.constant 1 : i32
        %dma_wait3A_445 = arith.constant 0 : i32
        %dma_wait3A_446 = arith.constant 0 : i32
        %dma_wait3A_447 = tpu.memref_slice %arg7[%dma_wait3A_442, %dma_wait3A_445, %dma_wait3A_446] : memref<2x128x128xf32, #tpu.memory_space<vmem>> -> memref<1x128x128xf32, #tpu.memory_space<vmem>>
        %dma_wait3A_448 = tpu.memref_squeeze %dma_wait3A_447 : memref<1x128x128xf32, #tpu.memory_space<vmem>> -> memref<128x128xf32, #tpu.memory_space<vmem>>
        %dma_wait3A_449 = arith.constant 0 : i32
        %dma_wait3A_450 = tpu.memref_slice %arg6[%dma_wait3A_443, %dma_wait3A_449] : memref<4x128xi32, #tpu.memory_space<vmem>> -> memref<1x128xi32, #tpu.memory_space<vmem>>
        %dma_wait3A_451 = tpu.memref_squeeze %dma_wait3A_450 : memref<1x128xi32, #tpu.memory_space<vmem>> -> memref<128xi32, #tpu.memory_space<vmem>>
        %dma_wait3A_452 = arith.constant 0 : i32
        %dma_wait3A_453 = arith.constant 0 : i32
        %dma_wait3A_454 = tpu.memref_slice %arg8[%dma_wait3A_452, %dma_wait3A_453] : memref<10240x128xf32, #tpu.memory_space<vmem_shared>> -> memref<10240x128xf32, #tpu.memory_space<vmem_shared>>
        %dma_wait3A_455 = tpu.memref_slice %arg10[%dma_wait3A_444] : memref<2x!tpu.dma_semaphore, #tpu.memory_space<semaphore_mem>> -> memref<1x!tpu.dma_semaphore, #tpu.memory_space<semaphore_mem>>
        %dma_wait3A_456 = tpu.memref_squeeze %dma_wait3A_455 : memref<1x!tpu.dma_semaphore, #tpu.memory_space<semaphore_mem>> -> memref<!tpu.dma_semaphore, #tpu.memory_space<semaphore_mem>>
        tpu.wait_indirect_dma semaphore(%dma_wait3A_456 : memref<!tpu.dma_semaphore, #tpu.memory_space<semaphore_mem>>) src(%dma_wait3A_448 : memref<128x128xf32, #tpu.memory_space<vmem>>) dst(%dma_wait3A_454 : memref<10240x128xf32, #tpu.memory_space<vmem_shared>>)
      } else {
      }
      %add3A_375 = arith.constant 3 : i32
      %add3A_376 = arith.addi %add3A_335, %add3A_375 : i32
      %lt3A_377 = arith.cmpi slt, %add3A_376, %select_n3A : i32
      %convert_element_type3A_378 = arith.extui %lt3A_377 : i1 to i32
      %cond3A_379 = arith.constant 0 : i32
      %cond3A_380 = arith.cmpi ne, %convert_element_type3A_378, %cond3A_379 : i32
      scf.if %cond3A_380 {
        %add3A_442 = arith.constant 3 : i32
        %add3A_443 = arith.addi %add3A_335, %add3A_442 : i32
        %add3A_444 = arith.addi %mul3A_11, %add3A_443 : i32
        %mul3A_445 = arith.constant 128 : i32
        %mul3A_446 = arith.muli %add3A_444, %mul3A_445 : i32
        %dma_start3A_447 = arith.constant 0 : i32
        %dma_start3A_448 = arith.constant 1 : i32
        %dma_start3A_449 = arith.constant 1 : i32
        %dma_start3A_450 = arith.constant 0 : i32
        %dma_start3A_451 = tpu.memref_slice %arg5[%dma_start3A_448, %dma_start3A_450] : memref<4x128xi32, #tpu.memory_space<vmem>> -> memref<1x128xi32, #tpu.memory_space<vmem>>
        %dma_start3A_452 = tpu.memref_squeeze %dma_start3A_451 : memref<1x128xi32, #tpu.memory_space<vmem>> -> memref<128xi32, #tpu.memory_space<vmem>>
        %dma_start3A_453 = tpu.memref_slice %arg3[%dma_start3A_447, %mul3A_446] : memref<2x320000xi32, #tpu.memory_space<hbm>> -> memref<1x128xi32, #tpu.memory_space<hbm>>
        %dma_start3A_454 = tpu.memref_squeeze %dma_start3A_453 : memref<1x128xi32, #tpu.memory_space<hbm>> -> memref<128xi32, #tpu.memory_space<hbm>>
        %dma_start3A_455 = tpu.memref_slice %arg11[%dma_start3A_449] : memref<4x!tpu.dma_semaphore, #tpu.memory_space<semaphore_mem>> -> memref<1x!tpu.dma_semaphore, #tpu.memory_space<semaphore_mem>>
        %dma_start3A_456 = tpu.memref_squeeze %dma_start3A_455 : memref<1x!tpu.dma_semaphore, #tpu.memory_space<semaphore_mem>> -> memref<!tpu.dma_semaphore, #tpu.memory_space<semaphore_mem>>
        %dma_start3A_457 = arith.constant 0 : i32
        %dma_start3A_458 = tpu.memref_slice %arg5[%dma_start3A_448, %dma_start3A_457] : memref<4x128xi32, #tpu.memory_space<vmem>> -> memref<1x128xi32, #tpu.memory_space<vmem>>
        %dma_start3A_459 = tpu.memref_squeeze %dma_start3A_458 : memref<1x128xi32, #tpu.memory_space<vmem>> -> memref<128xi32, #tpu.memory_space<vmem>>
        %dma_start3A_460 = tpu.memref_slice %arg3[%dma_start3A_447, %mul3A_446] : memref<2x320000xi32, #tpu.memory_space<hbm>> -> memref<1x128xi32, #tpu.memory_space<hbm>>
        %dma_start3A_461 = tpu.memref_squeeze %dma_start3A_460 : memref<1x128xi32, #tpu.memory_space<hbm>> -> memref<128xi32, #tpu.memory_space<hbm>>
        tpu.enqueue_dma source(%dma_start3A_461 : memref<128xi32, #tpu.memory_space<hbm>>) target(%dma_start3A_459 : memref<128xi32, #tpu.memory_space<vmem>>) target_semaphore(%dma_start3A_456 : memref<!tpu.dma_semaphore, #tpu.memory_space<semaphore_mem>>)
        %dma_start3A_462 = arith.constant 1 : i32
        %dma_start3A_463 = arith.constant 1 : i32
        %dma_start3A_464 = arith.constant 1 : i32
        %dma_start3A_465 = arith.constant 0 : i32
        %dma_start3A_466 = tpu.memref_slice %arg6[%dma_start3A_463, %dma_start3A_465] : memref<4x128xi32, #tpu.memory_space<vmem>> -> memref<1x128xi32, #tpu.memory_space<vmem>>
        %dma_start3A_467 = tpu.memref_squeeze %dma_start3A_466 : memref<1x128xi32, #tpu.memory_space<vmem>> -> memref<128xi32, #tpu.memory_space<vmem>>
        %dma_start3A_468 = tpu.memref_slice %arg3[%dma_start3A_462, %mul3A_446] : memref<2x320000xi32, #tpu.memory_space<hbm>> -> memref<1x128xi32, #tpu.memory_space<hbm>>
        %dma_start3A_469 = tpu.memref_squeeze %dma_start3A_468 : memref<1x128xi32, #tpu.memory_space<hbm>> -> memref<128xi32, #tpu.memory_space<hbm>>
        %dma_start3A_470 = tpu.memref_slice %arg11[%dma_start3A_464] : memref<4x!tpu.dma_semaphore, #tpu.memory_space<semaphore_mem>> -> memref<1x!tpu.dma_semaphore, #tpu.memory_space<semaphore_mem>>
        %dma_start3A_471 = tpu.memref_squeeze %dma_start3A_470 : memref<1x!tpu.dma_semaphore, #tpu.memory_space<semaphore_mem>> -> memref<!tpu.dma_semaphore, #tpu.memory_space<semaphore_mem>>
        %dma_start3A_472 = arith.constant 0 : i32
        %dma_start3A_473 = tpu.memref_slice %arg6[%dma_start3A_463, %dma_start3A_472] : memref<4x128xi32, #tpu.memory_space<vmem>> -> memref<1x128xi32, #tpu.memory_space<vmem>>
        %dma_start3A_474 = tpu.memref_squeeze %dma_start3A_473 : memref<1x128xi32, #tpu.memory_space<vmem>> -> memref<128xi32, #tpu.memory_space<vmem>>
        %dma_start3A_475 = tpu.memref_slice %arg3[%dma_start3A_462, %mul3A_446] : memref<2x320000xi32, #tpu.memory_space<hbm>> -> memref<1x128xi32, #tpu.memory_space<hbm>>
        %dma_start3A_476 = tpu.memref_squeeze %dma_start3A_475 : memref<1x128xi32, #tpu.memory_space<hbm>> -> memref<128xi32, #tpu.memory_space<hbm>>
        tpu.enqueue_dma source(%dma_start3A_476 : memref<128xi32, #tpu.memory_space<hbm>>) target(%dma_start3A_474 : memref<128xi32, #tpu.memory_space<vmem>>) target_semaphore(%dma_start3A_471 : memref<!tpu.dma_semaphore, #tpu.memory_space<semaphore_mem>>)
      } else {
      }
      %add3A_381 = arith.constant 1 : i32
      %add3A_382 = arith.addi %add3A_335, %add3A_381 : i32
      %lt3A_383 = arith.cmpi slt, %add3A_382, %select_n3A : i32
      %convert_element_type3A_384 = arith.extui %lt3A_383 : i1 to i32
      %cond3A_385 = arith.constant 0 : i32
      %cond3A_386 = arith.cmpi ne, %convert_element_type3A_384, %cond3A_385 : i32
      scf.if %cond3A_386 {
        %add3A_442 = arith.constant 1 : i32
        %add3A_443 = arith.addi %add3A_335, %add3A_442 : i32
        %add3A_444 = arith.addi %mul3A_11, %add3A_443 : i32
        %mul3A_445 = arith.constant 128 : i32
        %mul3A_446 = arith.muli %add3A_444, %mul3A_445 : i32
        %dma_wait3A_447 = arith.constant 0 : i32
        %dma_wait3A_448 = arith.constant 3 : i32
        %dma_wait3A_449 = arith.constant 3 : i32
        %dma_wait3A_450 = arith.constant 0 : i32
        %dma_wait3A_451 = tpu.memref_slice %arg5[%dma_wait3A_448, %dma_wait3A_450] : memref<4x128xi32, #tpu.memory_space<vmem>> -> memref<1x128xi32, #tpu.memory_space<vmem>>
        %dma_wait3A_452 = tpu.memref_squeeze %dma_wait3A_451 : memref<1x128xi32, #tpu.memory_space<vmem>> -> memref<128xi32, #tpu.memory_space<vmem>>
        %dma_wait3A_453 = tpu.memref_slice %arg3[%dma_wait3A_447, %mul3A_446] : memref<2x320000xi32, #tpu.memory_space<hbm>> -> memref<1x128xi32, #tpu.memory_space<hbm>>
        %dma_wait3A_454 = tpu.memref_squeeze %dma_wait3A_453 : memref<1x128xi32, #tpu.memory_space<hbm>> -> memref<128xi32, #tpu.memory_space<hbm>>
        %dma_wait3A_455 = tpu.memref_slice %arg11[%dma_wait3A_449] : memref<4x!tpu.dma_semaphore, #tpu.memory_space<semaphore_mem>> -> memref<1x!tpu.dma_semaphore, #tpu.memory_space<semaphore_mem>>
        %dma_wait3A_456 = tpu.memref_squeeze %dma_wait3A_455 : memref<1x!tpu.dma_semaphore, #tpu.memory_space<semaphore_mem>> -> memref<!tpu.dma_semaphore, #tpu.memory_space<semaphore_mem>>
        %dma_wait3A_457 = arith.constant 0 : i32
        %dma_wait3A_458 = tpu.memref_slice %arg5[%dma_wait3A_448, %dma_wait3A_457] : memref<4x128xi32, #tpu.memory_space<vmem>> -> memref<1x128xi32, #tpu.memory_space<vmem>>
        %dma_wait3A_459 = tpu.memref_squeeze %dma_wait3A_458 : memref<1x128xi32, #tpu.memory_space<vmem>> -> memref<128xi32, #tpu.memory_space<vmem>>
        %dma_wait3A_460 = tpu.memref_slice %arg3[%dma_wait3A_447, %mul3A_446] : memref<2x320000xi32, #tpu.memory_space<hbm>> -> memref<1x128xi32, #tpu.memory_space<hbm>>
        %dma_wait3A_461 = tpu.memref_squeeze %dma_wait3A_460 : memref<1x128xi32, #tpu.memory_space<hbm>> -> memref<128xi32, #tpu.memory_space<hbm>>
        tpu.wait_dma2 semaphore(%dma_wait3A_456 : memref<!tpu.dma_semaphore, #tpu.memory_space<semaphore_mem>>) src(%dma_wait3A_461 : memref<128xi32, #tpu.memory_space<hbm>>) dst(%dma_wait3A_459 : memref<128xi32, #tpu.memory_space<vmem>>)
        %dma_wait3A_462 = arith.constant 1 : i32
        %dma_wait3A_463 = arith.constant 3 : i32
        %dma_wait3A_464 = arith.constant 3 : i32
        %dma_wait3A_465 = arith.constant 0 : i32
        %dma_wait3A_466 = tpu.memref_slice %arg6[%dma_wait3A_463, %dma_wait3A_465] : memref<4x128xi32, #tpu.memory_space<vmem>> -> memref<1x128xi32, #tpu.memory_space<vmem>>
        %dma_wait3A_467 = tpu.memref_squeeze %dma_wait3A_466 : memref<1x128xi32, #tpu.memory_space<vmem>> -> memref<128xi32, #tpu.memory_space<vmem>>
        %dma_wait3A_468 = tpu.memref_slice %arg3[%dma_wait3A_462, %mul3A_446] : memref<2x320000xi32, #tpu.memory_space<hbm>> -> memref<1x128xi32, #tpu.memory_space<hbm>>
        %dma_wait3A_469 = tpu.memref_squeeze %dma_wait3A_468 : memref<1x128xi32, #tpu.memory_space<hbm>> -> memref<128xi32, #tpu.memory_space<hbm>>
        %dma_wait3A_470 = tpu.memref_slice %arg11[%dma_wait3A_464] : memref<4x!tpu.dma_semaphore, #tpu.memory_space<semaphore_mem>> -> memref<1x!tpu.dma_semaphore, #tpu.memory_space<semaphore_mem>>
        %dma_wait3A_471 = tpu.memref_squeeze %dma_wait3A_470 : memref<1x!tpu.dma_semaphore, #tpu.memory_space<semaphore_mem>> -> memref<!tpu.dma_semaphore, #tpu.memory_space<semaphore_mem>>
        %dma_wait3A_472 = arith.constant 0 : i32
        %dma_wait3A_473 = tpu.memref_slice %arg6[%dma_wait3A_463, %dma_wait3A_472] : memref<4x128xi32, #tpu.memory_space<vmem>> -> memref<1x128xi32, #tpu.memory_space<vmem>>
        %dma_wait3A_474 = tpu.memref_squeeze %dma_wait3A_473 : memref<1x128xi32, #tpu.memory_space<vmem>> -> memref<128xi32, #tpu.memory_space<vmem>>
        %dma_wait3A_475 = tpu.memref_slice %arg3[%dma_wait3A_462, %mul3A_446] : memref<2x320000xi32, #tpu.memory_space<hbm>> -> memref<1x128xi32, #tpu.memory_space<hbm>>
        %dma_wait3A_476 = tpu.memref_squeeze %dma_wait3A_475 : memref<1x128xi32, #tpu.memory_space<hbm>> -> memref<128xi32, #tpu.memory_space<hbm>>
        tpu.wait_dma2 semaphore(%dma_wait3A_471 : memref<!tpu.dma_semaphore, #tpu.memory_space<semaphore_mem>>) src(%dma_wait3A_476 : memref<128xi32, #tpu.memory_space<hbm>>) dst(%dma_wait3A_474 : memref<128xi32, #tpu.memory_space<vmem>>)
        %dma_start3A_477 = arith.constant 3 : i32
        %dma_start3A_478 = arith.constant 1 : i32
        %dma_start3A_479 = arith.constant 1 : i32
        %dma_start3A_480 = arith.constant 0 : i32
        %dma_start3A_481 = arith.constant 0 : i32
        %dma_start3A_482 = tpu.memref_slice %arg7[%dma_start3A_478, %dma_start3A_480, %dma_start3A_481] : memref<2x128x128xf32, #tpu.memory_space<vmem>> -> memref<1x128x128xf32, #tpu.memory_space<vmem>>
        %dma_start3A_483 = tpu.memref_squeeze %dma_start3A_482 : memref<1x128x128xf32, #tpu.memory_space<vmem>> -> memref<128x128xf32, #tpu.memory_space<vmem>>
        %dma_start3A_484 = arith.constant 0 : i32
        %dma_start3A_485 = tpu.memref_slice %arg5[%dma_start3A_477, %dma_start3A_484] : memref<4x128xi32, #tpu.memory_space<vmem>> -> memref<1x128xi32, #tpu.memory_space<vmem>>
        %dma_start3A_486 = tpu.memref_squeeze %dma_start3A_485 : memref<1x128xi32, #tpu.memory_space<vmem>> -> memref<128xi32, #tpu.memory_space<vmem>>
        %dma_start3A_487 = arith.constant 0 : i32
        %dma_start3A_488 = arith.constant 0 : i32
        %dma_start3A_489 = tpu.memref_slice %arg2[%dma_start3A_487, %dma_start3A_488] : memref<10000x128xf32, #tpu.memory_space<hbm>> -> memref<10000x128xf32, #tpu.memory_space<hbm>>
        %dma_start3A_490 = tpu.memref_slice %arg9[%dma_start3A_479] : memref<2x!tpu.dma_semaphore, #tpu.memory_space<semaphore_mem>> -> memref<1x!tpu.dma_semaphore, #tpu.memory_space<semaphore_mem>>
        %dma_start3A_491 = tpu.memref_squeeze %dma_start3A_490 : memref<1x!tpu.dma_semaphore, #tpu.memory_space<semaphore_mem>> -> memref<!tpu.dma_semaphore, #tpu.memory_space<semaphore_mem>>
        tpu.enqueue_indirect_dma source(%dma_start3A_489 : memref<10000x128xf32, #tpu.memory_space<hbm>>) target(%dma_start3A_483 : memref<128x128xf32, #tpu.memory_space<vmem>>) offsets(%dma_start3A_486 : memref<128xi32, #tpu.memory_space<vmem>>) semaphore(%dma_start3A_491 : memref<!tpu.dma_semaphore, #tpu.memory_space<semaphore_mem>>)
      } else {
      }
      %mul3A_387 = arith.constant 4 : i32
      %mul3A_388 = arith.muli %while3A_225, %mul3A_387 : i32
      %add3A_389 = arith.constant 3 : i32
      %add3A_390 = arith.addi %mul3A_388, %add3A_389 : i32
      %dma_wait3A_391 = arith.constant 3 : i32
      %dma_wait3A_392 = arith.constant 1 : i32
      %dma_wait3A_393 = arith.constant 1 : i32
      %dma_wait3A_394 = arith.constant 0 : i32
      %dma_wait3A_395 = arith.constant 0 : i32
      %dma_wait3A_396 = tpu.memref_slice %arg7[%dma_wait3A_392, %dma_wait3A_394, %dma_wait3A_395] : memref<2x128x128xf32, #tpu.memory_space<vmem>> -> memref<1x128x128xf32, #tpu.memory_space<vmem>>
      %dma_wait3A_397 = tpu.memref_squeeze %dma_wait3A_396 : memref<1x128x128xf32, #tpu.memory_space<vmem>> -> memref<128x128xf32, #tpu.memory_space<vmem>>
      %dma_wait3A_398 = arith.constant 0 : i32
      %dma_wait3A_399 = tpu.memref_slice %arg5[%dma_wait3A_391, %dma_wait3A_398] : memref<4x128xi32, #tpu.memory_space<vmem>> -> memref<1x128xi32, #tpu.memory_space<vmem>>
      %dma_wait3A_400 = tpu.memref_squeeze %dma_wait3A_399 : memref<1x128xi32, #tpu.memory_space<vmem>> -> memref<128xi32, #tpu.memory_space<vmem>>
      %dma_wait3A_401 = arith.constant 0 : i32
      %dma_wait3A_402 = arith.constant 0 : i32
      %dma_wait3A_403 = tpu.memref_slice %arg2[%dma_wait3A_401, %dma_wait3A_402] : memref<10000x128xf32, #tpu.memory_space<hbm>> -> memref<10000x128xf32, #tpu.memory_space<hbm>>
      %dma_wait3A_404 = tpu.memref_slice %arg9[%dma_wait3A_393] : memref<2x!tpu.dma_semaphore, #tpu.memory_space<semaphore_mem>> -> memref<1x!tpu.dma_semaphore, #tpu.memory_space<semaphore_mem>>
      %dma_wait3A_405 = tpu.memref_squeeze %dma_wait3A_404 : memref<1x!tpu.dma_semaphore, #tpu.memory_space<semaphore_mem>> -> memref<!tpu.dma_semaphore, #tpu.memory_space<semaphore_mem>>
      tpu.wait_indirect_dma semaphore(%dma_wait3A_405 : memref<!tpu.dma_semaphore, #tpu.memory_space<semaphore_mem>>) src(%dma_wait3A_403 : memref<10000x128xf32, #tpu.memory_space<hbm>>) dst(%dma_wait3A_397 : memref<128x128xf32, #tpu.memory_space<vmem>>)
      %dma_start3A_406 = arith.constant 1 : i32
      %dma_start3A_407 = arith.constant 3 : i32
      %dma_start3A_408 = arith.constant 1 : i32
      %dma_start3A_409 = arith.constant 0 : i32
      %dma_start3A_410 = arith.constant 0 : i32
      %dma_start3A_411 = tpu.memref_slice %arg7[%dma_start3A_406, %dma_start3A_409, %dma_start3A_410] : memref<2x128x128xf32, #tpu.memory_space<vmem>> -> memref<1x128x128xf32, #tpu.memory_space<vmem>>
      %dma_start3A_412 = tpu.memref_squeeze %dma_start3A_411 : memref<1x128x128xf32, #tpu.memory_space<vmem>> -> memref<128x128xf32, #tpu.memory_space<vmem>>
      %dma_start3A_413 = arith.constant 0 : i32
      %dma_start3A_414 = tpu.memref_slice %arg6[%dma_start3A_407, %dma_start3A_413] : memref<4x128xi32, #tpu.memory_space<vmem>> -> memref<1x128xi32, #tpu.memory_space<vmem>>
      %dma_start3A_415 = tpu.memref_squeeze %dma_start3A_414 : memref<1x128xi32, #tpu.memory_space<vmem>> -> memref<128xi32, #tpu.memory_space<vmem>>
      %dma_start3A_416 = arith.constant 0 : i32
      %dma_start3A_417 = arith.constant 0 : i32
      %dma_start3A_418 = tpu.memref_slice %arg8[%dma_start3A_416, %dma_start3A_417] : memref<10240x128xf32, #tpu.memory_space<vmem_shared>> -> memref<10240x128xf32, #tpu.memory_space<vmem_shared>>
      %dma_start3A_419 = tpu.memref_slice %arg10[%dma_start3A_408] : memref<2x!tpu.dma_semaphore, #tpu.memory_space<semaphore_mem>> -> memref<1x!tpu.dma_semaphore, #tpu.memory_space<semaphore_mem>>
      %dma_start3A_420 = tpu.memref_squeeze %dma_start3A_419 : memref<1x!tpu.dma_semaphore, #tpu.memory_space<semaphore_mem>> -> memref<!tpu.dma_semaphore, #tpu.memory_space<semaphore_mem>>
      tpu.enqueue_indirect_dma source(%dma_start3A_412 : memref<128x128xf32, #tpu.memory_space<vmem>>) target(%dma_start3A_418 : memref<10240x128xf32, #tpu.memory_space<vmem_shared>>) offsets(%dma_start3A_415 : memref<128xi32, #tpu.memory_space<vmem>>) semaphore(%dma_start3A_420 : memref<!tpu.dma_semaphore, #tpu.memory_space<semaphore_mem>>) {add = true}
      %ge3A_421 = arith.constant 1 : i32
      %ge3A_422 = arith.cmpi sge, %add3A_390, %ge3A_421 : i32
      %add3A_423 = arith.constant 1 : i32
      %add3A_424 = arith.addi %add3A_390, %add3A_423 : i32
      %lt3A_425 = arith.cmpi slt, %add3A_424, %select_n3A : i32
      %and3A_426 = arith.andi %ge3A_422, %lt3A_425 : i1
      %convert_element_type3A_427 = arith.extui %and3A_426 : i1 to i32
      %cond3A_428 = arith.constant 0 : i32
      %cond3A_429 = arith.cmpi ne, %convert_element_type3A_427, %cond3A_428 : i32
      scf.if %cond3A_429 {
        %dma_wait3A_442 = arith.constant 0 : i32
        %dma_wait3A_443 = arith.constant 3 : i32
        %dma_wait3A_444 = arith.constant 0 : i32
        %dma_wait3A_445 = arith.constant 0 : i32
        %dma_wait3A_446 = arith.constant 0 : i32
        %dma_wait3A_447 = tpu.memref_slice %arg7[%dma_wait3A_442, %dma_wait3A_445, %dma_wait3A_446] : memref<2x128x128xf32, #tpu.memory_space<vmem>> -> memref<1x128x128xf32, #tpu.memory_space<vmem>>
        %dma_wait3A_448 = tpu.memref_squeeze %dma_wait3A_447 : memref<1x128x128xf32, #tpu.memory_space<vmem>> -> memref<128x128xf32, #tpu.memory_space<vmem>>
        %dma_wait3A_449 = arith.constant 0 : i32
        %dma_wait3A_450 = tpu.memref_slice %arg6[%dma_wait3A_443, %dma_wait3A_449] : memref<4x128xi32, #tpu.memory_space<vmem>> -> memref<1x128xi32, #tpu.memory_space<vmem>>
        %dma_wait3A_451 = tpu.memref_squeeze %dma_wait3A_450 : memref<1x128xi32, #tpu.memory_space<vmem>> -> memref<128xi32, #tpu.memory_space<vmem>>
        %dma_wait3A_452 = arith.constant 0 : i32
        %dma_wait3A_453 = arith.constant 0 : i32
        %dma_wait3A_454 = tpu.memref_slice %arg8[%dma_wait3A_452, %dma_wait3A_453] : memref<10240x128xf32, #tpu.memory_space<vmem_shared>> -> memref<10240x128xf32, #tpu.memory_space<vmem_shared>>
        %dma_wait3A_455 = tpu.memref_slice %arg10[%dma_wait3A_444] : memref<2x!tpu.dma_semaphore, #tpu.memory_space<semaphore_mem>> -> memref<1x!tpu.dma_semaphore, #tpu.memory_space<semaphore_mem>>
        %dma_wait3A_456 = tpu.memref_squeeze %dma_wait3A_455 : memref<1x!tpu.dma_semaphore, #tpu.memory_space<semaphore_mem>> -> memref<!tpu.dma_semaphore, #tpu.memory_space<semaphore_mem>>
        tpu.wait_indirect_dma semaphore(%dma_wait3A_456 : memref<!tpu.dma_semaphore, #tpu.memory_space<semaphore_mem>>) src(%dma_wait3A_448 : memref<128x128xf32, #tpu.memory_space<vmem>>) dst(%dma_wait3A_454 : memref<10240x128xf32, #tpu.memory_space<vmem_shared>>)
      } else {
      }
      %add3A_430 = arith.constant 3 : i32
      %add3A_431 = arith.addi %add3A_390, %add3A_430 : i32
      %lt3A_432 = arith.cmpi slt, %add3A_431, %select_n3A : i32
      %convert_element_type3A_433 = arith.extui %lt3A_432 : i1 to i32
      %cond3A_434 = arith.constant 0 : i32
      %cond3A_435 = arith.cmpi ne, %convert_element_type3A_433, %cond3A_434 : i32
      scf.if %cond3A_435 {
        %add3A_442 = arith.constant 3 : i32
        %add3A_443 = arith.addi %add3A_390, %add3A_442 : i32
        %add3A_444 = arith.addi %mul3A_11, %add3A_443 : i32
        %mul3A_445 = arith.constant 128 : i32
        %mul3A_446 = arith.muli %add3A_444, %mul3A_445 : i32
        %dma_start3A_447 = arith.constant 0 : i32
        %dma_start3A_448 = arith.constant 2 : i32
        %dma_start3A_449 = arith.constant 2 : i32
        %dma_start3A_450 = arith.constant 0 : i32
        %dma_start3A_451 = tpu.memref_slice %arg5[%dma_start3A_448, %dma_start3A_450] : memref<4x128xi32, #tpu.memory_space<vmem>> -> memref<1x128xi32, #tpu.memory_space<vmem>>
        %dma_start3A_452 = tpu.memref_squeeze %dma_start3A_451 : memref<1x128xi32, #tpu.memory_space<vmem>> -> memref<128xi32, #tpu.memory_space<vmem>>
        %dma_start3A_453 = tpu.memref_slice %arg3[%dma_start3A_447, %mul3A_446] : memref<2x320000xi32, #tpu.memory_space<hbm>> -> memref<1x128xi32, #tpu.memory_space<hbm>>
        %dma_start3A_454 = tpu.memref_squeeze %dma_start3A_453 : memref<1x128xi32, #tpu.memory_space<hbm>> -> memref<128xi32, #tpu.memory_space<hbm>>
        %dma_start3A_455 = tpu.memref_slice %arg11[%dma_start3A_449] : memref<4x!tpu.dma_semaphore, #tpu.memory_space<semaphore_mem>> -> memref<1x!tpu.dma_semaphore, #tpu.memory_space<semaphore_mem>>
        %dma_start3A_456 = tpu.memref_squeeze %dma_start3A_455 : memref<1x!tpu.dma_semaphore, #tpu.memory_space<semaphore_mem>> -> memref<!tpu.dma_semaphore, #tpu.memory_space<semaphore_mem>>
        %dma_start3A_457 = arith.constant 0 : i32
        %dma_start3A_458 = tpu.memref_slice %arg5[%dma_start3A_448, %dma_start3A_457] : memref<4x128xi32, #tpu.memory_space<vmem>> -> memref<1x128xi32, #tpu.memory_space<vmem>>
        %dma_start3A_459 = tpu.memref_squeeze %dma_start3A_458 : memref<1x128xi32, #tpu.memory_space<vmem>> -> memref<128xi32, #tpu.memory_space<vmem>>
        %dma_start3A_460 = tpu.memref_slice %arg3[%dma_start3A_447, %mul3A_446] : memref<2x320000xi32, #tpu.memory_space<hbm>> -> memref<1x128xi32, #tpu.memory_space<hbm>>
        %dma_start3A_461 = tpu.memref_squeeze %dma_start3A_460 : memref<1x128xi32, #tpu.memory_space<hbm>> -> memref<128xi32, #tpu.memory_space<hbm>>
        tpu.enqueue_dma source(%dma_start3A_461 : memref<128xi32, #tpu.memory_space<hbm>>) target(%dma_start3A_459 : memref<128xi32, #tpu.memory_space<vmem>>) target_semaphore(%dma_start3A_456 : memref<!tpu.dma_semaphore, #tpu.memory_space<semaphore_mem>>)
        %dma_start3A_462 = arith.constant 1 : i32
        %dma_start3A_463 = arith.constant 2 : i32
        %dma_start3A_464 = arith.constant 2 : i32
        %dma_start3A_465 = arith.constant 0 : i32
        %dma_start3A_466 = tpu.memref_slice %arg6[%dma_start3A_463, %dma_start3A_465] : memref<4x128xi32, #tpu.memory_space<vmem>> -> memref<1x128xi32, #tpu.memory_space<vmem>>
        %dma_start3A_467 = tpu.memref_squeeze %dma_start3A_466 : memref<1x128xi32, #tpu.memory_space<vmem>> -> memref<128xi32, #tpu.memory_space<vmem>>
        %dma_start3A_468 = tpu.memref_slice %arg3[%dma_start3A_462, %mul3A_446] : memref<2x320000xi32, #tpu.memory_space<hbm>> -> memref<1x128xi32, #tpu.memory_space<hbm>>
        %dma_start3A_469 = tpu.memref_squeeze %dma_start3A_468 : memref<1x128xi32, #tpu.memory_space<hbm>> -> memref<128xi32, #tpu.memory_space<hbm>>
        %dma_start3A_470 = tpu.memref_slice %arg11[%dma_start3A_464] : memref<4x!tpu.dma_semaphore, #tpu.memory_space<semaphore_mem>> -> memref<1x!tpu.dma_semaphore, #tpu.memory_space<semaphore_mem>>
        %dma_start3A_471 = tpu.memref_squeeze %dma_start3A_470 : memref<1x!tpu.dma_semaphore, #tpu.memory_space<semaphore_mem>> -> memref<!tpu.dma_semaphore, #tpu.memory_space<semaphore_mem>>
        %dma_start3A_472 = arith.constant 0 : i32
        %dma_start3A_473 = tpu.memref_slice %arg6[%dma_start3A_463, %dma_start3A_472] : memref<4x128xi32, #tpu.memory_space<vmem>> -> memref<1x128xi32, #tpu.memory_space<vmem>>
        %dma_start3A_474 = tpu.memref_squeeze %dma_start3A_473 : memref<1x128xi32, #tpu.memory_space<vmem>> -> memref<128xi32, #tpu.memory_space<vmem>>
        %dma_start3A_475 = tpu.memref_slice %arg3[%dma_start3A_462, %mul3A_446] : memref<2x320000xi32, #tpu.memory_space<hbm>> -> memref<1x128xi32, #tpu.memory_space<hbm>>
        %dma_start3A_476 = tpu.memref_squeeze %dma_start3A_475 : memref<1x128xi32, #tpu.memory_space<hbm>> -> memref<128xi32, #tpu.memory_space<hbm>>
        tpu.enqueue_dma source(%dma_start3A_476 : memref<128xi32, #tpu.memory_space<hbm>>) target(%dma_start3A_474 : memref<128xi32, #tpu.memory_space<vmem>>) target_semaphore(%dma_start3A_471 : memref<!tpu.dma_semaphore, #tpu.memory_space<semaphore_mem>>)
      } else {
      }
      %add3A_436 = arith.constant 1 : i32
      %add3A_437 = arith.addi %add3A_390, %add3A_436 : i32
      %lt3A_438 = arith.cmpi slt, %add3A_437, %select_n3A : i32
      %convert_element_type3A_439 = arith.extui %lt3A_438 : i1 to i32
      %cond3A_440 = arith.constant 0 : i32
      %cond3A_441 = arith.cmpi ne, %convert_element_type3A_439, %cond3A_440 : i32
      scf.if %cond3A_441 {
        %add3A_442 = arith.constant 1 : i32
        %add3A_443 = arith.addi %add3A_390, %add3A_442 : i32
        %add3A_444 = arith.addi %mul3A_11, %add3A_443 : i32
        %mul3A_445 = arith.constant 128 : i32
        %mul3A_446 = arith.muli %add3A_444, %mul3A_445 : i32
        %dma_wait3A_447 = arith.constant 0 : i32
        %dma_wait3A_448 = arith.constant 0 : i32
        %dma_wait3A_449 = arith.constant 0 : i32
        %dma_wait3A_450 = arith.constant 0 : i32
        %dma_wait3A_451 = tpu.memref_slice %arg5[%dma_wait3A_448, %dma_wait3A_450] : memref<4x128xi32, #tpu.memory_space<vmem>> -> memref<1x128xi32, #tpu.memory_space<vmem>>
        %dma_wait3A_452 = tpu.memref_squeeze %dma_wait3A_451 : memref<1x128xi32, #tpu.memory_space<vmem>> -> memref<128xi32, #tpu.memory_space<vmem>>
        %dma_wait3A_453 = tpu.memref_slice %arg3[%dma_wait3A_447, %mul3A_446] : memref<2x320000xi32, #tpu.memory_space<hbm>> -> memref<1x128xi32, #tpu.memory_space<hbm>>
        %dma_wait3A_454 = tpu.memref_squeeze %dma_wait3A_453 : memref<1x128xi32, #tpu.memory_space<hbm>> -> memref<128xi32, #tpu.memory_space<hbm>>
        %dma_wait3A_455 = tpu.memref_slice %arg11[%dma_wait3A_449] : memref<4x!tpu.dma_semaphore, #tpu.memory_space<semaphore_mem>> -> memref<1x!tpu.dma_semaphore, #tpu.memory_space<semaphore_mem>>
        %dma_wait3A_456 = tpu.memref_squeeze %dma_wait3A_455 : memref<1x!tpu.dma_semaphore, #tpu.memory_space<semaphore_mem>> -> memref<!tpu.dma_semaphore, #tpu.memory_space<semaphore_mem>>
        %dma_wait3A_457 = arith.constant 0 : i32
        %dma_wait3A_458 = tpu.memref_slice %arg5[%dma_wait3A_448, %dma_wait3A_457] : memref<4x128xi32, #tpu.memory_space<vmem>> -> memref<1x128xi32, #tpu.memory_space<vmem>>
        %dma_wait3A_459 = tpu.memref_squeeze %dma_wait3A_458 : memref<1x128xi32, #tpu.memory_space<vmem>> -> memref<128xi32, #tpu.memory_space<vmem>>
        %dma_wait3A_460 = tpu.memref_slice %arg3[%dma_wait3A_447, %mul3A_446] : memref<2x320000xi32, #tpu.memory_space<hbm>> -> memref<1x128xi32, #tpu.memory_space<hbm>>
        %dma_wait3A_461 = tpu.memref_squeeze %dma_wait3A_460 : memref<1x128xi32, #tpu.memory_space<hbm>> -> memref<128xi32, #tpu.memory_space<hbm>>
        tpu.wait_dma2 semaphore(%dma_wait3A_456 : memref<!tpu.dma_semaphore, #tpu.memory_space<semaphore_mem>>) src(%dma_wait3A_461 : memref<128xi32, #tpu.memory_space<hbm>>) dst(%dma_wait3A_459 : memref<128xi32, #tpu.memory_space<vmem>>)
        %dma_wait3A_462 = arith.constant 1 : i32
        %dma_wait3A_463 = arith.constant 0 : i32
        %dma_wait3A_464 = arith.constant 0 : i32
        %dma_wait3A_465 = arith.constant 0 : i32
        %dma_wait3A_466 = tpu.memref_slice %arg6[%dma_wait3A_463, %dma_wait3A_465] : memref<4x128xi32, #tpu.memory_space<vmem>> -> memref<1x128xi32, #tpu.memory_space<vmem>>
        %dma_wait3A_467 = tpu.memref_squeeze %dma_wait3A_466 : memref<1x128xi32, #tpu.memory_space<vmem>> -> memref<128xi32, #tpu.memory_space<vmem>>
        %dma_wait3A_468 = tpu.memref_slice %arg3[%dma_wait3A_462, %mul3A_446] : memref<2x320000xi32, #tpu.memory_space<hbm>> -> memref<1x128xi32, #tpu.memory_space<hbm>>
        %dma_wait3A_469 = tpu.memref_squeeze %dma_wait3A_468 : memref<1x128xi32, #tpu.memory_space<hbm>> -> memref<128xi32, #tpu.memory_space<hbm>>
        %dma_wait3A_470 = tpu.memref_slice %arg11[%dma_wait3A_464] : memref<4x!tpu.dma_semaphore, #tpu.memory_space<semaphore_mem>> -> memref<1x!tpu.dma_semaphore, #tpu.memory_space<semaphore_mem>>
        %dma_wait3A_471 = tpu.memref_squeeze %dma_wait3A_470 : memref<1x!tpu.dma_semaphore, #tpu.memory_space<semaphore_mem>> -> memref<!tpu.dma_semaphore, #tpu.memory_space<semaphore_mem>>
        %dma_wait3A_472 = arith.constant 0 : i32
        %dma_wait3A_473 = tpu.memref_slice %arg6[%dma_wait3A_463, %dma_wait3A_472] : memref<4x128xi32, #tpu.memory_space<vmem>> -> memref<1x128xi32, #tpu.memory_space<vmem>>
        %dma_wait3A_474 = tpu.memref_squeeze %dma_wait3A_473 : memref<1x128xi32, #tpu.memory_space<vmem>> -> memref<128xi32, #tpu.memory_space<vmem>>
        %dma_wait3A_475 = tpu.memref_slice %arg3[%dma_wait3A_462, %mul3A_446] : memref<2x320000xi32, #tpu.memory_space<hbm>> -> memref<1x128xi32, #tpu.memory_space<hbm>>
        %dma_wait3A_476 = tpu.memref_squeeze %dma_wait3A_475 : memref<1x128xi32, #tpu.memory_space<hbm>> -> memref<128xi32, #tpu.memory_space<hbm>>
        tpu.wait_dma2 semaphore(%dma_wait3A_471 : memref<!tpu.dma_semaphore, #tpu.memory_space<semaphore_mem>>) src(%dma_wait3A_476 : memref<128xi32, #tpu.memory_space<hbm>>) dst(%dma_wait3A_474 : memref<128xi32, #tpu.memory_space<vmem>>)
        %dma_start3A_477 = arith.constant 0 : i32
        %dma_start3A_478 = arith.constant 0 : i32
        %dma_start3A_479 = arith.constant 0 : i32
        %dma_start3A_480 = arith.constant 0 : i32
        %dma_start3A_481 = arith.constant 0 : i32
        %dma_start3A_482 = tpu.memref_slice %arg7[%dma_start3A_478, %dma_start3A_480, %dma_start3A_481] : memref<2x128x128xf32, #tpu.memory_space<vmem>> -> memref<1x128x128xf32, #tpu.memory_space<vmem>>
        %dma_start3A_483 = tpu.memref_squeeze %dma_start3A_482 : memref<1x128x128xf32, #tpu.memory_space<vmem>> -> memref<128x128xf32, #tpu.memory_space<vmem>>
        %dma_start3A_484 = arith.constant 0 : i32
        %dma_start3A_485 = tpu.memref_slice %arg5[%dma_start3A_477, %dma_start3A_484] : memref<4x128xi32, #tpu.memory_space<vmem>> -> memref<1x128xi32, #tpu.memory_space<vmem>>
        %dma_start3A_486 = tpu.memref_squeeze %dma_start3A_485 : memref<1x128xi32, #tpu.memory_space<vmem>> -> memref<128xi32, #tpu.memory_space<vmem>>
        %dma_start3A_487 = arith.constant 0 : i32
        %dma_start3A_488 = arith.constant 0 : i32
        %dma_start3A_489 = tpu.memref_slice %arg2[%dma_start3A_487, %dma_start3A_488] : memref<10000x128xf32, #tpu.memory_space<hbm>> -> memref<10000x128xf32, #tpu.memory_space<hbm>>
        %dma_start3A_490 = tpu.memref_slice %arg9[%dma_start3A_479] : memref<2x!tpu.dma_semaphore, #tpu.memory_space<semaphore_mem>> -> memref<1x!tpu.dma_semaphore, #tpu.memory_space<semaphore_mem>>
        %dma_start3A_491 = tpu.memref_squeeze %dma_start3A_490 : memref<1x!tpu.dma_semaphore, #tpu.memory_space<semaphore_mem>> -> memref<!tpu.dma_semaphore, #tpu.memory_space<semaphore_mem>>
        tpu.enqueue_indirect_dma source(%dma_start3A_489 : memref<10000x128xf32, #tpu.memory_space<hbm>>) target(%dma_start3A_483 : memref<128x128xf32, #tpu.memory_space<vmem>>) offsets(%dma_start3A_486 : memref<128xi32, #tpu.memory_space<vmem>>) semaphore(%dma_start3A_491 : memref<!tpu.dma_semaphore, #tpu.memory_space<semaphore_mem>>)
      } else {
      }
    }
    %dma_wait3A_189 = arith.constant 0 : i32
    %dma_wait3A_190 = arith.constant 0 : i32
    %dma_wait3A_191 = arith.constant 0 : i32
    %dma_wait3A_192 = arith.constant 0 : i32
    %dma_wait3A_193 = arith.constant 0 : i32
    %dma_wait3A_194 = tpu.memref_slice %arg7[%dma_wait3A_189, %dma_wait3A_192, %dma_wait3A_193] : memref<2x128x128xf32, #tpu.memory_space<vmem>> -> memref<1x128x128xf32, #tpu.memory_space<vmem>>
    %dma_wait3A_195 = tpu.memref_squeeze %dma_wait3A_194 : memref<1x128x128xf32, #tpu.memory_space<vmem>> -> memref<128x128xf32, #tpu.memory_space<vmem>>
    %dma_wait3A_196 = arith.constant 0 : i32
    %dma_wait3A_197 = tpu.memref_slice %arg6[%dma_wait3A_190, %dma_wait3A_196] : memref<4x128xi32, #tpu.memory_space<vmem>> -> memref<1x128xi32, #tpu.memory_space<vmem>>
    %dma_wait3A_198 = tpu.memref_squeeze %dma_wait3A_197 : memref<1x128xi32, #tpu.memory_space<vmem>> -> memref<128xi32, #tpu.memory_space<vmem>>
    %dma_wait3A_199 = arith.constant 0 : i32
    %dma_wait3A_200 = arith.constant 0 : i32
    %dma_wait3A_201 = tpu.memref_slice %arg8[%dma_wait3A_199, %dma_wait3A_200] : memref<10240x128xf32, #tpu.memory_space<vmem_shared>> -> memref<10240x128xf32, #tpu.memory_space<vmem_shared>>
    %dma_wait3A_202 = tpu.memref_slice %arg10[%dma_wait3A_191] : memref<2x!tpu.dma_semaphore, #tpu.memory_space<semaphore_mem>> -> memref<1x!tpu.dma_semaphore, #tpu.memory_space<semaphore_mem>>
    %dma_wait3A_203 = tpu.memref_squeeze %dma_wait3A_202 : memref<1x!tpu.dma_semaphore, #tpu.memory_space<semaphore_mem>> -> memref<!tpu.dma_semaphore, #tpu.memory_space<semaphore_mem>>
    tpu.wait_indirect_dma semaphore(%dma_wait3A_203 : memref<!tpu.dma_semaphore, #tpu.memory_space<semaphore_mem>>) src(%dma_wait3A_195 : memref<128x128xf32, #tpu.memory_space<vmem>>) dst(%dma_wait3A_201 : memref<10240x128xf32, #tpu.memory_space<vmem_shared>>)
    %dma_wait3A_204 = arith.constant 1 : i32
    %dma_wait3A_205 = arith.constant 1 : i32
    %dma_wait3A_206 = arith.constant 1 : i32
    %dma_wait3A_207 = arith.constant 0 : i32
    %dma_wait3A_208 = arith.constant 0 : i32
    %dma_wait3A_209 = tpu.memref_slice %arg7[%dma_wait3A_204, %dma_wait3A_207, %dma_wait3A_208] : memref<2x128x128xf32, #tpu.memory_space<vmem>> -> memref<1x128x128xf32, #tpu.memory_space<vmem>>
    %dma_wait3A_210 = tpu.memref_squeeze %dma_wait3A_209 : memref<1x128x128xf32, #tpu.memory_space<vmem>> -> memref<128x128xf32, #tpu.memory_space<vmem>>
    %dma_wait3A_211 = arith.constant 0 : i32
    %dma_wait3A_212 = tpu.memref_slice %arg6[%dma_wait3A_205, %dma_wait3A_211] : memref<4x128xi32, #tpu.memory_space<vmem>> -> memref<1x128xi32, #tpu.memory_space<vmem>>
    %dma_wait3A_213 = tpu.memref_squeeze %dma_wait3A_212 : memref<1x128xi32, #tpu.memory_space<vmem>> -> memref<128xi32, #tpu.memory_space<vmem>>
    %dma_wait3A_214 = arith.constant 0 : i32
    %dma_wait3A_215 = arith.constant 0 : i32
    %dma_wait3A_216 = tpu.memref_slice %arg8[%dma_wait3A_214, %dma_wait3A_215] : memref<10240x128xf32, #tpu.memory_space<vmem_shared>> -> memref<10240x128xf32, #tpu.memory_space<vmem_shared>>
    %dma_wait3A_217 = tpu.memref_slice %arg10[%dma_wait3A_206] : memref<2x!tpu.dma_semaphore, #tpu.memory_space<semaphore_mem>> -> memref<1x!tpu.dma_semaphore, #tpu.memory_space<semaphore_mem>>
    %dma_wait3A_218 = tpu.memref_squeeze %dma_wait3A_217 : memref<1x!tpu.dma_semaphore, #tpu.memory_space<semaphore_mem>> -> memref<!tpu.dma_semaphore, #tpu.memory_space<semaphore_mem>>
    tpu.wait_indirect_dma semaphore(%dma_wait3A_218 : memref<!tpu.dma_semaphore, #tpu.memory_space<semaphore_mem>>) src(%dma_wait3A_210 : memref<128x128xf32, #tpu.memory_space<vmem>>) dst(%dma_wait3A_216 : memref<10240x128xf32, #tpu.memory_space<vmem_shared>>)
    %barrier3A_219 = arith.constant 0 : index
    tpu.barrier barrier_id(%barrier3A_219)
    %scan3A_220 = arith.constant 0 : i32
    %scan3A_221 = arith.constant 5 : i32
    %scan3A_222 = arith.addi %scan3A_220, %scan3A_221 : i32
    %scan3A_223 = arith.constant 1 : i32
    scf.for %scan3A_225 = %scan3A_220 to %scan3A_222 step %scan3A_223  : i32 {
      %mul3A_226 = arith.constant 640 : i32
      %mul3A_227 = arith.muli %arg1, %mul3A_226 : i32
      %mul3A_228 = arith.constant 128 : i32
      %mul3A_229 = arith.muli %scan3A_225, %mul3A_228 : i32
      %add3A_230 = arith.addi %mul3A_227, %mul3A_229 : i32
      %run_scoped3A = arith.constant 0 : i32
      "tpu.region"() ({
        %run_scoped3A_232 = tpu.sem_alloc : memref<!tpu.dma_semaphore, #tpu.memory_space<semaphore_mem>>
        %dma_start3A_233 = arith.constant 0 : i32
        %dma_start3A_234 = arith.constant 0 : i32
        %dma_start3A_235 = tpu.memref_slice %arg7[%run_scoped3A, %dma_start3A_233, %dma_start3A_234] : memref<2x128x128xf32, #tpu.memory_space<vmem>> -> memref<1x128x128xf32, #tpu.memory_space<vmem>>
        %dma_start3A_236 = tpu.memref_squeeze %dma_start3A_235 : memref<1x128x128xf32, #tpu.memory_space<vmem>> -> memref<128x128xf32, #tpu.memory_space<vmem>>
        %dma_start3A_237 = arith.constant 0 : i32
        %dma_start3A_238 = tpu.memref_slice %arg8[%add3A_230, %dma_start3A_237] : memref<10240x128xf32, #tpu.memory_space<vmem_shared>> -> memref<128x128xf32, #tpu.memory_space<vmem_shared>>
        %dma_start3A_239 = arith.constant 0 : i32
        %dma_start3A_240 = arith.constant 0 : i32
        %dma_start3A_241 = tpu.memref_slice %arg7[%run_scoped3A, %dma_start3A_239, %dma_start3A_240] : memref<2x128x128xf32, #tpu.memory_space<vmem>> -> memref<1x128x128xf32, #tpu.memory_space<vmem>>
        %dma_start3A_242 = tpu.memref_squeeze %dma_start3A_241 : memref<1x128x128xf32, #tpu.memory_space<vmem>> -> memref<128x128xf32, #tpu.memory_space<vmem>>
        %dma_start3A_243 = arith.constant 0 : i32
        %dma_start3A_244 = tpu.memref_slice %arg8[%add3A_230, %dma_start3A_243] : memref<10240x128xf32, #tpu.memory_space<vmem_shared>> -> memref<128x128xf32, #tpu.memory_space<vmem_shared>>
        tpu.enqueue_dma source(%dma_start3A_244 : memref<128x128xf32, #tpu.memory_space<vmem_shared>>) target(%dma_start3A_242 : memref<128x128xf32, #tpu.memory_space<vmem>>) target_semaphore(%run_scoped3A_232 : memref<!tpu.dma_semaphore, #tpu.memory_space<semaphore_mem>>)
        %dma_wait3A_245 = arith.constant 0 : i32
        %dma_wait3A_246 = arith.constant 0 : i32
        %dma_wait3A_247 = tpu.memref_slice %arg7[%run_scoped3A, %dma_wait3A_245, %dma_wait3A_246] : memref<2x128x128xf32, #tpu.memory_space<vmem>> -> memref<1x128x128xf32, #tpu.memory_space<vmem>>
        %dma_wait3A_248 = tpu.memref_squeeze %dma_wait3A_247 : memref<1x128x128xf32, #tpu.memory_space<vmem>> -> memref<128x128xf32, #tpu.memory_space<vmem>>
        %dma_wait3A_249 = arith.constant 0 : i32
        %dma_wait3A_250 = tpu.memref_slice %arg8[%add3A_230, %dma_wait3A_249] : memref<10240x128xf32, #tpu.memory_space<vmem_shared>> -> memref<128x128xf32, #tpu.memory_space<vmem_shared>>
        %dma_wait3A_251 = arith.constant 0 : i32
        %dma_wait3A_252 = arith.constant 0 : i32
        %dma_wait3A_253 = tpu.memref_slice %arg7[%run_scoped3A, %dma_wait3A_251, %dma_wait3A_252] : memref<2x128x128xf32, #tpu.memory_space<vmem>> -> memref<1x128x128xf32, #tpu.memory_space<vmem>>
        %dma_wait3A_254 = tpu.memref_squeeze %dma_wait3A_253 : memref<1x128x128xf32, #tpu.memory_space<vmem>> -> memref<128x128xf32, #tpu.memory_space<vmem>>
        %dma_wait3A_255 = arith.constant 0 : i32
        %dma_wait3A_256 = tpu.memref_slice %arg8[%add3A_230, %dma_wait3A_255] : memref<10240x128xf32, #tpu.memory_space<vmem_shared>> -> memref<128x128xf32, #tpu.memory_space<vmem_shared>>
        tpu.wait_dma2 semaphore(%run_scoped3A_232 : memref<!tpu.dma_semaphore, #tpu.memory_space<semaphore_mem>>) src(%dma_wait3A_256 : memref<128x128xf32, #tpu.memory_space<vmem_shared>>) dst(%dma_wait3A_254 : memref<128x128xf32, #tpu.memory_space<vmem>>)
        tpu.yield
      }) : () -> ()
      %run_scoped3A_231 = arith.constant 0 : i32
      "tpu.region"() ({
        %run_scoped3A_232 = tpu.sem_alloc : memref<!tpu.dma_semaphore, #tpu.memory_space<semaphore_mem>>
        %dma_start3A_233 = arith.constant 0 : i32
        %dma_start3A_234 = arith.constant 0 : i32
        %dma_start3A_235 = tpu.memref_slice %arg7[%run_scoped3A_231, %dma_start3A_233, %dma_start3A_234] : memref<2x128x128xf32, #tpu.memory_space<vmem>> -> memref<1x128x128xf32, #tpu.memory_space<vmem>>
        %dma_start3A_236 = tpu.memref_squeeze %dma_start3A_235 : memref<1x128x128xf32, #tpu.memory_space<vmem>> -> memref<128x128xf32, #tpu.memory_space<vmem>>
        %dma_start3A_237 = arith.constant 0 : i32
        %dma_start3A_238 = tpu.memref_slice %arg4[%arg0, %add3A_230, %dma_start3A_237] : memref<2x10240x128xf32, #tpu.memory_space<hbm>> -> memref<1x128x128xf32, #tpu.memory_space<hbm>>
        %dma_start3A_239 = tpu.memref_squeeze %dma_start3A_238 : memref<1x128x128xf32, #tpu.memory_space<hbm>> -> memref<128x128xf32, #tpu.memory_space<hbm>>
        %dma_start3A_240 = arith.constant 0 : i32
        %dma_start3A_241 = tpu.memref_slice %arg4[%arg0, %add3A_230, %dma_start3A_240] : memref<2x10240x128xf32, #tpu.memory_space<hbm>> -> memref<1x128x128xf32, #tpu.memory_space<hbm>>
        %dma_start3A_242 = tpu.memref_squeeze %dma_start3A_241 : memref<1x128x128xf32, #tpu.memory_space<hbm>> -> memref<128x128xf32, #tpu.memory_space<hbm>>
        %dma_start3A_243 = arith.constant 0 : i32
        %dma_start3A_244 = arith.constant 0 : i32
        %dma_start3A_245 = tpu.memref_slice %arg7[%run_scoped3A_231, %dma_start3A_243, %dma_start3A_244] : memref<2x128x128xf32, #tpu.memory_space<vmem>> -> memref<1x128x128xf32, #tpu.memory_space<vmem>>
        %dma_start3A_246 = tpu.memref_squeeze %dma_start3A_245 : memref<1x128x128xf32, #tpu.memory_space<vmem>> -> memref<128x128xf32, #tpu.memory_space<vmem>>
        tpu.enqueue_dma source(%dma_start3A_246 : memref<128x128xf32, #tpu.memory_space<vmem>>) target(%dma_start3A_242 : memref<128x128xf32, #tpu.memory_space<hbm>>) target_semaphore(%run_scoped3A_232 : memref<!tpu.dma_semaphore, #tpu.memory_space<semaphore_mem>>)
        %dma_wait3A_247 = arith.constant 0 : i32
        %dma_wait3A_248 = arith.constant 0 : i32
        %dma_wait3A_249 = tpu.memref_slice %arg7[%run_scoped3A_231, %dma_wait3A_247, %dma_wait3A_248] : memref<2x128x128xf32, #tpu.memory_space<vmem>> -> memref<1x128x128xf32, #tpu.memory_space<vmem>>
        %dma_wait3A_250 = tpu.memref_squeeze %dma_wait3A_249 : memref<1x128x128xf32, #tpu.memory_space<vmem>> -> memref<128x128xf32, #tpu.memory_space<vmem>>
        %dma_wait3A_251 = arith.constant 0 : i32
        %dma_wait3A_252 = tpu.memref_slice %arg4[%arg0, %add3A_230, %dma_wait3A_251] : memref<2x10240x128xf32, #tpu.memory_space<hbm>> -> memref<1x128x128xf32, #tpu.memory_space<hbm>>
        %dma_wait3A_253 = tpu.memref_squeeze %dma_wait3A_252 : memref<1x128x128xf32, #tpu.memory_space<hbm>> -> memref<128x128xf32, #tpu.memory_space<hbm>>
        %dma_wait3A_254 = arith.constant 0 : i32
        %dma_wait3A_255 = tpu.memref_slice %arg4[%arg0, %add3A_230, %dma_wait3A_254] : memref<2x10240x128xf32, #tpu.memory_space<hbm>> -> memref<1x128x128xf32, #tpu.memory_space<hbm>>
        %dma_wait3A_256 = tpu.memref_squeeze %dma_wait3A_255 : memref<1x128x128xf32, #tpu.memory_space<hbm>> -> memref<128x128xf32, #tpu.memory_space<hbm>>
        %dma_wait3A_257 = arith.constant 0 : i32
        %dma_wait3A_258 = arith.constant 0 : i32
        %dma_wait3A_259 = tpu.memref_slice %arg7[%run_scoped3A_231, %dma_wait3A_257, %dma_wait3A_258] : memref<2x128x128xf32, #tpu.memory_space<vmem>> -> memref<1x128x128xf32, #tpu.memory_space<vmem>>
        %dma_wait3A_260 = tpu.memref_squeeze %dma_wait3A_259 : memref<1x128x128xf32, #tpu.memory_space<vmem>> -> memref<128x128xf32, #tpu.memory_space<vmem>>
        tpu.wait_dma2 semaphore(%run_scoped3A_232 : memref<!tpu.dma_semaphore, #tpu.memory_space<semaphore_mem>>) src(%dma_wait3A_260 : memref<128x128xf32, #tpu.memory_space<vmem>>) dst(%dma_wait3A_256 : memref<128x128xf32, #tpu.memory_space<hbm>>)
        tpu.yield
      }) : () -> ()
    }
    %scan3A_224 = arith.constant 5 : i32
    return
  }
}

module attributes {stable_mosaic.version = 14 : i64} {
  func.func @_mm_body(%arg0: i32, %arg1: memref<1000x128xf32, #tpu.memory_space<vmem>>, %arg2: memref<128x128xf32, #tpu.memory_space<vmem>>, %arg3: memref<1x128xf32, #tpu.memory_space<vmem>>, %arg4: memref<128x128xf32, #tpu.memory_space<vmem>>, %arg5: memref<1x128xf32, #tpu.memory_space<vmem>>, %arg6: memref<1000x128xf32, #tpu.memory_space<vmem>>, %arg7: memref<1000x128xf32, #tpu.memory_space<vmem>>) attributes {dimension_semantics = [#tpu.dimension_semantics<arbitrary>], iteration_bounds = array<i64: 10>, scalar_prefetch = 0 : i64, scratch_operands = 0 : i64, tpu.core_type = #tpu.core_type<tc>, window_params = [{transform_indices = @transform_0, window_bounds = array<i64: 1000, 128>}, {pipeline_mode = #tpu.pipeline_mode<synchronous>, transform_indices = @transform_1, window_bounds = array<i64: 128, 128>}, {pipeline_mode = #tpu.pipeline_mode<synchronous>, transform_indices = @transform_2, window_bounds = array<i64: 1, 128>}, {pipeline_mode = #tpu.pipeline_mode<synchronous>, transform_indices = @transform_3, window_bounds = array<i64: 128, 128>}, {pipeline_mode = #tpu.pipeline_mode<synchronous>, transform_indices = @transform_4, window_bounds = array<i64: 1, 128>}, {transform_indices = @transform_5, window_bounds = array<i64: 1000, 128>}, {transform_indices = @transform_6, window_bounds = array<i64: 1000, 128>}]} {
    %get3A = arith.constant 0 : index
    %get3A_0 = arith.constant 0 : index
    %get3A_1 = vector.load %arg1[%get3A, %get3A_0] : memref<1000x128xf32, #tpu.memory_space<vmem>>, vector<1000x128xf32>
    %get3A_2 = arith.constant 0 : index
    %get3A_3 = arith.constant 0 : index
    %get3A_4 = vector.load %arg2[%get3A_2, %get3A_3] : memref<128x128xf32, #tpu.memory_space<vmem>>, vector<128x128xf32>
    %dot_general3A = arith.constant dense<0.000000e+00> : vector<1000x128xf32>
    %dot_general3A_5 = tpu.matmul %get3A_1, %get3A_4, %dot_general3A {dimension_numbers = #tpu.dot_dimension_numbers<[1], [0], [0], [1], [0, 0, 1, 1], [], []>, transpose_lhs_hint = false} : vector<1000x128xf32>, vector<128x128xf32>, vector<1000x128xf32> -> vector<1000x128xf32>
    %get3A_6 = arith.constant 0 : index
    %get3A_7 = arith.constant 0 : index
    %get3A_8 = vector.load %arg3[%get3A_6, %get3A_7] : memref<1x128xf32, #tpu.memory_space<vmem>>, vector<1x128xf32>
    %add3A = vector.broadcast %get3A_8 : vector<1x128xf32> to vector<1000x128xf32>
    %add3A_9 = arith.addf %dot_general3A_5, %add3A : vector<1000x128xf32>
    %swap3A = arith.constant 0 : index
    %swap3A_10 = arith.constant 0 : index
    %swap3A_11 = vector.load %arg6[%swap3A, %swap3A_10] : memref<1000x128xf32, #tpu.memory_space<vmem>>, vector<1000x128xf32>
    tpu.vector_store %arg6[%swap3A, %swap3A_10], %add3A_9 {strides = array<i32>} : memref<1000x128xf32, #tpu.memory_space<vmem>>, vector<1000x128xf32>,
    %get3A_12 = arith.constant 0 : index
    %get3A_13 = arith.constant 0 : index
    %get3A_14 = vector.load %arg4[%get3A_12, %get3A_13] : memref<128x128xf32, #tpu.memory_space<vmem>>, vector<128x128xf32>
    %dot_general3A_15 = arith.constant dense<0.000000e+00> : vector<1000x128xf32>
    %dot_general3A_16 = tpu.matmul %get3A_1, %get3A_14, %dot_general3A_15 {dimension_numbers = #tpu.dot_dimension_numbers<[1], [0], [0], [1], [0, 0, 1, 1], [], []>, transpose_lhs_hint = false} : vector<1000x128xf32>, vector<128x128xf32>, vector<1000x128xf32> -> vector<1000x128xf32>
    %get3A_17 = arith.constant 0 : index
    %get3A_18 = arith.constant 0 : index
    %get3A_19 = vector.load %arg5[%get3A_17, %get3A_18] : memref<1x128xf32, #tpu.memory_space<vmem>>, vector<1x128xf32>
    %add3A_20 = vector.broadcast %get3A_19 : vector<1x128xf32> to vector<1000x128xf32>
    %add3A_21 = arith.addf %dot_general3A_16, %add3A_20 : vector<1000x128xf32>
    %swap3A_22 = arith.constant 0 : index
    %swap3A_23 = arith.constant 0 : index
    %swap3A_24 = vector.load %arg7[%swap3A_22, %swap3A_23] : memref<1000x128xf32, #tpu.memory_space<vmem>>, vector<1000x128xf32>
    tpu.vector_store %arg7[%swap3A_22, %swap3A_23], %add3A_21 {strides = array<i32>} : memref<1000x128xf32, #tpu.memory_space<vmem>>, vector<1000x128xf32>,
    return
  }
  func.func @transform_0(%arg0: i32) -> (i32, i32) {
    %c0_i32 = arith.constant 0 : i32
    %c0_i32_0 = arith.constant 0 : i32
    return %arg0, %c0_i32 : i32, i32
  }
  func.func @transform_1(%arg0: i32) -> (i32, i32) {
    %c0_i32 = arith.constant 0 : i32
    %c0_i32_0 = arith.constant 0 : i32
    %c0_i32_1 = arith.constant 0 : i32
    return %c0_i32, %c0_i32_0 : i32, i32
  }
  func.func @transform_2(%arg0: i32) -> (i32, i32) {
    %c0_i32 = arith.constant 0 : i32
    %c0_i32_0 = arith.constant 0 : i32
    %c0_i32_1 = arith.constant 0 : i32
    return %c0_i32, %c0_i32_0 : i32, i32
  }
  func.func @transform_3(%arg0: i32) -> (i32, i32) {
    %c0_i32 = arith.constant 0 : i32
    %c0_i32_0 = arith.constant 0 : i32
    %c0_i32_1 = arith.constant 0 : i32
    return %c0_i32, %c0_i32_0 : i32, i32
  }
  func.func @transform_4(%arg0: i32) -> (i32, i32) {
    %c0_i32 = arith.constant 0 : i32
    %c0_i32_0 = arith.constant 0 : i32
    %c0_i32_1 = arith.constant 0 : i32
    return %c0_i32, %c0_i32_0 : i32, i32
  }
  func.func @transform_5(%arg0: i32) -> (i32, i32) {
    %c0_i32 = arith.constant 0 : i32
    %c0_i32_0 = arith.constant 0 : i32
    return %arg0, %c0_i32 : i32, i32
  }
  func.func @transform_6(%arg0: i32) -> (i32, i32) {
    %c0_i32 = arith.constant 0 : i32
    %c0_i32_0 = arith.constant 0 : i32
    return %arg0, %c0_i32 : i32, i32
  }
}

module attributes {stable_mosaic.version = 14 : i64} {
  func.func @_final_body(%arg0: memref<10000x128xf32, #tpu.memory_space<vmem>>, %arg1: memref<10000x128xf32, #tpu.memory_space<vmem>>, %arg2: memref<2x10240x128xf32, #tpu.memory_space<vmem>>, %arg3: memref<1x128xf32, #tpu.memory_space<vmem>>, %arg4: memref<1x128xf32, #tpu.memory_space<vmem>>, %arg5: memref<10000x128xf32, #tpu.memory_space<vmem>>) attributes {dimension_semantics = [], scalar_prefetch = 0 : i64, scratch_operands = 0 : i64, tpu.core_type = #tpu.core_type<tc>} {
    %get3A = arith.constant 0 : index
    %get3A_0 = arith.constant 0 : index
    %get3A_1 = vector.load %arg1[%get3A, %get3A_0] : memref<10000x128xf32, #tpu.memory_space<vmem>>, vector<10000x128xf32>
    %get3A_2 = arith.constant 0 : index
    %get3A_3 = arith.constant 0 : index
    %get3A_4 = arith.constant 0 : index
    %get3A_5 = vector.load %arg2[%get3A_2, %get3A_3, %get3A_4] : memref<2x10240x128xf32, #tpu.memory_space<vmem>>, vector<1x10000x128xf32>
    %get3A_6 = vector.shape_cast %get3A_5 : vector<1x10000x128xf32> to vector<10000x128xf32>
    %add3A = arith.addf %get3A_1, %get3A_6 : vector<10000x128xf32>
    %get3A_7 = arith.constant 1 : index
    %get3A_8 = arith.constant 0 : index
    %get3A_9 = arith.constant 0 : index
    %get3A_10 = vector.load %arg2[%get3A_7, %get3A_8, %get3A_9] : memref<2x10240x128xf32, #tpu.memory_space<vmem>>, vector<1x10000x128xf32>
    %get3A_11 = vector.shape_cast %get3A_10 : vector<1x10000x128xf32> to vector<10000x128xf32>
    %add3A_12 = arith.addf %add3A, %get3A_11 : vector<10000x128xf32>
    %reduce_sum3A = arith.constant dense<0.000000e+00> : vector<128xf32>
    %reduce_sum3A_13 = vector.multi_reduction <add>, %add3A_12, %reduce_sum3A [0] : vector<10000x128xf32> to vector<128xf32>
    %broadcast_in_dim3A = vector.shape_cast %reduce_sum3A_13 : vector<128xf32> to vector<1x128xf32>
    %div3A = arith.constant 1.000000e+04 : f32
    %div3A_14 = vector.broadcast %div3A : f32 to vector<1x128xf32>
    %div3A_15 = arith.divf %broadcast_in_dim3A, %div3A_14 : vector<1x128xf32>
    %mul3A = arith.mulf %add3A_12, %add3A_12 : vector<10000x128xf32>
    %reduce_sum3A_16 = arith.constant dense<0.000000e+00> : vector<128xf32>
    %reduce_sum3A_17 = vector.multi_reduction <add>, %mul3A, %reduce_sum3A_16 [0] : vector<10000x128xf32> to vector<128xf32>
    %broadcast_in_dim3A_18 = vector.shape_cast %reduce_sum3A_17 : vector<128xf32> to vector<1x128xf32>
    %div3A_19 = arith.constant 1.000000e+04 : f32
    %div3A_20 = vector.broadcast %div3A_19 : f32 to vector<1x128xf32>
    %div3A_21 = arith.divf %broadcast_in_dim3A_18, %div3A_20 : vector<1x128xf32>
    %mul3A_22 = arith.mulf %div3A_15, %div3A_15 : vector<1x128xf32>
    %sub3A = arith.subf %div3A_21, %mul3A_22 : vector<1x128xf32>
    %sub3A_23 = vector.broadcast %div3A_15 : vector<1x128xf32> to vector<10000x128xf32>
    %sub3A_24 = arith.subf %add3A_12, %sub3A_23 : vector<10000x128xf32>
    %add3A_25 = arith.constant 9.99999974E-6 : f32
    %add3A_26 = vector.broadcast %add3A_25 : f32 to vector<1x128xf32>
    %add3A_27 = arith.addf %sub3A, %add3A_26 : vector<1x128xf32>
    %rsqrt3A = math.rsqrt %add3A_27 : vector<1x128xf32>
    %get3A_28 = arith.constant 0 : index
    %get3A_29 = arith.constant 0 : index
    %get3A_30 = vector.load %arg3[%get3A_28, %get3A_29] : memref<1x128xf32, #tpu.memory_space<vmem>>, vector<1x128xf32>
    %mul3A_31 = arith.mulf %rsqrt3A, %get3A_30 : vector<1x128xf32>
    %mul3A_32 = vector.broadcast %mul3A_31 : vector<1x128xf32> to vector<10000x128xf32>
    %mul3A_33 = arith.mulf %sub3A_24, %mul3A_32 : vector<10000x128xf32>
    %get3A_34 = arith.constant 0 : index
    %get3A_35 = arith.constant 0 : index
    %get3A_36 = vector.load %arg4[%get3A_34, %get3A_35] : memref<1x128xf32, #tpu.memory_space<vmem>>, vector<1x128xf32>
    %add3A_37 = vector.broadcast %get3A_36 : vector<1x128xf32> to vector<10000x128xf32>
    %add3A_38 = arith.addf %mul3A_33, %add3A_37 : vector<10000x128xf32>
    %get3A_39 = arith.constant 0 : index
    %get3A_40 = arith.constant 0 : index
    %get3A_41 = vector.load %arg0[%get3A_39, %get3A_40] : memref<10000x128xf32, #tpu.memory_space<vmem>>, vector<10000x128xf32>
    %max3A = arith.constant 0.000000e+00 : f32
    %max3A_42 = vector.broadcast %max3A : f32 to vector<10000x128xf32>
    %max3A_43 = arith.maximumf %add3A_38, %max3A_42 : vector<10000x128xf32>
    %add3A_44 = arith.addf %get3A_41, %max3A_43 : vector<10000x128xf32>
    %swap3A = arith.constant 0 : index
    %swap3A_45 = arith.constant 0 : index
    %swap3A_46 = vector.load %arg5[%swap3A, %swap3A_45] : memref<10000x128xf32, #tpu.memory_space<vmem>>, vector<10000x128xf32>
    tpu.vector_store %arg5[%swap3A, %swap3A_45], %add3A_44 {strides = array<i32>} : memref<10000x128xf32, #tpu.memory_space<vmem>>, vector<10000x128xf32>,
    return
  }
}

</mosaic_0001>

<sc_bundles>
// kernel: kernel.5.cloned.1.call-start
scs
__scs_entry_jumppad:
0x0: {  	(pc) =	sbr.rel $0x88, $3  }
0x1: {  	(tag) =	ssettag $0x0;
	lr =	simm.s32 $0x1  }
0x2: {  	[smem:$0x3F98] =	sst lr;
	_ =	strace $0xD0000000  }
0x3: {  	_ = 	snop  }
0x4: {  	_ = 	snop  }
0x5: {  	_ = 	snop  }
0x6: {  	_ = 	snop  }
0x7: {  	_ = 	snop  }
__scs_overlays_trampoline_lowered:
0x8: {  	[smem:$0x3FA7] =	sst s0  }
0x9: {  	[smem:$0x3FA8] =	sst s1  }
0xa: {  	[smem:$0x3FA9] =	sst s2  }
0xb: {  	[smem:$0x3FAA] =	sst s3  }
0xc: {  	[smem:$0x3FAB] =	sst s4  }
0xd: {  	[smem:$0x3FAC] =	sst s5  }
0xe: {  	[smem:$0x3FAD] =	sst s6  }
0xf: {  	[smem:$0x3FAE] =	sst s7  }
0x10: {  	[smem:$0x3FAF] =	sst s8  }
0x11: {  	[smem:$0x3FB0] =	sst s9;
	s0 =	simm.s32 @!p0 $0x0  }
0x12: {  	s1 =	sld [smem:$0x3F96];
	s0 =	simm.s32 @p0 $0x1  }
0x13: {  	[smem:$0x3FB1] =	sst s0;
	s0 =	simm.s32 @!p1 $0x0  }
0x14: {  	s2 =	sld [smem:$0x3F95];
	s0 =	simm.s32 @p1 $0x1  }
0x15: {  	[smem:$0x3FB2] =	sst s0;
	s0 =	simm.s32 @!p2 $0x0  }
0x16: {  	s3 =	sld [smem:$0x3FDB];
	s0 =	simm.s32 @p2 $0x1  }
0x17: {  	s4 =	simm.s32 $0x1BF5;
	[smem:$0x3FB4] =	sst s0  }
0x18: {  	s0 =	sld [smem:$0x3F97];
	_ =	swait.ge [sflag:s4], $0x0  }
0x19: {  	s7 =	sld [smem:$0x3F98]  }
0x1a: {  	s8 =	sadd.s32 $0xFFFFE003, lr  }
0x1b: {  	s9 =	sadd.s32 $0xFFFFFEF7, lr;
	s5 =	simm.s32 $0xFFFFFFFF;
	p2 =	slt.u32 s8, $0xFFFFF086  }
0x1c: {  	p1 =	slt.u32 s9, $0xF7A;
	s5 =	simm.s32 @!p2 $0x0  }
0x1d: {  	s5 =	simm.s32 @p1 $0x1;
	p0 =	seq.s32 s7, s2  }
0x1e: {  	s7 =	smul.u32 @!p0 $0xF7A, s2;
	p2 =	seq.s32 @!p0 s5, $0x0  }
0x1f: {  	s9 =	smul.u32 $0xF7A, s1;
	s8 =	simm.s32 @!p0 $0x1BF5;
	p2 =	por !p2, p0  }
0x20: {  	[sflag:s8] =	ssyncset.s32 @!p0 $0xFFFFF086;
	s6 =	sadd.s32 @!p0 s3, s7;
	s7 =	simm.s32 @!p0 $0x108  }
0x21: {  	s3 =	sadd.s32 s3, s9;
	s6 =	sadd.s32 @!p0 $0x88, s6;
	s7 =	simm.s32 @p2 $0x1082  }
0x22: {  	[simem:s7], [sflag:s8] =	dma.local @!p0 [hbm:s6], $0xF7A  }
0x23: {  	s9 =	sor.u32 $0xD0000000, s2;
	s6 =	simm.s32 $0x108;
	_ =	swait.ge @!p0 [sflag:s8], $0x0  }
0x24: {  	s3 =	sadd.s32 $0x88, s3;
	s6 =	simm.s32 @!p1 $0x1082;
	[sflag:s4] =	ssyncset.s32 $0xFFFFF086  }
0x25: {  	[simem:s6], [sflag:s4] =	dma.local [hbm:s3], $0xF7A  }
0x26: {  	[smem:$0x3F98] =	sst s1;
	(tag) =	ssettag s2;
	_ =	strace s9  }
0x27: {  	s1 =	sld [smem:$0x3FA8]  }
0x28: {  	s2 =	sld [smem:$0x3FA9]  }
0x29: {  	s4 =	sld [smem:$0x3FAB]  }
0x2a: {  	p0 =	seq.s32 s5, $0x0;
	s5 =	sld [smem:$0x3FAC]  }
0x2b: {  	s6 =	sld [smem:$0x3FAD]  }
0x2c: {  	s7 =	sld [smem:$0x3FAE]  }
0x2d: {  	s3 =	simm.s32 $0x108;
	s8 =	sld [smem:$0x3FAF]  }
0x2e: {  	s3 =	simm.s32 @!p0 $0x1082;
	s9 =	sld [smem:$0x3FB0]  }
0x2f: {  	lr =	sadd.s32 s0, s3;
	s0 =	sld [smem:$0x3FA7]  }
0x30: {  	s3 =	sld [smem:$0x3FAA]  }
0x31: {  	[smem:$0x3FB3] =	sst s10  }
0x32: {  	s10 =	sld [smem:$0x3FB1];
	_ =	sdelay $0x3  }
0x33: {  	p0 =	seq.s32 s10, $0x1;
	s10 =	sld [smem:$0x3FB3];
	_ =	sdelay $0x3  }
0x34: {  	[smem:$0x3FB3] =	sst s10  }
0x35: {  	s10 =	sld [smem:$0x3FB2];
	_ =	sdelay $0x3  }
0x36: {  	p1 =	seq.s32 s10, $0x1;
	s10 =	sld [smem:$0x3FB3];
	_ =	sdelay $0x3  }
0x37: {  	[smem:$0x3FB3] =	sst s10  }
0x38: {  	s10 =	sld [smem:$0x3FB4]  }
0x39: {  	_ = 	snop;
	(pc) =	sbr.ind lr, $3  }
0x3a: {  	_ = 	snop  }
0x3b: {  	_ = 	snop  }
0x3c: {  	p2 =	seq.s32 s10, $0x1;
	s10 =	sld [smem:$0x3FB3]  }
0x3d: {  	_ =	shalt  }
0x3e: {  	_ =	shalt  }
0x3f: {  	_ =	shalt  }
0x40: {  	_ =	shalt  }
0x41: {  	_ =	shalt  }
0x42: {  	_ =	shalt  }
0x43: {  	_ =	shalt  }
0x44: {  	_ =	shalt  }
0x45: {  	_ =	shalt  }
0x46: {  	_ =	shalt  }
0x47: {  	_ =	shalt  }
0x48: {  	_ =	shalt  }
0x49: {  	_ =	shalt  }
0x4a: {  	_ =	shalt  }
0x4b: {  	_ =	shalt  }
0x4c: {  	_ =	shalt  }
0x4d: {  	_ =	shalt  }
0x4e: {  	_ =	shalt  }
0x4f: {  	_ =	shalt  }
0x50: {  	_ =	shalt  }
0x51: {  	_ =	shalt  }
0x52: {  	_ =	shalt  }
0x53: {  	_ =	shalt  }
0x54: {  	_ =	shalt  }
0x55: {  	_ =	shalt  }
0x56: {  	_ =	shalt  }
0x57: {  	_ =	shalt  }
0x58: {  	_ =	shalt  }
0x59: {  	_ =	shalt  }
0x5a: {  	_ =	shalt  }
0x5b: {  	_ =	shalt  }
0x5c: {  	_ =	shalt  }
0x5d: {  	_ =	shalt  }
0x5e: {  	_ =	shalt  }
0x5f: {  	_ =	shalt  }
0x60: {  	_ =	shalt  }
0x61: {  	_ =	shalt  }
0x62: {  	_ =	shalt  }
0x63: {  	_ =	shalt  }
0x64: {  	_ =	shalt  }
0x65: {  	_ =	shalt  }
0x66: {  	_ =	shalt  }
0x67: {  	_ =	shalt  }
0x68: {  	_ =	shalt  }
0x69: {  	_ =	shalt  }
0x6a: {  	_ =	shalt  }
0x6b: {  	_ =	shalt  }
0x6c: {  	_ =	shalt  }
0x6d: {  	_ =	shalt  }
0x6e: {  	_ =	shalt  }
0x6f: {  	_ =	shalt  }
0x70: {  	_ =	shalt  }
0x71: {  	_ =	shalt  }
0x72: {  	_ =	shalt  }
0x73: {  	_ =	shalt  }
0x74: {  	_ =	shalt  }
0x75: {  	_ =	shalt  }
0x76: {  	_ =	shalt  }
0x77: {  	_ =	shalt  }
0x78: {  	_ =	shalt  }
0x79: {  	_ =	shalt  }
0x7a: {  	_ =	shalt  }
0x7b: {  	_ =	shalt  }
0x7c: {  	_ =	shalt  }
0x7d: {  	_ =	shalt  }
0x7e: {  	_ =	shalt  }
0x7f: {  	_ =	shalt  }
0x80: {  	_ =	shalt  }
0x81: {  	_ =	shalt  }
0x82: {  	_ =	shalt  }
0x83: {  	_ =	shalt  }
0x84: {  	_ =	shalt  }
0x85: {  	_ =	shalt  }
0x86: {  	_ =	shalt  }
0x87: {  	_ =	shalt  }
.Lfunc_end0:
.L_simem_size_0:
called_computation_lowered:
.L_overlay_start_0:
0x88: {  	s2 =	sld [smem:$0x3FD9]  }
0x89: {  	s3 =	sld [smem:$0x3FFE];
	_ =	sdelay $0x1  }
0x8a: {  	s1 =	srdreg.scid  }
0x8b: {  	s0 =	sand.u32 $0x1, s1  }
0x8c: {  	s15 =	sshll.u32 s0, $0xA;
	s2 =	sadd.s32 s3, s2  }
0x8d: {  	s2 =	sadd.s32 s2, s15  }
0x8e: {  	[smem:$0x3FBF] =	sst s2  }
0x8f: {  	_ = 	snop  }
0x90: {  	s2 =	sld [smem:$0x3FD0];
	_ =	sdelay $0x2  }
0x91: {  	s4 =	simm.s32 $0xA;
	s5 =	simm.s32 $0x10;
	s16 =	sld [smem:$0x3FC8]  }
0x92: {  	[smem:s5], [sflag:s4] =	dma.local [hbm:s2], $0x1  }
0x93: {  	_ =	swait.eq [sflag:s4], $0x1  }
0x94: {  	[sflag:s4] =	ssyncset.done $0x0  }
0x95: {  	s17 =	sld [smem:$0x10];
	[sflag:s4] =	ssyncadd.s32 $0xFFFFFFFF  }
0x96: {  	s18 =	sld [smem:$0x11];
	(tm) =	ssettm $0x1  }
0x97: {  	s19 =	sld [smem:$0x3FFB];
	_ =	sdelay $0x3  }
0x98: {  	_ =	strace s19  }
0x99: {  	s5 =	sld [smem:$0x3FFC];
	_ =	sdelay $0x3  }
0x9a: {  	_ =	strace s5  }
0x9b: {  	s5 =	sld [smem:$0x3FFD];
	_ =	sdelay $0x3  }
0x9c: {  	_ =	strace s5  }
0x9d: {  	_ =	strace $0x8FFFFFFF  }
0x9e: {  	s20 =	sld [smem:$0x3FDB];
	_ =	sdelay $0x1  }
0x9f: {  	s6 =	simm.s32 $_scs_section_size  }
0xa0: {  	s7 =	simm.s32 $_size__tile_overlayer_lowered;
	s8 =	simm.s32 $_tile_overlayer_lowered  }
0xa1: {  	s23 =	simm.s32 $0x1BFF;
	s22 =	sshll.u32 s8, $0x1;
	s5 =	sadd.s32 s6, s20  }
0xa2: {  	s9 =	simm.s32 $0x0;
	s21 =	sshll.u32 s7, $0x1;
	s7 =	sadd.s32 s22, s5  }
0xa3: {  	[timem:s9], [sflag:s23] =	dma.local [hbm:s7], s21  }
0xa4: {  	_ =	swait.ge [sflag:s23], s21  }
0xa5: {  	s6 =	ssub.s32 $0x0, s21;
	[sflag:s23] =	ssyncset.done $0x0  }
0xa6: {  	[sflag:s23] =	ssyncadd.s32 s6;
	_ =	sdelay $0x1  }
0xa7: {  	s24 =	simm.s32 $0x1B8B  }
0xa8: {  	_ =	swait.ge [sflag:s24], $0x1  }
0xa9: {  	[sflag:s24] =	ssyncset.done $0x0  }
0xaa: {  	s25 =	simm.s32 $0x1B8E;
	[sflag:s24] =	ssyncadd.s32 $0xFFFFFFFF  }
0xab: {  	s26 =	simm.s32 $execute0_lowered;
	[smem:$0x3FD2] =	sst s25  }
0xac: {  	s6 =	sshll.u32 s26, $0x1;
	_ =	strace $0x80000046;
	[dreg:$0x1] =	wrdreg $0xFFFFFFFF  }
0xad: {  	s28 =	simm.s32 $_size_execute0_lowered;
	s5 =	sadd.s32 s5, s6;
	[dreg:$0x0] =	wrdreg $0x0  }
0xae: {  	s6 =	sshll.u32 s28, $0x1;
	[dreg:$0x2] =	wrdreg s5  }
0xaf: {  	[dreg:$0x3] =	wrdreg s6  }
0xb0: {  	[dreg:$0x4] =	wrdreg $0xC0  }
0xb1: {  	_ =	task [dreg:s9], $0x5FFFF  }
0xb2: {  	[dreg:$0x1] =	wrdreg $0xFFFFFFFF  }
0xb3: {  	[dreg:$0x0] =	wrdreg $0x60  }
0xb4: {  	[dreg:$0x2] =	wrdreg s17  }
0xb5: {  	[dreg:$0x3] =	wrdreg s16  }
0xb6: {  	[dreg:$0x4] =	wrdreg s18  }
0xb7: {  	[dreg:$0x5] =	wrdreg $0x84000  }
0xb8: {  	[dreg:$0x6] =	wrdreg $0x9  }
0xb9: {  	_ =	task.clear_ibuf [dreg:s9], $0x7FFFF;
	_ =	strace $0x90000046  }
0xba: {  	s29 =	simm.s32 $0x9;
	_ =	strace $0x80000048  }
0xbb: {  	_ =	swait.ge [sflag:s29], $0x1  }
0xbc: {  	[sflag:s29] =	ssyncadd.s32 $0xFFFFFFFF  }
0xbd: {  	_ =	strace $0x90000048  }
0xbe: {  	_ =	sfence  }
0xbf: {  	s30 =	sld [smem:$0x0];
	_ =	sdelay $0x2  }
0xc0: {  	s31 =	sshll.u32 s1, $0xD;
	s1 =	sshrl.u32 s1, $0x2  }
0xc1: {  	s3 =	sand.u32 $0x4000, s31;
	s1 =	sadd.s32 s1, s30  }
0xc2: {  	s0 =	sor.u32 s3, s0;
	s1 =	sshll.u32 s1, $0x11  }
0xc3: {  	s0 =	sor.u32 s1, s0  }
0xc4: {  	s0 =	sadd.s32 $0x8F2B, s0  }
0xc5: {  	[sflag:s0] =	ssyncadd.remote.s32 $0x1  }
0xc6: {  	_ =	sfence.sel $0xFFFF  }
0xc7: {  	[dreg:$0x0] =	wrdreg $0xFFFFFFFF;
	(pc) =	sbr.abs _section_cstart, $3  }
0xc8: {  	[dreg:$0x1] =	wrdreg $0xFFFFFFFF  }
0xc9: {  	_ =	task.clear_ibuf [dreg:s9], $0x2FFFF;
	_ =	strace $0x9FFFFFFF  }
0xca: {  	(tm) =	ssettm $0x7FFFFFFF  }
0xcb: {  	_ =	shalt  }
tec
execute0_lowered:
.L_overlay_start_1:
0x0: {  	(tag) =	ssettag $0x1  }
0x1: {  	s1 =	rddreg [dreg:$0x0]  }
0x2: {  	s0 =	rddreg [dreg:$0x1]  }
0x3: {  	s2 =	rddreg [dreg:$0x2]  }
0x4: {  	s3 =	rddreg [dreg:$0x3];
	s4 =	simm.s32 $0x0;
	s5 =	srdreg.scid  }
0x5: {  	s14 =	stileid.u32;
	s18 =	simm.s32 $0x380;
	s30 =	simm.s32 $0x400  }
0x6: {  	s31 =	simm.s32 $0x9;
	[smem:$0x7FF] =	sst s4;
	s19 =	smul.u32 $0x50000, s14  }
0x7: {  	s7 =	sand.u32 $0x1, s5;
	s21 =	smul.u32 $0x14000, s14;
	_ =	strace $0x80000047  }
0x8: {  	s6 =	ssub.s32 $0x2, s7;
	s8 =	sshll.u32 s7, $0x4;
	s20 =	smul.u32 $0x140000, s7  }
0x9: {  	s7 =	smul.u32 $0x500, s7;
	[dreg:$0x9] =	wrdreg s18;
	s9 =	sshrl.u32 s6, $0x1  }
0xa: {  	s8 =	sor.u32 s14, s8;
	s5 =	sshrl.u32 s19, $0x2;
	s14 =	smul.u32 $0x50, s14  }
0xb: {  	s16 =	sadd.s32 $0xC000, s21;
	s9 =	ssub.s32 s6, s9;
	s10 =	smul.u32 $0xA00, s8  }
0xc: {  	p0 =	seq.s32 s8, $0x1F;
	s6 =	simm.s32 $0x14;
	s12 =	sadd.s32 s20, s21  }
0xd: {  	s5 =	sadd.s32 s5, s3;
	s6 =	simm.s32 @!p0 $0x50;
	s12 =	sshrl.u32 s12, $0x3  }
0xe: {  	s7 =	sadd.s32 s14, s7;
	s28 =	sadd.s32 $0xC000, s5;
	s13 =	sadd.s32 s0, s10  }
0xf: {  	s29 =	sadd.s32 $0x10000, s5;
	s26 =	sadd.s32 $0xFFFFFFFE, s6;
	[dreg:$0xa] =	wrdreg s13  }
0x10: {  	s10 =	sadd.s32 $0x10000, s21;
	s11 =	sadd.s32 $0x10, s13;
	[dreg:$0x5] =	wrdreg s26  }
0x11: {  	s7 =	sshll.u32 s7, $0x5;
	s23 =	sadd.s32 $0x20, s13;
	[dreg:$0xb] =	wrdreg s11  }
0x12: {  	s19 =	sadd.s32 $0xFFFFFFFF, s6;
	s24 =	sadd.s32 $0x30, s13;
	[dreg:$0xc] =	wrdreg s23  }
0x13: {  	s25 =	sadd.s32 $0x40, s13;
	s13 =	sadd.s32 $0x50, s13;
	[dreg:$0xd] =	wrdreg s24  }
0x14: {  	s8 =	sadd.s32 s20, s10;
	s17 =	sadd.s32 s7, s0;
	[dreg:$0xe] =	wrdreg s25  }
0x15: {  	s7 =	sshll.u32 s6, $0x5;
	s0 =	simm.s32 $0x200;
	[dreg:$0xf] =	wrdreg s13  }
0x16: {  	s11 =	sadd.s32 s2, s12;
	s13 =	sadd.s32 $0x4000, s21;
	s23 =	sadd.s32 $0x8000, s21  }
0x17: {  	s24 =	sadd.s32 s20, s16;
	[dreg:$0x6] =	wrdreg s7;
	s14 =	sadd.s32 $0x80, s17  }
0x18: {  	s21 =	sadd.s32 $0x4000, s5;
	[dreg:$0x10] =	wrdreg s11;
	s22 =	sadd.s32 s20, s13  }
0x19: {  	s15 =	sadd.s32 s20, s23;
	s26 =	sshrl.u32 s24, $0x3;
	[dreg:$0x7] =	wrdreg s14  }
0x1a: {  	s20 =	smax.u32 s9, $0x1;
	[dreg:$0x16] =	wrdreg s21;
	s23 =	sadd.s32 s23, s3  }
0x1b: {  	s24 =	sadd.s32 s16, s3;
	s9 =	simm.s32 $0x300;
	[dreg:$0x15] =	wrdreg s20  }
0x1c: {  	s11 =	simm.s32 $0x1;
	s14 =	simm.s32 $0x3;
	[dreg:$0x18] =	wrdreg s23  }
0x1d: {  	s12 =	sshrl.u32 s22, $0x3;
	s22 =	sadd.s32 s13, s3;
	[dreg:$0x19] =	wrdreg s24  }
0x1e: {  	s15 =	sshrl.u32 s15, $0x3;
	s12 =	sadd.s32 s2, s12;
	[dreg:$0x17] =	wrdreg s22  }
0x1f: {  	s16 =	simm.s32 $0x0;
	s25 =	sadd.s32 s2, s15;
	[dreg:$0x11] =	wrdreg s12  }
0x20: {  	s13 =	simm.s32 $0x4400;
	s15 =	sadd.s32 $0xC0, s17;
	[dreg:$0x12] =	wrdreg s25  }
0x21: {  	s12 =	sadd.s32 s2, s26;
	[dreg:$0x8] =	wrdreg s15;
	s25 =	sadd.s32 s10, s3  }
0x22: {  	s26 =	sadd.s32 $0x8000, s5;
	s10 =	simm.s32 $0x5;
	[dreg:$0x13] =	wrdreg s12  }
0x23: {  	s15 =	simm.s32 $0x4;
	s12 =	sshrl.u32 s8, $0x3;
	[dreg:$0x1a] =	wrdreg s25  }
0x24: {  	[dreg:$0x1b] =	wrdreg s26;
	s8 =	simm.s32 $0x280;
	s2 =	sadd.s32 s2, s12  }
0x25: {  	v0 =	vimm.f32 $0.0e+00;
	s12 =	simm.s32 $0x2;
	[dreg:$0x14] =	wrdreg s2;
	s2 =	simm.s32 $0x80  }
.LBB2_1:
0x26: {  	s7 =	sand.u32 $0xFE00, s4  }
0x27: {  	s18 =	sand.u32 $0x70, s4;
	s20 =	sshrl.u32 s7, $0x2  }
0x28: {  	s7 =	simm.s32 $0x40;
	s20 =	sor.u32 s18, s20;
	s18 =	simm.s32 $0x0  }
.LBB2_2:
0x29: {  	p0 =	sne.s32 s7, $0xFFC0  }
0x2a: {  	[tilespmem:s20+$0x400] =	vst v0;
	s18 =	sadd.s32 $0x10, s18;
	s20 =	smov.u32 s7;
	s7 =	sadd.s32 $0x40, s7  }
.Ltmp0:
0x2b: {  	(pc) =	sbr.rel @p0 .LBB2_2-.Ltmp0, $4  }
0x2c: {  	_ = 	snop  }
0x2d: {  	s20 =	sand.u32 $0xFE00, s20  }
0x2e: {  	s21 =	sand.u32 $0x70, s18;
	s20 =	sshrl.u32 s20, $0x2  }
0x2f: {  	s20 =	sor.u32 s21, s20  }
0x30: {  	[tilespmem:s20+$0x400] =	vst v0  }
0x31: {  	[spmem:s5] =	stream.linear.scatter [tilespmem:s30], [sflag:$0x9], $0x4000, $0x38;
	[tilespmem:$0x1C400] =	vst v63  }
0x32: {  	_ =	swait.ge [sflag:s31], $0x4000  }
0x33: {  	[sflag:s31] =	ssyncset.done $0x0  }
0x34: {  	s7 =	rddreg [dreg:$0x16];
	[sflag:s31] =	ssyncadd.s32 $0xFFFFC000  }
0x35: {  	[spmem:s7] =	stream.linear.scatter [tilespmem:s30], [sflag:$0x9], $0x4000, $0x38;
	[tilespmem:$0x1C400] =	vst v63  }
0x36: {  	_ =	swait.ge [sflag:s31], $0x4000  }
0x37: {  	[sflag:s31] =	ssyncset.done $0x0  }
0x38: {  	s20 =	rddreg [dreg:$0x1b];
	[sflag:s31] =	ssyncadd.s32 $0xFFFFC000  }
0x39: {  	[spmem:s20] =	stream.linear.scatter [tilespmem:s30], [sflag:$0x9], $0x4000, $0x38;
	[tilespmem:$0x1C400] =	vst v63  }
0x3a: {  	_ =	swait.ge [sflag:s31], $0x4000  }
0x3b: {  	[sflag:s31] =	ssyncset.done $0x0  }
0x3c: {  	[sflag:s31] =	ssyncadd.s32 $0xFFFFC000  }
0x3d: {  	[spmem:s28] =	stream.linear.scatter [tilespmem:s30], [sflag:$0x9], $0x4000, $0x38;
	[tilespmem:$0x1C400] =	vst v63  }
0x3e: {  	_ =	swait.ge [sflag:s31], $0x4000  }
0x3f: {  	[sflag:s31] =	ssyncset.done $0x0  }
0x40: {  	[sflag:s31] =	ssyncadd.s32 $0xFFFFC000  }
0x41: {  	[spmem:s29] =	stream.linear.scatter [tilespmem:s30], [sflag:$0x9], $0x4000, $0x38;
	[tilespmem:$0x1C400] =	vst v63  }
0x42: {  	_ =	swait.ge [sflag:s31], $0x4000  }
0x43: {  	[sflag:s31] =	ssyncset.done $0x0  }
0x44: {  	[sflag:s31] =	ssyncadd.s32 $0xFFFFC000  }
0x45: {  	[bflag:$0x0] =	sbarrier.arrive $0xFFFF  }
0x46: {  	s20 =	simm.s32 $0x0;
	s21 =	rddreg [dreg:$0xa]  }
0x47: {  	[tilespmem:s20], [sflag:$0x5] =	stream.linear.gather [hbm4b:s21+s20], $0x80, $0x38;
	[tilespmem:$0x1C400] =	vst v63  }
0x48: {  	s22 =	rddreg [dreg:$0xb]  }
0x49: {  	[tilespmem:s0], [sflag:$0x5] =	stream.linear.gather [hbm4b:s22+s20], $0x80, $0x38;
	[tilespmem:$0x1C400] =	vst v63  }
0x4a: {  	s23 =	rddreg [dreg:$0xc]  }
0x4b: {  	[tilespmem:s2], [sflag:$0x6] =	stream.linear.gather [hbm4b:s23+s20], $0x80, $0x38;
	[tilespmem:$0x1C400] =	vst v63  }
0x4c: {  	s24 =	rddreg [dreg:$0xd]  }
0x4d: {  	[tilespmem:s8], [sflag:$0x6] =	stream.linear.gather [hbm4b:s24+s20], $0x80, $0x38;
	[tilespmem:$0x1C400] =	vst v63  }
0x4e: {  	s18 =	simm.s32 $0x100;
	s25 =	rddreg [dreg:$0xe]  }
0x4f: {  	[tilespmem:s18], [sflag:$0x7] =	stream.linear.gather [hbm4b:s25+s20], $0x80, $0x38;
	[tilespmem:$0x1C400] =	vst v63  }
0x50: {  	s26 =	rddreg [dreg:$0xf]  }
0x51: {  	[tilespmem:s9], [sflag:$0x7] =	stream.linear.gather [hbm4b:s26+s20], $0x80, $0x38;
	[tilespmem:$0x1C400] =	vst v63  }
0x52: {  	_ =	swait.ge [sflag:s10], $0x80  }
0x53: {  	[sflag:s10] =	ssyncset.done $0x0  }
0x54: {  	[sflag:s10] =	ssyncadd.s32 $0xFFFFFF80  }
0x55: {  	_ =	swait.ge [sflag:s10], $0x80  }
0x56: {  	[sflag:s10] =	ssyncset.done $0x0  }
0x57: {  	s18 =	simm.s32 $0x0;
	[sflag:s10] =	ssyncadd.s32 $0xFFFFFF80  }
0x58: {  	[tilespmem:s30], [sflag:$0x1] =	stream.indirect.gather [hbm4b:s1+s2], $0x80, s20, s2, $0xb8;
	[tilespmem:$0x1C400] =	vst v63  }
.LBB2_4:
0x59: {  	_ =	swait.ge [sflag:s11], $0x4000;
	p0 =	seq.s32 s18, $0x0  }
0x5a: {  	[sflag:s11] =	ssyncset.done $0x0;
	p1 =	sge.u32 @!p0 s20, s19  }
0x5b: {  	[sflag:s11] =	ssyncadd.s32 $0xFFFFC000;
	p1 =	por p1, p0  }
0x5c: {  	[spmem:s3] =	stream.indirect.scatter.add.f32 [tilespmem:s30], [sflag:$0x3], $0x80, s0, s2, $0xb8;
	[tilespmem:$0x1C400] =	vst v63  }
0x5d: {  	s21 =	sadd.s32 $0x3, s20;
	s7 =	simm.s32 @!p1 $0x4  }
0x5e: {  	p0 =	sge.u32 s21, s6;
	_ =	swait.ge @!p1 [sflag:s7], $0x4000  }
0x5f: {  	s21 =	sadd.s32 @!p0 s18, s17;
	s23 =	simm.s32 @!p0 $0x0;
	[sflag:s7] =	ssyncset.done @!p1 $0x0  }
0x60: {  	s22 =	sadd.s32 @!p0 $0x60, s21;
	[sflag:s7] =	ssyncadd.s32 @!p1 $0xFFFFC000;
	s7 =	simm.s32 @!p0 $0x180  }
0x61: {  	[tilespmem:s7], [sflag:$0x8] =	stream.linear.gather @!p0 [hbm4b:s22+s23], $0x80, $0x38;
	[tilespmem:$0x1C400] =	vst v63  }
0x62: {  	s21 =	sadd.s32 @!p0 $0x70, s21;
	p1 =	sge.u32 s20, s19;
	s22 =	simm.s32 @!p0 $0x380  }
0x63: {  	[tilespmem:s22], [sflag:$0x8] =	stream.linear.gather @!p0 [hbm4b:s21+s23], $0x80, $0x38;
	[tilespmem:$0x1C400] =	vst v63  }
0x64: {  	s21 =	simm.s32 @!p1 $0x6  }
0x65: {  	_ =	swait.ge @!p1 [sflag:s21], $0x80  }
0x66: {  	[sflag:s21] =	ssyncset.done @!p1 $0x0  }
0x67: {  	[sflag:s21] =	ssyncadd.s32 @!p1 $0xFFFFFF80  }
0x68: {  	_ =	swait.ge @!p1 [sflag:s21], $0x80  }
0x69: {  	[sflag:s21] =	ssyncset.done @!p1 $0x0  }
0x6a: {  	s22 =	simm.s32 @!p1 $0x4400;
	[sflag:s21] =	ssyncadd.s32 @!p1 $0xFFFFFF80;
	s21 =	simm.s32 @!p1 $0x80  }
0x6b: {  	[tilespmem:s22], [sflag:$0x2] =	stream.indirect.gather @!p1 [hbm4b:s1+s21], $0x80, s21, s21, $0xb8;
	[tilespmem:$0x1C400] =	vst v63  }
0x6c: {  	_ =	swait.ge [sflag:s12], $0x4000  }
0x6d: {  	[sflag:s12] =	ssyncset.done $0x0;
	s25 =	rddreg [dreg:$0x5]  }
0x6e: {  	[sflag:s12] =	ssyncadd.s32 $0xFFFFC000;
	p2 =	sge.u32 s20, s25  }
0x6f: {  	[spmem:s3] =	stream.indirect.scatter.add.f32 [tilespmem:s13], [sflag:$0x4], $0x80, s8, s2, $0xb8;
	[tilespmem:$0x1C400] =	vst v63  }
0x70: {  	s22 =	simm.s32 @!p2 $0x3  }
0x71: {  	s21 =	sadd.s32 $0x4, s20;
	_ =	swait.ge @!p2 [sflag:s22], $0x4000  }
0x72: {  	p1 =	sge.u32 s21, s6;
	s23 =	rddreg [dreg:$0x7];
	[sflag:s22] =	ssyncset.done @!p2 $0x0  }
0x73: {  	[sflag:s22] =	ssyncadd.s32 @!p2 $0xFFFFC000;
	s23 =	sadd.s32 @!p1 s18, s23;
	s22 =	simm.s32 @!p1 $0x0  }
0x74: {  	[tilespmem:s22], [sflag:$0x5] =	stream.linear.gather @!p1 [hbm4b:s23+s22], $0x80, $0x38;
	[tilespmem:$0x1C400] =	vst v63  }
0x75: {  	s24 =	simm.s32 @!p1 $0x200;
	s23 =	sadd.s32 @!p1 $0x10, s23  }
0x76: {  	[tilespmem:s24], [sflag:$0x5] =	stream.linear.gather @!p1 [hbm4b:s23+s22], $0x80, $0x38;
	[tilespmem:$0x1C400] =	vst v63  }
0x77: {  	s23 =	simm.s32 @!p2 $0x7  }
0x78: {  	_ =	swait.ge @!p2 [sflag:s23], $0x80  }
0x79: {  	[sflag:s23] =	ssyncset.done @!p2 $0x0  }
0x7a: {  	[sflag:s23] =	ssyncadd.s32 @!p2 $0xFFFFFF80  }
0x7b: {  	_ =	swait.ge @!p2 [sflag:s23], $0x80  }
0x7c: {  	s25 =	simm.s32 @!p2 $0x400;
	[sflag:s23] =	ssyncset.done @!p2 $0x0  }
0x7d: {  	s24 =	simm.s32 @!p2 $0x100;
	[sflag:s23] =	ssyncadd.s32 @!p2 $0xFFFFFF80;
	s23 =	simm.s32 @!p2 $0x80  }
0x7e: {  	[tilespmem:s25], [sflag:$0x1] =	stream.indirect.gather @!p2 [hbm4b:s1+s23], $0x80, s24, s23, $0xb8;
	[tilespmem:$0x1C400] =	vst v63  }
0x7f: {  	_ =	swait.ge [sflag:s11], $0x4000  }
0x80: {  	[sflag:s11] =	ssyncset.done $0x0  }
0x81: {  	s23 =	simm.s32 @!p0 $0x4;
	[sflag:s11] =	ssyncadd.s32 $0xFFFFC000  }
0x82: {  	[spmem:s3] =	stream.indirect.scatter.add.f32 [tilespmem:s30], [sflag:$0x3], $0x80, s9, s2, $0xb8;
	[tilespmem:$0x1C400] =	vst v63  }
0x83: {  	s26 =	sadd.s32 $0x5, s20;
	_ =	swait.ge @!p0 [sflag:s23], $0x4000  }
0x84: {  	p2 =	sge.u32 s26, s6;
	[sflag:s23] =	ssyncset.done @!p0 $0x0  }
0x85: {  	[sflag:s23] =	ssyncadd.s32 @!p0 $0xFFFFC000;
	s23 =	sadd.s32 @!p2 s18, s17  }
0x86: {  	s25 =	simm.s32 @!p2 $0x0;
	s26 =	simm.s32 @!p2 $0x80;
	s24 =	sadd.s32 @!p2 $0xA0, s23  }
0x87: {  	[tilespmem:s26], [sflag:$0x6] =	stream.linear.gather @!p2 [hbm4b:s24+s25], $0x80, $0x38;
	[tilespmem:$0x1C400] =	vst v63  }
0x88: {  	s23 =	sadd.s32 @!p2 $0xB0, s23;
	s24 =	simm.s32 @!p2 $0x280  }
0x89: {  	[tilespmem:s24], [sflag:$0x6] =	stream.linear.gather @!p2 [hbm4b:s23+s25], $0x80, $0x38;
	[tilespmem:$0x1C400] =	vst v63  }
0x8a: {  	s23 =	simm.s32 @!p0 $0x8  }
0x8b: {  	_ =	swait.ge @!p0 [sflag:s23], $0x80  }
0x8c: {  	[sflag:s23] =	ssyncset.done @!p0 $0x0  }
0x8d: {  	[sflag:s23] =	ssyncadd.s32 @!p0 $0xFFFFFF80  }
0x8e: {  	_ =	swait.ge @!p0 [sflag:s23], $0x80  }
0x8f: {  	[sflag:s23] =	ssyncset.done @!p0 $0x0  }
0x90: {  	s24 =	simm.s32 @!p0 $0x4400;
	[sflag:s23] =	ssyncadd.s32 @!p0 $0xFFFFFF80;
	s23 =	simm.s32 @!p0 $0x80  }
0x91: {  	[tilespmem:s24], [sflag:$0x2] =	stream.indirect.gather @!p0 [hbm4b:s1+s23], $0x80, s7, s23, $0xb8;
	[tilespmem:$0x1C400] =	vst v63  }
0x92: {  	_ =	swait.ge [sflag:s12], $0x4000  }
0x93: {  	s25 =	sadd.s32 $0x6, s20;
	[sflag:s12] =	ssyncset.done $0x0  }
0x94: {  	s7 =	simm.s32 @!p1 $0x3;
	s24 =	rddreg [dreg:$0x9];
	[sflag:s12] =	ssyncadd.s32 $0xFFFFC000  }
0x95: {  	[spmem:s3] =	stream.indirect.scatter.add.f32 [tilespmem:s13], [sflag:$0x4], $0x80, s24, s2, $0xb8;
	[tilespmem:$0x1C400] =	vst v63  }
0x96: {  	p0 =	sge.u32 s25, s6;
	_ =	swait.ge @!p1 [sflag:s7], $0x4000  }
0x97: {  	s20 =	simm.s32 @!p0 $0x0;
	s23 =	rddreg [dreg:$0x8];
	[sflag:s7] =	ssyncset.done @!p1 $0x0  }
0x98: {  	[sflag:s7] =	ssyncadd.s32 @!p1 $0xFFFFC000;
	s7 =	sadd.s32 @!p0 s18, s23;
	s23 =	simm.s32 @!p0 $0x100  }
0x99: {  	[tilespmem:s23], [sflag:$0x7] =	stream.linear.gather @!p0 [hbm4b:s7+s20], $0x80, $0x38;
	[tilespmem:$0x1C400] =	vst v63  }
0x9a: {  	s7 =	sadd.s32 @!p0 $0x10, s7;
	s23 =	simm.s32 @!p0 $0x300  }
0x9b: {  	[tilespmem:s23], [sflag:$0x7] =	stream.linear.gather @!p0 [hbm4b:s7+s20], $0x80, $0x38;
	[tilespmem:$0x1C400] =	vst v63  }
0x9c: {  	s7 =	simm.s32 @!p1 $0x5  }
0x9d: {  	_ =	swait.ge @!p1 [sflag:s7], $0x80  }
0x9e: {  	[sflag:s7] =	ssyncset.done @!p1 $0x0  }
0x9f: {  	[sflag:s7] =	ssyncadd.s32 @!p1 $0xFFFFFF80  }
0xa0: {  	_ =	swait.ge @!p1 [sflag:s7], $0x80  }
0xa1: {  	s18 =	sadd.s32 $0x80, s18;
	s26 =	rddreg [dreg:$0x6]  }
0xa2: {  	p0 =	sne.s32 s26, s18  }
.Ltmp1:
0xa3: {  	_ = 	snop;
	(pc) =	sbr.rel @p0 .LBB2_4-.Ltmp1, $4  }
0xa4: {  	[sflag:s7] =	ssyncset.done @!p1 $0x0  }
0xa5: {  	s20 =	simm.s32 @!p1 $0x400;
	[sflag:s7] =	ssyncadd.s32 @!p1 $0xFFFFFF80;
	s7 =	simm.s32 @!p1 $0x80  }
0xa6: {  	[tilespmem:s20], [sflag:$0x1] =	stream.indirect.gather @!p1 [hbm4b:s1+s7], $0x80, s22, s7, $0xb8;
	[tilespmem:$0x1C400] =	vst v63  }
0xa7: {  	s20 =	smov.u32 s21  }
0xa8: {  	_ =	swait.ge [sflag:s14], $0x4000  }
0xa9: {  	[sflag:s14] =	ssyncset.done $0x0  }
0xaa: {  	[sflag:s14] =	ssyncadd.s32 $0xFFFFC000  }
0xab: {  	_ =	swait.ge [sflag:s15], $0x4000  }
0xac: {  	[sflag:s15] =	ssyncset.done $0x0  }
0xad: {  	[sflag:s15] =	ssyncadd.s32 $0xFFFFC000  }
0xae: {  	[bflag:$0x0] =	sbarrier.arrive $0xFFFF  }
0xaf: {  	[tilespmem:s30], [sflag:$0x9] =	stream.linear.gather [spmem:s5], $0x4000, $0x38;
	[tilespmem:$0x1C400] =	vst v63  }
0xb0: {  	_ =	swait.ge [sflag:s31], $0x4000  }
0xb1: {  	[sflag:s31] =	ssyncset.done $0x0  }
0xb2: {  	s7 =	rddreg [dreg:$0x10];
	[sflag:s31] =	ssyncadd.s32 $0xFFFFC000  }
0xb3: {  	[hbm4b:s7+s4] =	stream.linear.scatter [tilespmem:s30], [sflag:$0x9], $0x4000, $0x38;
	[tilespmem:$0x1C400] =	vst v63  }
0xb4: {  	_ =	swait.ge [sflag:s31], $0x4000  }
0xb5: {  	[sflag:s31] =	ssyncset.done $0x0  }
0xb6: {  	s26 =	rddreg [dreg:$0x17];
	[sflag:s31] =	ssyncadd.s32 $0xFFFFC000  }
0xb7: {  	[tilespmem:s30], [sflag:$0x9] =	stream.linear.gather [spmem:s26], $0x4000, $0x38;
	[tilespmem:$0x1C400] =	vst v63  }
0xb8: {  	_ =	swait.ge [sflag:s31], $0x4000  }
0xb9: {  	[sflag:s31] =	ssyncset.done $0x0  }
0xba: {  	s18 =	rddreg [dreg:$0x11];
	[sflag:s31] =	ssyncadd.s32 $0xFFFFC000  }
0xbb: {  	[hbm4b:s18+s4] =	stream.linear.scatter [tilespmem:s30], [sflag:$0x9], $0x4000, $0x38;
	[tilespmem:$0x1C400] =	vst v63  }
0xbc: {  	_ =	swait.ge [sflag:s31], $0x4000  }
0xbd: {  	[sflag:s31] =	ssyncset.done $0x0  }
0xbe: {  	s20 =	rddreg [dreg:$0x18];
	[sflag:s31] =	ssyncadd.s32 $0xFFFFC000  }
0xbf: {  	[tilespmem:s30], [sflag:$0x9] =	stream.linear.gather [spmem:s20], $0x4000, $0x38;
	[tilespmem:$0x1C400] =	vst v63  }
0xc0: {  	_ =	swait.ge [sflag:s31], $0x4000  }
0xc1: {  	[sflag:s31] =	ssyncset.done $0x0  }
0xc2: {  	s21 =	rddreg [dreg:$0x12];
	[sflag:s31] =	ssyncadd.s32 $0xFFFFC000  }
0xc3: {  	[hbm4b:s21+s4] =	stream.linear.scatter [tilespmem:s30], [sflag:$0x9], $0x4000, $0x38;
	[tilespmem:$0x1C400] =	vst v63  }
0xc4: {  	_ =	swait.ge [sflag:s31], $0x4000  }
0xc5: {  	[sflag:s31] =	ssyncset.done $0x0  }
0xc6: {  	s22 =	rddreg [dreg:$0x19];
	[sflag:s31] =	ssyncadd.s32 $0xFFFFC000  }
0xc7: {  	[tilespmem:s30], [sflag:$0x9] =	stream.linear.gather [spmem:s22], $0x4000, $0x38;
	[tilespmem:$0x1C400] =	vst v63  }
0xc8: {  	_ =	swait.ge [sflag:s31], $0x4000  }
0xc9: {  	[sflag:s31] =	ssyncset.done $0x0  }
0xca: {  	s23 =	rddreg [dreg:$0x13];
	[sflag:s31] =	ssyncadd.s32 $0xFFFFC000  }
0xcb: {  	[hbm4b:s23+s4] =	stream.linear.scatter [tilespmem:s30], [sflag:$0x9], $0x4000, $0x38;
	[tilespmem:$0x1C400] =	vst v63  }
0xcc: {  	_ =	swait.ge [sflag:s31], $0x4000  }
0xcd: {  	[sflag:s31] =	ssyncset.done $0x0  }
0xce: {  	s24 =	rddreg [dreg:$0x1a];
	[sflag:s31] =	ssyncadd.s32 $0xFFFFC000  }
0xcf: {  	[tilespmem:s30], [sflag:$0x9] =	stream.linear.gather [spmem:s24], $0x4000, $0x38;
	[tilespmem:$0x1C400] =	vst v63  }
0xd0: {  	_ =	swait.ge [sflag:s31], $0x4000  }
0xd1: {  	[sflag:s31] =	ssyncset.done $0x0  }
0xd2: {  	s25 =	rddreg [dreg:$0x14];
	[sflag:s31] =	ssyncadd.s32 $0xFFFFC000  }
0xd3: {  	[hbm4b:s25+s4] =	stream.linear.scatter [tilespmem:s30], [sflag:$0x9], $0x4000, $0x38;
	[tilespmem:$0x1C400] =	vst v63  }
0xd4: {  	_ =	swait.ge [sflag:s31], $0x4000  }
0xd5: {  	s16 =	sadd.s32 $0x1, s16;
	s26 =	rddreg [dreg:$0x15]  }
0xd6: {  	p0 =	sne.s32 s16, s26  }
.Ltmp2:
0xd7: {  	_ = 	snop;
	(pc) =	sbr.rel @p0 .LBB2_1-.Ltmp2, $3  }
0xd8: {  	_ =	sdelay $0x1  }
0xd9: {  	[sflag:s31] =	ssyncset.done $0x0  }
0xda: {  	[sflag:s31] =	ssyncadd.s32 $0xFFFFC000  }
0xdb: {  	_ =	sfence.sel $0x180000  }
0xdc: {  	[bflag:$0x0] =	sbarrier.arrive $0xFFFF  }
0xdd: {  	_ =	strace $0x90000047  }
0xde: {  	s0 =	stileid.u32;
	[bflag:$0x2] =	sbarrier.arrive $0xFFFF  }
0xdf: {  	p0 =	sne.s32 s0, $0x0;
	s0 =	rddreg [dreg:$0x4]  }
0xe0: {  	s0 =	sadd.s32 @!p0 $0x100000, s0  }
0xe1: {  	[sflag:s0] =	ssyncadd.tile.s32 @!p0 $0x1;
	_ =	shalt  }
.Lfunc_end2:
_tile_overlayer_lowered:
.L_overlay_start_2:
0xe2: {  	(tag) =	ssettag $0x2  }
0xe3: {  	s0 =	rddreg [dreg:$0x0];
	s2 =	stileid.u32  }
0xe4: {  	s1 =	rddreg [dreg:$0x1];
	p0 =	sne.s32 s2, $0x0  }
0xe5: {  	s3 =	rddreg [dreg:$0x2];
	[bflag:$0x3] =	sbarrier.arrive $0xFFFF;
	s2 =	simm.s32 @!p0 $0x1C09  }
0xe6: {  	[timem:s3], [sflag:s2] =	dma.local @!p0 [hbm:s0], s1  }
0xe7: {  	s0 =	simm.s32 @!p0 $0x9  }
0xe8: {  	_ =	swait.ge @!p0 [sflag:s0], s1  }
0xe9: {  	s1 =	ssub.s32 @!p0 $0x0, s1;
	[sflag:s0] =	ssyncset.done @!p0 $0x0  }
0xea: {  	[sflag:s0] =	ssyncadd.s32 @!p0 s1  }
0xeb: {  	[bflag:$0x3] =	sbarrier.arrive $0xFFFF  }
0xec: {  	_ =	shalt  }

</sc_bundles>
